<compile_context>
chip_gen: v7x
topology: tpu7x:2x2x1
jax: 0.10.2.dev20260603
libtpu: 0.0.44.dev20260713+nightly
codegen_flags: <defaults>
</compile_context>

<pallas_src>
import functools

import jax
import jax.numpy as jnp
from jax import lax
from jax.experimental import pallas as pl
from jax.experimental.pallas import tpu as pltpu
from jax.experimental.pallas import tpu_sc as plsc

BATCH = 4096
SEQ = 200
VOCAB = 1000000
EMB = 64
HIDDEN = 256
CLASSES = 16

NUM_CORES = 2
NUM_SUBCORES = 16
LANES = 16
NW = NUM_CORES * NUM_SUBCORES
ROWS_PER_W = BATCH // NW
NBUF = 4
SPLIT = 128
REST = SEQ - SPLIT

FULL_COLS = VOCAB // 128
TAIL_ROWS = VOCAB - FULL_COLS * 128
COLS_BASE = FULL_COLS // NW
COLS_EXTRA = FULL_COLS - COLS_BASE * NW

_mesh = plsc.VectorSubcoreMesh(
    core_axis_name="c", subcore_axis_name="s",
    num_cores=NUM_CORES, num_subcores=NUM_SUBCORES)


@functools.partial(
    pl.kernel,
    mesh=_mesh,
    compiler_params=pltpu.CompilerParams(use_tc_tiling_on_sc=True,
                                         needs_layout_passes=False),
    out_type=jax.ShapeDtypeStruct((VOCAB * EMB,), jnp.float32),
    scratch_types=[
        pltpu.VMEM((2, EMB, 128), jnp.float32),
        pltpu.VMEM((2 * 128 * EMB,), jnp.float32),
        pltpu.VMEM((TAIL_ROWS * EMB,), jnp.float32),
        [pltpu.SemaphoreType.DMA] * 2,
        [pltpu.SemaphoreType.DMA] * 2,
    ],
)
def _repack(tblt_hbm, tail_hbm, out_hbm, in_v, stage_v, tail_v,
            in_sems, out_sems):
    wid = lax.axis_index("s") * NUM_CORES + lax.axis_index("c")
    start = wid * COLS_BASE + lax.min(wid, COLS_EXTRA)
    count = COLS_BASE + jnp.where(wid < COLS_EXTRA, 1, 0)

    def issue_in(c, slot):
        pltpu.make_async_copy(
            tblt_hbm.at[:, pl.ds(c * 128, 128)],
            in_v.at[slot],
            in_sems[slot]).start()

    def wait_in(slot):
        pltpu.make_async_copy(
            tblt_hbm.at[:, pl.ds(0, 128)], in_v.at[slot],
            in_sems[slot]).wait()

    def wait_out(slot):
        pltpu.make_async_copy(
            stage_v.at[pl.ds(slot * 128 * EMB, 128 * EMB)],
            out_hbm.at[pl.ds(0, 128 * EMB)],
            out_sems[slot]).wait()

    iota16 = lax.iota(jnp.int32, LANES)

    def transpose_col(i, c, slot):
        def row_body(l, _):
            lsplat = jnp.full((LANES,), l, jnp.int32)
            for a in range(EMB // LANES):
                v = plsc.load_gather(
                    in_v.at[slot], [iota16 + LANES * a, lsplat])
                stage_v[pl.ds(slot * 128 * EMB + l * EMB + LANES * a,
                              LANES)] = v
            return 0
        lax.fori_loop(0, 128, row_body, 0)
        pltpu.make_async_copy(
            stage_v.at[pl.ds(slot * 128 * EMB, 128 * EMB)],
            out_hbm.at[pl.ds(c * 128 * EMB, 128 * EMB)],
            out_sems[slot]).start()

    @pl.when(count > 0)
    def _():
        issue_in(start, 0)

    @pl.when(count > 1)
    def _():
        issue_in(start + 1, 1)

    def outer(j, _):
        for b in range(2):
            i = j * 2 + b

            @pl.when(i < count)
            def _():
                wait_in(b)

                @pl.when(i >= 2)
                def _():
                    wait_out(b)

                transpose_col(i, start + i, b)

                @pl.when(i + 2 < count)
                def _():
                    issue_in(start + i + 2, b)
        return 0

    lax.fori_loop(0, (COLS_BASE + 2) // 2, outer, 0)
    wait_out(0)
    wait_out(1)

    @pl.when(wid == 0)
    def _():
        pltpu.sync_copy(tail_hbm, tail_v)
        pltpu.sync_copy(
            tail_v, out_hbm.at[pl.ds(FULL_COLS * 128 * EMB,
                                     TAIL_ROWS * EMB)])


@functools.partial(
    pl.kernel,
    mesh=_mesh,
    compiler_params=pltpu.CompilerParams(use_tc_tiling_on_sc=False),
    out_type=jax.ShapeDtypeStruct((BATCH, EMB), jnp.float32),
    scratch_types=[
        pltpu.VMEM((ROWS_PER_W, SEQ), jnp.int32),
        pltpu.VMEM((NBUF, SEQ, EMB), jnp.float32),
        pltpu.VMEM((ROWS_PER_W, EMB), jnp.float32),
        [pltpu.SemaphoreType.DMA] * NBUF,
    ],
)
def _pool(x_hbm, table_hbm, out_hbm, idx_v, rows_v, pool_v, sems):
    wid = lax.axis_index("s") * NUM_CORES + lax.axis_index("c")
    base = wid * ROWS_PER_W

    pltpu.sync_copy(x_hbm.at[pl.ds(base, ROWS_PER_W)], idx_v)

    def issue(r, slot):
        pltpu.make_async_copy(
            table_hbm.at[idx_v.at[r, pl.ds(0, SPLIT)]],
            rows_v.at[slot, pl.ds(0, SPLIT)],
            sems[slot]).start()
        pltpu.make_async_copy(
            table_hbm.at[idx_v.at[r, pl.ds(SPLIT, REST)]],
            rows_v.at[slot, pl.ds(SPLIT, REST)],
            sems[slot]).start()

    def wait_slot(slot):
        pltpu.make_async_copy(
            table_hbm.at[pl.ds(0, SEQ)], rows_v.at[slot], sems[slot]).wait()

    def reduce_row(slot, r):
        def body(i, accs):
            return tuple(accs[c] + rows_v[slot, i, pl.ds(LANES * c, LANES)]
                         for c in range(EMB // LANES))
        zero = jnp.zeros((LANES,), jnp.float32)
        accs = lax.fori_loop(0, SEQ, body, (zero,) * (EMB // LANES),
                             unroll=8)
        for c in range(EMB // LANES):
            pool_v[r, pl.ds(LANES * c, LANES)] = accs[c] * (1.0 / SEQ)

    for p in range(NBUF - 1):
        issue(p, p)

    def outer(g, _):
        for b in range(NBUF):
            r = g * NBUF + b
            nxt = r + NBUF - 1

            @pl.when(nxt < ROWS_PER_W)
            def _():
                issue(nxt, (b + NBUF - 1) % NBUF)

            wait_slot(b)
            reduce_row(b, r)
        return 0

    lax.fori_loop(0, ROWS_PER_W // NBUF, outer, 0)
    pltpu.sync_copy(pool_v, out_hbm.at[pl.ds(base, ROWS_PER_W)])


def _mlp_body(x_ref, w1_ref, b1_ref, w2_ref, b2_ref, o_ref):
    h = jnp.dot(x_ref[...], w1_ref[...],
                preferred_element_type=jnp.float32) + b1_ref[...]
    logits = jnp.dot(h, w2_ref[...],
                     preferred_element_type=jnp.float32) + b2_ref[...]
    m = jnp.max(logits, axis=-1, keepdims=True)
    e = jnp.exp(logits - m)
    o_ref[...] = e / jnp.sum(e, axis=-1, keepdims=True)


_mlp = pl.pallas_call(
    _mlp_body,
    out_shape=jax.ShapeDtypeStruct((BATCH, CLASSES), jnp.float32),
)


def kernel(x, emb_table, W1, b1, W2, b2):
    xi = x.astype(jnp.int32)
    tblt = emb_table.T
    tail = emb_table[FULL_COLS * 128:].reshape(-1)
    packed = _repack(tblt, tail)
    pooled = _pool(xi, packed.reshape(VOCAB, EMB))
    return _mlp(pooled, W1, b1.reshape(1, HIDDEN), W2, b2.reshape(1, CLASSES))

# --- scband reference (transcript-rebuilt; emitter-appended) ---
"""Pipeline reference for scband-fast-text-41360535060803 (READ-ONLY COPY).

The authoritative reference and input builder live on the scoring server;
editing this copy changes nothing except your own understanding.
"""

import jax, jax.numpy as jnp
import numpy as np

BATCH = 4096
SEQ = 200
VOCAB = 1000000
EMB = 64
HIDDEN = 256
CLASSES = 16


def setup_inputs(seed: int = 0) -> dict:
    key = jax.random.key(seed)
    k1, k2, k3, k4, k5, k6 = jax.random.split(key, 6)
    x = jax.random.randint(k1, (BATCH, SEQ), 0, VOCAB, dtype=jnp.int64 if jax.config.jax_enable_x64 else jnp.int32)
    emb_table = jax.random.normal(k2, (VOCAB, EMB), dtype=jnp.float32) * 0.02
    W1 = jax.random.normal(k3, (EMB, HIDDEN), dtype=jnp.float32) * (1.0 / np.sqrt(EMB))
    b1 = jax.random.normal(k4, (HIDDEN,), dtype=jnp.float32) * 0.01
    W2 = jax.random.normal(k5, (HIDDEN, CLASSES), dtype=jnp.float32) * (1.0 / np.sqrt(HIDDEN))
    b2 = jax.random.normal(k6, (CLASSES,), dtype=jnp.float32) * 0.01
    return {"x": x, "emb_table": emb_table, "W1": W1, "b1": b1, "W2": W2, "b2": b2}


def reference(x, emb_table, W1, b1, W2, b2):
    # embedding lookup: [B, S] -> [B, S, E]
    e = jnp.take(emb_table, x, axis=0)
    # mean over sentence length
    h = e.mean(axis=1)
    # fc1 -> fc2 -> softmax (nn.Softmax() on 2D tensor applies over dim=1)
    h = h @ W1 + b1
    logits = h @ W2 + b2
    return jax.nn.softmax(logits, axis=-1)

if __name__ == "__main__":
    import jax
    _d = setup_inputs()
    print(jax.jit(kernel)(*tuple(_d.values())))

</pallas_src>

<mosaic_0001>
#map = affine_map<(d0, d1) -> (0, 0)>
#map1 = affine_map<(d0, d1) -> (0)>
module attributes {stable_mosaic.version = 14 : i64} {
  func.func @_repack(%arg0: i32, %arg1: i32, %arg2: memref<64x1000000xf32, #tpu.memory_space<hbm>>, %arg3: memref<4096xf32, #tpu.memory_space<hbm>>, %arg4: memref<64000000xf32, #tpu.memory_space<hbm>>, %arg5: memref<2x64x128xf32, #tpu.memory_space<vmem>>, %arg6: memref<16384xf32, #tpu.memory_space<vmem>>, %arg7: memref<4096xf32, #tpu.memory_space<vmem>>, %arg8: memref<!tpu.dma_semaphore, #tpu.memory_space<semaphore_mem>>, %arg9: memref<!tpu.dma_semaphore, #tpu.memory_space<semaphore_mem>>, %arg10: memref<!tpu.dma_semaphore, #tpu.memory_space<semaphore_mem>>, %arg11: memref<!tpu.dma_semaphore, #tpu.memory_space<semaphore_mem>>) attributes {dimension_semantics = [#tpu.dimension_semantics<core_parallel>, #tpu.dimension_semantics<subcore_parallel>], iteration_bounds = array<i64: 2, 16>, scalar_prefetch = 0 : i64, scratch_operands = 7 : i64, tpu.core_type = #tpu.core_type<sc_vector_subcore>, window_params = [{transform_indices = #map}, {transform_indices = #map1}, {transform_indices = #map1}]} {
    %mul3A = arith.constant 2 : i32
    %mul3A_0 = arith.muli %arg1, %mul3A : i32
    %add3A = arith.addi %mul3A_0, %arg0 : i32
    %mul3A_1 = arith.constant 244 : i32
    %mul3A_2 = arith.muli %add3A, %mul3A_1 : i32
    %min3A = arith.constant 4 : i32
    %min3A_3 = arith.minsi %add3A, %min3A : i32
    %add3A_4 = arith.addi %mul3A_2, %min3A_3 : i32
    %lt3A = arith.constant 4 : i32
    %lt3A_5 = arith.cmpi slt, %add3A, %lt3A : i32
    %jit3A = arith.constant 1 : i32
    %jit3A_6 = arith.constant 0 : i32
    %select_n3A = arith.select %lt3A_5, %jit3A, %jit3A_6 : i32
    %add3A_7 = arith.constant 244 : i32
    %add3A_8 = arith.addi %add3A_7, %select_n3A : i32
    %iota3A = tpu.iota {dimensions = array<i32: 0>} : vector<16xi32>
    %gt3A = arith.constant 0 : i32
    %gt3A_9 = arith.cmpi sgt, %add3A_8, %gt3A : i32
    %convert_element_type3A = arith.extui %gt3A_9 : i1 to i32
    %cond3A = arith.constant 0 : i32
    %cond3A_10 = arith.cmpi ne, %convert_element_type3A, %cond3A : i32
    scf.if %cond3A_10 {
      %mul3A_41 = arith.constant 128 : i32
      %mul3A_42 = arith.muli %add3A_4, %mul3A_41 : i32
      %dma_start3A = arith.constant 0 : i32
      %dma_start3A_43 = arith.constant 0 : i32
      %dma_start3A_44 = arith.constant 0 : i32
      %dma_start3A_45 = tpu.memref_slice %arg5[%dma_start3A, %dma_start3A_43, %dma_start3A_44] : memref<2x64x128xf32, #tpu.memory_space<vmem>> -> memref<1x64x128xf32, #tpu.memory_space<vmem>>
      %dma_start3A_46 = tpu.memref_squeeze %dma_start3A_45 : memref<1x64x128xf32, #tpu.memory_space<vmem>> -> memref<64x128xf32, #tpu.memory_space<vmem>>
      %dma_start3A_47 = arith.constant 0 : i32
      %dma_start3A_48 = tpu.memref_slice %arg2[%dma_start3A_47, %mul3A_42] : memref<64x1000000xf32, #tpu.memory_space<hbm>> -> memref<64x128xf32, #tpu.memory_space<hbm>>
      %dma_start3A_49 = arith.constant 0 : i32
      %dma_start3A_50 = arith.constant 0 : i32
      %dma_start3A_51 = tpu.memref_slice %arg5[%dma_start3A, %dma_start3A_49, %dma_start3A_50] : memref<2x64x128xf32, #tpu.memory_space<vmem>> -> memref<1x64x128xf32, #tpu.memory_space<vmem>>
      %dma_start3A_52 = tpu.memref_squeeze %dma_start3A_51 : memref<1x64x128xf32, #tpu.memory_space<vmem>> -> memref<64x128xf32, #tpu.memory_space<vmem>>
      %dma_start3A_53 = arith.constant 0 : i32
      %dma_start3A_54 = tpu.memref_slice %arg2[%dma_start3A_53, %mul3A_42] : memref<64x1000000xf32, #tpu.memory_space<hbm>> -> memref<64x128xf32, #tpu.memory_space<hbm>>
      tpu.enqueue_dma source(%dma_start3A_54 : memref<64x128xf32, #tpu.memory_space<hbm>>) target(%dma_start3A_52 : memref<64x128xf32, #tpu.memory_space<vmem>>) target_semaphore(%arg8 : memref<!tpu.dma_semaphore, #tpu.memory_space<semaphore_mem>>)
    } else {
    }
    %gt3A_11 = arith.constant 1 : i32
    %gt3A_12 = arith.cmpi sgt, %add3A_8, %gt3A_11 : i32
    %convert_element_type3A_13 = arith.extui %gt3A_12 : i1 to i32
    %cond3A_14 = arith.constant 0 : i32
    %cond3A_15 = arith.cmpi ne, %convert_element_type3A_13, %cond3A_14 : i32
    scf.if %cond3A_15 {
      %add3A_41 = arith.constant 1 : i32
      %add3A_42 = arith.addi %add3A_4, %add3A_41 : i32
      %mul3A_43 = arith.constant 128 : i32
      %mul3A_44 = arith.muli %add3A_42, %mul3A_43 : i32
      %dma_start3A = arith.constant 1 : i32
      %dma_start3A_45 = arith.constant 0 : i32
      %dma_start3A_46 = arith.constant 0 : i32
      %dma_start3A_47 = tpu.memref_slice %arg5[%dma_start3A, %dma_start3A_45, %dma_start3A_46] : memref<2x64x128xf32, #tpu.memory_space<vmem>> -> memref<1x64x128xf32, #tpu.memory_space<vmem>>
      %dma_start3A_48 = tpu.memref_squeeze %dma_start3A_47 : memref<1x64x128xf32, #tpu.memory_space<vmem>> -> memref<64x128xf32, #tpu.memory_space<vmem>>
      %dma_start3A_49 = arith.constant 0 : i32
      %dma_start3A_50 = tpu.memref_slice %arg2[%dma_start3A_49, %mul3A_44] : memref<64x1000000xf32, #tpu.memory_space<hbm>> -> memref<64x128xf32, #tpu.memory_space<hbm>>
      %dma_start3A_51 = arith.constant 0 : i32
      %dma_start3A_52 = arith.constant 0 : i32
      %dma_start3A_53 = tpu.memref_slice %arg5[%dma_start3A, %dma_start3A_51, %dma_start3A_52] : memref<2x64x128xf32, #tpu.memory_space<vmem>> -> memref<1x64x128xf32, #tpu.memory_space<vmem>>
      %dma_start3A_54 = tpu.memref_squeeze %dma_start3A_53 : memref<1x64x128xf32, #tpu.memory_space<vmem>> -> memref<64x128xf32, #tpu.memory_space<vmem>>
      %dma_start3A_55 = arith.constant 0 : i32
      %dma_start3A_56 = tpu.memref_slice %arg2[%dma_start3A_55, %mul3A_44] : memref<64x1000000xf32, #tpu.memory_space<hbm>> -> memref<64x128xf32, #tpu.memory_space<hbm>>
      tpu.enqueue_dma source(%dma_start3A_56 : memref<64x128xf32, #tpu.memory_space<hbm>>) target(%dma_start3A_54 : memref<64x128xf32, #tpu.memory_space<vmem>>) target_semaphore(%arg9 : memref<!tpu.dma_semaphore, #tpu.memory_space<semaphore_mem>>)
    } else {
    }
    %scan3A = arith.constant 0 : i32
    %scan3A_16 = arith.constant 0 : i32
    %scan3A_17 = arith.constant 123 : i32
    %scan3A_18 = arith.addi %scan3A_16, %scan3A_17 : i32
    %scan3A_19 = arith.constant 1 : i32
    %scan3A_20 = scf.for %scan3A_41 = %scan3A_16 to %scan3A_18 step %scan3A_19 iter_args(%scan3A_42 = %scan3A) -> (i32)  : i32 {
      %mul3A_43 = arith.constant 2 : i32
      %mul3A_44 = arith.muli %scan3A_41, %mul3A_43 : i32
      %add3A_45 = arith.constant 0 : i32
      %add3A_46 = arith.addi %mul3A_44, %add3A_45 : i32
      %lt3A_47 = arith.cmpi slt, %add3A_46, %add3A_8 : i32
      %convert_element_type3A_48 = arith.extui %lt3A_47 : i1 to i32
      %cond3A_49 = arith.constant 0 : i32
      %cond3A_50 = arith.cmpi ne, %convert_element_type3A_48, %cond3A_49 : i32
      scf.if %cond3A_50 {
        %dma_wait3A_60 = arith.constant 0 : i32
        %dma_wait3A_61 = arith.constant 0 : i32
        %dma_wait3A_62 = arith.constant 0 : i32
        %dma_wait3A_63 = tpu.memref_slice %arg5[%dma_wait3A_60, %dma_wait3A_61, %dma_wait3A_62] : memref<2x64x128xf32, #tpu.memory_space<vmem>> -> memref<1x64x128xf32, #tpu.memory_space<vmem>>
        %dma_wait3A_64 = tpu.memref_squeeze %dma_wait3A_63 : memref<1x64x128xf32, #tpu.memory_space<vmem>> -> memref<64x128xf32, #tpu.memory_space<vmem>>
        %dma_wait3A_65 = arith.constant 0 : i32
        %dma_wait3A_66 = arith.constant 0 : i32
        %dma_wait3A_67 = tpu.memref_slice %arg2[%dma_wait3A_65, %dma_wait3A_66] : memref<64x1000000xf32, #tpu.memory_space<hbm>> -> memref<64x128xf32, #tpu.memory_space<hbm>>
        %dma_wait3A_68 = arith.constant 0 : i32
        %dma_wait3A_69 = arith.constant 0 : i32
        %dma_wait3A_70 = tpu.memref_slice %arg5[%dma_wait3A_60, %dma_wait3A_68, %dma_wait3A_69] : memref<2x64x128xf32, #tpu.memory_space<vmem>> -> memref<1x64x128xf32, #tpu.memory_space<vmem>>
        %dma_wait3A_71 = tpu.memref_squeeze %dma_wait3A_70 : memref<1x64x128xf32, #tpu.memory_space<vmem>> -> memref<64x128xf32, #tpu.memory_space<vmem>>
        %dma_wait3A_72 = arith.constant 0 : i32
        %dma_wait3A_73 = arith.constant 0 : i32
        %dma_wait3A_74 = tpu.memref_slice %arg2[%dma_wait3A_72, %dma_wait3A_73] : memref<64x1000000xf32, #tpu.memory_space<hbm>> -> memref<64x128xf32, #tpu.memory_space<hbm>>
        tpu.wait_dma2 semaphore(%arg8 : memref<!tpu.dma_semaphore, #tpu.memory_space<semaphore_mem>>) src(%dma_wait3A_74 : memref<64x128xf32, #tpu.memory_space<hbm>>) dst(%dma_wait3A_71 : memref<64x128xf32, #tpu.memory_space<vmem>>)
        %ge3A = arith.constant 2 : i32
        %ge3A_75 = arith.cmpi sge, %add3A_46, %ge3A : i32
        %convert_element_type3A_76 = arith.extui %ge3A_75 : i1 to i32
        %cond3A_77 = arith.constant 0 : i32
        %cond3A_78 = arith.cmpi ne, %convert_element_type3A_76, %cond3A_77 : i32
        scf.if %cond3A_78 {
          %dma_wait3A_102 = arith.constant 0 : i32
          %dma_wait3A_103 = tpu.memref_slice %arg6[%dma_wait3A_102] : memref<16384xf32, #tpu.memory_space<vmem>> -> memref<8192xf32, #tpu.memory_space<vmem>>
          %dma_wait3A_104 = arith.constant 0 : i32
          %dma_wait3A_105 = tpu.memref_slice %arg4[%dma_wait3A_104] : memref<64000000xf32, #tpu.memory_space<hbm>> -> memref<8192xf32, #tpu.memory_space<hbm>>
          %dma_wait3A_106 = arith.constant 0 : i32
          %dma_wait3A_107 = tpu.memref_slice %arg4[%dma_wait3A_106] : memref<64000000xf32, #tpu.memory_space<hbm>> -> memref<8192xf32, #tpu.memory_space<hbm>>
          %dma_wait3A_108 = arith.constant 0 : i32
          %dma_wait3A_109 = tpu.memref_slice %arg6[%dma_wait3A_108] : memref<16384xf32, #tpu.memory_space<vmem>> -> memref<8192xf32, #tpu.memory_space<vmem>>
          tpu.wait_dma2 semaphore(%arg10 : memref<!tpu.dma_semaphore, #tpu.memory_space<semaphore_mem>>) src(%dma_wait3A_109 : memref<8192xf32, #tpu.memory_space<vmem>>) dst(%dma_wait3A_107 : memref<8192xf32, #tpu.memory_space<hbm>>)
        } else {
        }
        %add3A_79 = arith.addi %add3A_4, %add3A_46 : i32
        %scan3A_80 = arith.constant 0 : i32
        %scan3A_81 = arith.constant 0 : i32
        %scan3A_82 = arith.constant 128 : i32
        %scan3A_83 = arith.addi %scan3A_81, %scan3A_82 : i32
        %scan3A_84 = arith.constant 1 : i32
        %scan3A_85 = scf.for %scan3A_102 = %scan3A_81 to %scan3A_83 step %scan3A_84 iter_args(%scan3A_103 = %scan3A_80) -> (i32)  : i32 {
          %broadcast_in_dim3A = vector.broadcast %scan3A_102 : i32 to vector<16xi32>
          %add3A_104 = arith.constant 0 : i32
          %add3A_105 = vector.broadcast %add3A_104 : i32 to vector<16xi32>
          %add3A_106 = arith.addi %iota3A, %add3A_105 : vector<16xi32>
          %gather3A = arith.constant 0 : i32
          %gather3A_107 = arith.constant 0 : i32
          %gather3A_108 = arith.constant 0 : i32
          %gather3A_109 = tpu.memref_slice %arg5[%gather3A, %gather3A_107, %gather3A_108] : memref<2x64x128xf32, #tpu.memory_space<vmem>> -> memref<1x64x128xf32, #tpu.memory_space<vmem>>
          %gather3A_110 = tpu.memref_squeeze %gather3A_109 : memref<1x64x128xf32, #tpu.memory_space<vmem>> -> memref<64x128xf32, #tpu.memory_space<vmem>>
          %gather3A_111 = tpu.vector_load_idx %gather3A_110[%add3A_106, %broadcast_in_dim3A] : memref<64x128xf32, #tpu.memory_space<vmem>>[vector<16xi32>, vector<16xi32>], vector<16xf32>,
          %mul3A_112 = arith.constant 64 : i32
          %mul3A_113 = arith.muli %scan3A_102, %mul3A_112 : i32
          %add3A_114 = arith.constant 0 : i32
          %add3A_115 = arith.addi %add3A_114, %mul3A_113 : i32
          %add3A_116 = arith.constant 0 : i32
          %add3A_117 = arith.addi %add3A_115, %add3A_116 : i32
          %swap3A = arith.index_cast %add3A_117 : i32 to index
          %swap3A_118 = tpu.vector_load %arg6[%swap3A] {strides = array<i32>} : memref<16384xf32, #tpu.memory_space<vmem>>, vector<16xf32>,
          tpu.vector_store %arg6[%swap3A], %gather3A_111 {strides = array<i32>} : memref<16384xf32, #tpu.memory_space<vmem>>, vector<16xf32>,
          %add3A_119 = arith.constant 16 : i32
          %add3A_120 = vector.broadcast %add3A_119 : i32 to vector<16xi32>
          %add3A_121 = arith.addi %iota3A, %add3A_120 : vector<16xi32>
          %gather3A_122 = arith.constant 0 : i32
          %gather3A_123 = arith.constant 0 : i32
          %gather3A_124 = arith.constant 0 : i32
          %gather3A_125 = tpu.memref_slice %arg5[%gather3A_122, %gather3A_123, %gather3A_124] : memref<2x64x128xf32, #tpu.memory_space<vmem>> -> memref<1x64x128xf32, #tpu.memory_space<vmem>>
          %gather3A_126 = tpu.memref_squeeze %gather3A_125 : memref<1x64x128xf32, #tpu.memory_space<vmem>> -> memref<64x128xf32, #tpu.memory_space<vmem>>
          %gather3A_127 = tpu.vector_load_idx %gather3A_126[%add3A_121, %broadcast_in_dim3A] : memref<64x128xf32, #tpu.memory_space<vmem>>[vector<16xi32>, vector<16xi32>], vector<16xf32>,
          %mul3A_128 = arith.constant 64 : i32
          %mul3A_129 = arith.muli %scan3A_102, %mul3A_128 : i32
          %add3A_130 = arith.constant 0 : i32
          %add3A_131 = arith.addi %add3A_130, %mul3A_129 : i32
          %add3A_132 = arith.constant 16 : i32
          %add3A_133 = arith.addi %add3A_131, %add3A_132 : i32
          %swap3A_134 = arith.index_cast %add3A_133 : i32 to index
          %swap3A_135 = tpu.vector_load %arg6[%swap3A_134] {strides = array<i32>} : memref<16384xf32, #tpu.memory_space<vmem>>, vector<16xf32>,
          tpu.vector_store %arg6[%swap3A_134], %gather3A_127 {strides = array<i32>} : memref<16384xf32, #tpu.memory_space<vmem>>, vector<16xf32>,
          %add3A_136 = arith.constant 32 : i32
          %add3A_137 = vector.broadcast %add3A_136 : i32 to vector<16xi32>
          %add3A_138 = arith.addi %iota3A, %add3A_137 : vector<16xi32>
          %gather3A_139 = arith.constant 0 : i32
          %gather3A_140 = arith.constant 0 : i32
          %gather3A_141 = arith.constant 0 : i32
          %gather3A_142 = tpu.memref_slice %arg5[%gather3A_139, %gather3A_140, %gather3A_141] : memref<2x64x128xf32, #tpu.memory_space<vmem>> -> memref<1x64x128xf32, #tpu.memory_space<vmem>>
          %gather3A_143 = tpu.memref_squeeze %gather3A_142 : memref<1x64x128xf32, #tpu.memory_space<vmem>> -> memref<64x128xf32, #tpu.memory_space<vmem>>
          %gather3A_144 = tpu.vector_load_idx %gather3A_143[%add3A_138, %broadcast_in_dim3A] : memref<64x128xf32, #tpu.memory_space<vmem>>[vector<16xi32>, vector<16xi32>], vector<16xf32>,
          %mul3A_145 = arith.constant 64 : i32
          %mul3A_146 = arith.muli %scan3A_102, %mul3A_145 : i32
          %add3A_147 = arith.constant 0 : i32
          %add3A_148 = arith.addi %add3A_147, %mul3A_146 : i32
          %add3A_149 = arith.constant 32 : i32
          %add3A_150 = arith.addi %add3A_148, %add3A_149 : i32
          %swap3A_151 = arith.index_cast %add3A_150 : i32 to index
          %swap3A_152 = tpu.vector_load %arg6[%swap3A_151] {strides = array<i32>} : memref<16384xf32, #tpu.memory_space<vmem>>, vector<16xf32>,
          tpu.vector_store %arg6[%swap3A_151], %gather3A_144 {strides = array<i32>} : memref<16384xf32, #tpu.memory_space<vmem>>, vector<16xf32>,
          %add3A_153 = arith.constant 48 : i32
          %add3A_154 = vector.broadcast %add3A_153 : i32 to vector<16xi32>
          %add3A_155 = arith.addi %iota3A, %add3A_154 : vector<16xi32>
          %gather3A_156 = arith.constant 0 : i32
          %gather3A_157 = arith.constant 0 : i32
          %gather3A_158 = arith.constant 0 : i32
          %gather3A_159 = tpu.memref_slice %arg5[%gather3A_156, %gather3A_157, %gather3A_158] : memref<2x64x128xf32, #tpu.memory_space<vmem>> -> memref<1x64x128xf32, #tpu.memory_space<vmem>>
          %gather3A_160 = tpu.memref_squeeze %gather3A_159 : memref<1x64x128xf32, #tpu.memory_space<vmem>> -> memref<64x128xf32, #tpu.memory_space<vmem>>
          %gather3A_161 = tpu.vector_load_idx %gather3A_160[%add3A_155, %broadcast_in_dim3A] : memref<64x128xf32, #tpu.memory_space<vmem>>[vector<16xi32>, vector<16xi32>], vector<16xf32>,
          %mul3A_162 = arith.constant 64 : i32
          %mul3A_163 = arith.muli %scan3A_102, %mul3A_162 : i32
          %add3A_164 = arith.constant 0 : i32
          %add3A_165 = arith.addi %add3A_164, %mul3A_163 : i32
          %add3A_166 = arith.constant 48 : i32
          %add3A_167 = arith.addi %add3A_165, %add3A_166 : i32
          %swap3A_168 = arith.index_cast %add3A_167 : i32 to index
          %swap3A_169 = tpu.vector_load %arg6[%swap3A_168] {strides = array<i32>} : memref<16384xf32, #tpu.memory_space<vmem>>, vector<16xf32>,
          tpu.vector_store %arg6[%swap3A_168], %gather3A_161 {strides = array<i32>} : memref<16384xf32, #tpu.memory_space<vmem>>, vector<16xf32>,
          %scan3A_170 = arith.constant 0 : i32
          scf.yield %scan3A_170 : i32
        }
        %scan3A_86 = arith.constant 128 : i32
        %mul3A_87 = arith.constant 128 : i32
        %mul3A_88 = arith.muli %add3A_79, %mul3A_87 : i32
        %mul3A_89 = arith.constant 64 : i32
        %mul3A_90 = arith.muli %mul3A_88, %mul3A_89 : i32
        %dma_start3A = arith.constant 0 : i32
        %dma_start3A_91 = tpu.memref_slice %arg6[%dma_start3A] : memref<16384xf32, #tpu.memory_space<vmem>> -> memref<8192xf32, #tpu.memory_space<vmem>>
        %dma_start3A_92 = tpu.memref_slice %arg4[%mul3A_90] : memref<64000000xf32, #tpu.memory_space<hbm>> -> memref<8192xf32, #tpu.memory_space<hbm>>
        %dma_start3A_93 = tpu.memref_slice %arg4[%mul3A_90] : memref<64000000xf32, #tpu.memory_space<hbm>> -> memref<8192xf32, #tpu.memory_space<hbm>>
        %dma_start3A_94 = arith.constant 0 : i32
        %dma_start3A_95 = tpu.memref_slice %arg6[%dma_start3A_94] : memref<16384xf32, #tpu.memory_space<vmem>> -> memref<8192xf32, #tpu.memory_space<vmem>>
        tpu.enqueue_dma source(%dma_start3A_95 : memref<8192xf32, #tpu.memory_space<vmem>>) target(%dma_start3A_93 : memref<8192xf32, #tpu.memory_space<hbm>>) target_semaphore(%arg10 : memref<!tpu.dma_semaphore, #tpu.memory_space<semaphore_mem>>)
        %add3A_96 = arith.constant 2 : i32
        %add3A_97 = arith.addi %add3A_46, %add3A_96 : i32
        %lt3A_98 = arith.cmpi slt, %add3A_97, %add3A_8 : i32
        %convert_element_type3A_99 = arith.extui %lt3A_98 : i1 to i32
        %cond3A_100 = arith.constant 0 : i32
        %cond3A_101 = arith.cmpi ne, %convert_element_type3A_99, %cond3A_100 : i32
        scf.if %cond3A_101 {
          %add3A_102 = arith.addi %add3A_4, %add3A_46 : i32
          %add3A_103 = arith.constant 2 : i32
          %add3A_104 = arith.addi %add3A_102, %add3A_103 : i32
          %mul3A_105 = arith.constant 128 : i32
          %mul3A_106 = arith.muli %add3A_104, %mul3A_105 : i32
          %dma_start3A_107 = arith.constant 0 : i32
          %dma_start3A_108 = arith.constant 0 : i32
          %dma_start3A_109 = arith.constant 0 : i32
          %dma_start3A_110 = tpu.memref_slice %arg5[%dma_start3A_107, %dma_start3A_108, %dma_start3A_109] : memref<2x64x128xf32, #tpu.memory_space<vmem>> -> memref<1x64x128xf32, #tpu.memory_space<vmem>>
          %dma_start3A_111 = tpu.memref_squeeze %dma_start3A_110 : memref<1x64x128xf32, #tpu.memory_space<vmem>> -> memref<64x128xf32, #tpu.memory_space<vmem>>
          %dma_start3A_112 = arith.constant 0 : i32
          %dma_start3A_113 = tpu.memref_slice %arg2[%dma_start3A_112, %mul3A_106] : memref<64x1000000xf32, #tpu.memory_space<hbm>> -> memref<64x128xf32, #tpu.memory_space<hbm>>
          %dma_start3A_114 = arith.constant 0 : i32
          %dma_start3A_115 = arith.constant 0 : i32
          %dma_start3A_116 = tpu.memref_slice %arg5[%dma_start3A_107, %dma_start3A_114, %dma_start3A_115] : memref<2x64x128xf32, #tpu.memory_space<vmem>> -> memref<1x64x128xf32, #tpu.memory_space<vmem>>
          %dma_start3A_117 = tpu.memref_squeeze %dma_start3A_116 : memref<1x64x128xf32, #tpu.memory_space<vmem>> -> memref<64x128xf32, #tpu.memory_space<vmem>>
          %dma_start3A_118 = arith.constant 0 : i32
          %dma_start3A_119 = tpu.memref_slice %arg2[%dma_start3A_118, %mul3A_106] : memref<64x1000000xf32, #tpu.memory_space<hbm>> -> memref<64x128xf32, #tpu.memory_space<hbm>>
          tpu.enqueue_dma source(%dma_start3A_119 : memref<64x128xf32, #tpu.memory_space<hbm>>) target(%dma_start3A_117 : memref<64x128xf32, #tpu.memory_space<vmem>>) target_semaphore(%arg8 : memref<!tpu.dma_semaphore, #tpu.memory_space<semaphore_mem>>)
        } else {
        }
      } else {
      }
      %mul3A_51 = arith.constant 2 : i32
      %mul3A_52 = arith.muli %scan3A_41, %mul3A_51 : i32
      %add3A_53 = arith.constant 1 : i32
      %add3A_54 = arith.addi %mul3A_52, %add3A_53 : i32
      %lt3A_55 = arith.cmpi slt, %add3A_54, %add3A_8 : i32
      %convert_element_type3A_56 = arith.extui %lt3A_55 : i1 to i32
      %cond3A_57 = arith.constant 0 : i32
      %cond3A_58 = arith.cmpi ne, %convert_element_type3A_56, %cond3A_57 : i32
      scf.if %cond3A_58 {
        %dma_wait3A_60 = arith.constant 1 : i32
        %dma_wait3A_61 = arith.constant 0 : i32
        %dma_wait3A_62 = arith.constant 0 : i32
        %dma_wait3A_63 = tpu.memref_slice %arg5[%dma_wait3A_60, %dma_wait3A_61, %dma_wait3A_62] : memref<2x64x128xf32, #tpu.memory_space<vmem>> -> memref<1x64x128xf32, #tpu.memory_space<vmem>>
        %dma_wait3A_64 = tpu.memref_squeeze %dma_wait3A_63 : memref<1x64x128xf32, #tpu.memory_space<vmem>> -> memref<64x128xf32, #tpu.memory_space<vmem>>
        %dma_wait3A_65 = arith.constant 0 : i32
        %dma_wait3A_66 = arith.constant 0 : i32
        %dma_wait3A_67 = tpu.memref_slice %arg2[%dma_wait3A_65, %dma_wait3A_66] : memref<64x1000000xf32, #tpu.memory_space<hbm>> -> memref<64x128xf32, #tpu.memory_space<hbm>>
        %dma_wait3A_68 = arith.constant 0 : i32
        %dma_wait3A_69 = arith.constant 0 : i32
        %dma_wait3A_70 = tpu.memref_slice %arg5[%dma_wait3A_60, %dma_wait3A_68, %dma_wait3A_69] : memref<2x64x128xf32, #tpu.memory_space<vmem>> -> memref<1x64x128xf32, #tpu.memory_space<vmem>>
        %dma_wait3A_71 = tpu.memref_squeeze %dma_wait3A_70 : memref<1x64x128xf32, #tpu.memory_space<vmem>> -> memref<64x128xf32, #tpu.memory_space<vmem>>
        %dma_wait3A_72 = arith.constant 0 : i32
        %dma_wait3A_73 = arith.constant 0 : i32
        %dma_wait3A_74 = tpu.memref_slice %arg2[%dma_wait3A_72, %dma_wait3A_73] : memref<64x1000000xf32, #tpu.memory_space<hbm>> -> memref<64x128xf32, #tpu.memory_space<hbm>>
        tpu.wait_dma2 semaphore(%arg9 : memref<!tpu.dma_semaphore, #tpu.memory_space<semaphore_mem>>) src(%dma_wait3A_74 : memref<64x128xf32, #tpu.memory_space<hbm>>) dst(%dma_wait3A_71 : memref<64x128xf32, #tpu.memory_space<vmem>>)
        %ge3A = arith.constant 2 : i32
        %ge3A_75 = arith.cmpi sge, %add3A_54, %ge3A : i32
        %convert_element_type3A_76 = arith.extui %ge3A_75 : i1 to i32
        %cond3A_77 = arith.constant 0 : i32
        %cond3A_78 = arith.cmpi ne, %convert_element_type3A_76, %cond3A_77 : i32
        scf.if %cond3A_78 {
          %dma_wait3A_102 = arith.constant 8192 : i32
          %dma_wait3A_103 = tpu.memref_slice %arg6[%dma_wait3A_102] : memref<16384xf32, #tpu.memory_space<vmem>> -> memref<8192xf32, #tpu.memory_space<vmem>>
          %dma_wait3A_104 = arith.constant 0 : i32
          %dma_wait3A_105 = tpu.memref_slice %arg4[%dma_wait3A_104] : memref<64000000xf32, #tpu.memory_space<hbm>> -> memref<8192xf32, #tpu.memory_space<hbm>>
          %dma_wait3A_106 = arith.constant 0 : i32
          %dma_wait3A_107 = tpu.memref_slice %arg4[%dma_wait3A_106] : memref<64000000xf32, #tpu.memory_space<hbm>> -> memref<8192xf32, #tpu.memory_space<hbm>>
          %dma_wait3A_108 = arith.constant 8192 : i32
          %dma_wait3A_109 = tpu.memref_slice %arg6[%dma_wait3A_108] : memref<16384xf32, #tpu.memory_space<vmem>> -> memref<8192xf32, #tpu.memory_space<vmem>>
          tpu.wait_dma2 semaphore(%arg11 : memref<!tpu.dma_semaphore, #tpu.memory_space<semaphore_mem>>) src(%dma_wait3A_109 : memref<8192xf32, #tpu.memory_space<vmem>>) dst(%dma_wait3A_107 : memref<8192xf32, #tpu.memory_space<hbm>>)
        } else {
        }
        %add3A_79 = arith.addi %add3A_4, %add3A_54 : i32
        %scan3A_80 = arith.constant 0 : i32
        %scan3A_81 = arith.constant 0 : i32
        %scan3A_82 = arith.constant 128 : i32
        %scan3A_83 = arith.addi %scan3A_81, %scan3A_82 : i32
        %scan3A_84 = arith.constant 1 : i32
        %scan3A_85 = scf.for %scan3A_102 = %scan3A_81 to %scan3A_83 step %scan3A_84 iter_args(%scan3A_103 = %scan3A_80) -> (i32)  : i32 {
          %broadcast_in_dim3A = vector.broadcast %scan3A_102 : i32 to vector<16xi32>
          %add3A_104 = arith.constant 0 : i32
          %add3A_105 = vector.broadcast %add3A_104 : i32 to vector<16xi32>
          %add3A_106 = arith.addi %iota3A, %add3A_105 : vector<16xi32>
          %gather3A = arith.constant 1 : i32
          %gather3A_107 = arith.constant 0 : i32
          %gather3A_108 = arith.constant 0 : i32
          %gather3A_109 = tpu.memref_slice %arg5[%gather3A, %gather3A_107, %gather3A_108] : memref<2x64x128xf32, #tpu.memory_space<vmem>> -> memref<1x64x128xf32, #tpu.memory_space<vmem>>
          %gather3A_110 = tpu.memref_squeeze %gather3A_109 : memref<1x64x128xf32, #tpu.memory_space<vmem>> -> memref<64x128xf32, #tpu.memory_space<vmem>>
          %gather3A_111 = tpu.vector_load_idx %gather3A_110[%add3A_106, %broadcast_in_dim3A] : memref<64x128xf32, #tpu.memory_space<vmem>>[vector<16xi32>, vector<16xi32>], vector<16xf32>,
          %mul3A_112 = arith.constant 64 : i32
          %mul3A_113 = arith.muli %scan3A_102, %mul3A_112 : i32
          %add3A_114 = arith.constant 8192 : i32
          %add3A_115 = arith.addi %add3A_114, %mul3A_113 : i32
          %add3A_116 = arith.constant 0 : i32
          %add3A_117 = arith.addi %add3A_115, %add3A_116 : i32
          %swap3A = arith.index_cast %add3A_117 : i32 to index
          %swap3A_118 = tpu.vector_load %arg6[%swap3A] {strides = array<i32>} : memref<16384xf32, #tpu.memory_space<vmem>>, vector<16xf32>,
          tpu.vector_store %arg6[%swap3A], %gather3A_111 {strides = array<i32>} : memref<16384xf32, #tpu.memory_space<vmem>>, vector<16xf32>,
          %add3A_119 = arith.constant 16 : i32
          %add3A_120 = vector.broadcast %add3A_119 : i32 to vector<16xi32>
          %add3A_121 = arith.addi %iota3A, %add3A_120 : vector<16xi32>
          %gather3A_122 = arith.constant 1 : i32
          %gather3A_123 = arith.constant 0 : i32
          %gather3A_124 = arith.constant 0 : i32
          %gather3A_125 = tpu.memref_slice %arg5[%gather3A_122, %gather3A_123, %gather3A_124] : memref<2x64x128xf32, #tpu.memory_space<vmem>> -> memref<1x64x128xf32, #tpu.memory_space<vmem>>
          %gather3A_126 = tpu.memref_squeeze %gather3A_125 : memref<1x64x128xf32, #tpu.memory_space<vmem>> -> memref<64x128xf32, #tpu.memory_space<vmem>>
          %gather3A_127 = tpu.vector_load_idx %gather3A_126[%add3A_121, %broadcast_in_dim3A] : memref<64x128xf32, #tpu.memory_space<vmem>>[vector<16xi32>, vector<16xi32>], vector<16xf32>,
          %mul3A_128 = arith.constant 64 : i32
          %mul3A_129 = arith.muli %scan3A_102, %mul3A_128 : i32
          %add3A_130 = arith.constant 8192 : i32
          %add3A_131 = arith.addi %add3A_130, %mul3A_129 : i32
          %add3A_132 = arith.constant 16 : i32
          %add3A_133 = arith.addi %add3A_131, %add3A_132 : i32
          %swap3A_134 = arith.index_cast %add3A_133 : i32 to index
          %swap3A_135 = tpu.vector_load %arg6[%swap3A_134] {strides = array<i32>} : memref<16384xf32, #tpu.memory_space<vmem>>, vector<16xf32>,
          tpu.vector_store %arg6[%swap3A_134], %gather3A_127 {strides = array<i32>} : memref<16384xf32, #tpu.memory_space<vmem>>, vector<16xf32>,
          %add3A_136 = arith.constant 32 : i32
          %add3A_137 = vector.broadcast %add3A_136 : i32 to vector<16xi32>
          %add3A_138 = arith.addi %iota3A, %add3A_137 : vector<16xi32>
          %gather3A_139 = arith.constant 1 : i32
          %gather3A_140 = arith.constant 0 : i32
          %gather3A_141 = arith.constant 0 : i32
          %gather3A_142 = tpu.memref_slice %arg5[%gather3A_139, %gather3A_140, %gather3A_141] : memref<2x64x128xf32, #tpu.memory_space<vmem>> -> memref<1x64x128xf32, #tpu.memory_space<vmem>>
          %gather3A_143 = tpu.memref_squeeze %gather3A_142 : memref<1x64x128xf32, #tpu.memory_space<vmem>> -> memref<64x128xf32, #tpu.memory_space<vmem>>
          %gather3A_144 = tpu.vector_load_idx %gather3A_143[%add3A_138, %broadcast_in_dim3A] : memref<64x128xf32, #tpu.memory_space<vmem>>[vector<16xi32>, vector<16xi32>], vector<16xf32>,
          %mul3A_145 = arith.constant 64 : i32
          %mul3A_146 = arith.muli %scan3A_102, %mul3A_145 : i32
          %add3A_147 = arith.constant 8192 : i32
          %add3A_148 = arith.addi %add3A_147, %mul3A_146 : i32
          %add3A_149 = arith.constant 32 : i32
          %add3A_150 = arith.addi %add3A_148, %add3A_149 : i32
          %swap3A_151 = arith.index_cast %add3A_150 : i32 to index
          %swap3A_152 = tpu.vector_load %arg6[%swap3A_151] {strides = array<i32>} : memref<16384xf32, #tpu.memory_space<vmem>>, vector<16xf32>,
          tpu.vector_store %arg6[%swap3A_151], %gather3A_144 {strides = array<i32>} : memref<16384xf32, #tpu.memory_space<vmem>>, vector<16xf32>,
          %add3A_153 = arith.constant 48 : i32
          %add3A_154 = vector.broadcast %add3A_153 : i32 to vector<16xi32>
          %add3A_155 = arith.addi %iota3A, %add3A_154 : vector<16xi32>
          %gather3A_156 = arith.constant 1 : i32
          %gather3A_157 = arith.constant 0 : i32
          %gather3A_158 = arith.constant 0 : i32
          %gather3A_159 = tpu.memref_slice %arg5[%gather3A_156, %gather3A_157, %gather3A_158] : memref<2x64x128xf32, #tpu.memory_space<vmem>> -> memref<1x64x128xf32, #tpu.memory_space<vmem>>
          %gather3A_160 = tpu.memref_squeeze %gather3A_159 : memref<1x64x128xf32, #tpu.memory_space<vmem>> -> memref<64x128xf32, #tpu.memory_space<vmem>>
          %gather3A_161 = tpu.vector_load_idx %gather3A_160[%add3A_155, %broadcast_in_dim3A] : memref<64x128xf32, #tpu.memory_space<vmem>>[vector<16xi32>, vector<16xi32>], vector<16xf32>,
          %mul3A_162 = arith.constant 64 : i32
          %mul3A_163 = arith.muli %scan3A_102, %mul3A_162 : i32
          %add3A_164 = arith.constant 8192 : i32
          %add3A_165 = arith.addi %add3A_164, %mul3A_163 : i32
          %add3A_166 = arith.constant 48 : i32
          %add3A_167 = arith.addi %add3A_165, %add3A_166 : i32
          %swap3A_168 = arith.index_cast %add3A_167 : i32 to index
          %swap3A_169 = tpu.vector_load %arg6[%swap3A_168] {strides = array<i32>} : memref<16384xf32, #tpu.memory_space<vmem>>, vector<16xf32>,
          tpu.vector_store %arg6[%swap3A_168], %gather3A_161 {strides = array<i32>} : memref<16384xf32, #tpu.memory_space<vmem>>, vector<16xf32>,
          %scan3A_170 = arith.constant 0 : i32
          scf.yield %scan3A_170 : i32
        }
        %scan3A_86 = arith.constant 128 : i32
        %mul3A_87 = arith.constant 128 : i32
        %mul3A_88 = arith.muli %add3A_79, %mul3A_87 : i32
        %mul3A_89 = arith.constant 64 : i32
        %mul3A_90 = arith.muli %mul3A_88, %mul3A_89 : i32
        %dma_start3A = arith.constant 8192 : i32
        %dma_start3A_91 = tpu.memref_slice %arg6[%dma_start3A] : memref<16384xf32, #tpu.memory_space<vmem>> -> memref<8192xf32, #tpu.memory_space<vmem>>
        %dma_start3A_92 = tpu.memref_slice %arg4[%mul3A_90] : memref<64000000xf32, #tpu.memory_space<hbm>> -> memref<8192xf32, #tpu.memory_space<hbm>>
        %dma_start3A_93 = tpu.memref_slice %arg4[%mul3A_90] : memref<64000000xf32, #tpu.memory_space<hbm>> -> memref<8192xf32, #tpu.memory_space<hbm>>
        %dma_start3A_94 = arith.constant 8192 : i32
        %dma_start3A_95 = tpu.memref_slice %arg6[%dma_start3A_94] : memref<16384xf32, #tpu.memory_space<vmem>> -> memref<8192xf32, #tpu.memory_space<vmem>>
        tpu.enqueue_dma source(%dma_start3A_95 : memref<8192xf32, #tpu.memory_space<vmem>>) target(%dma_start3A_93 : memref<8192xf32, #tpu.memory_space<hbm>>) target_semaphore(%arg11 : memref<!tpu.dma_semaphore, #tpu.memory_space<semaphore_mem>>)
        %add3A_96 = arith.constant 2 : i32
        %add3A_97 = arith.addi %add3A_54, %add3A_96 : i32
        %lt3A_98 = arith.cmpi slt, %add3A_97, %add3A_8 : i32
        %convert_element_type3A_99 = arith.extui %lt3A_98 : i1 to i32
        %cond3A_100 = arith.constant 0 : i32
        %cond3A_101 = arith.cmpi ne, %convert_element_type3A_99, %cond3A_100 : i32
        scf.if %cond3A_101 {
          %add3A_102 = arith.addi %add3A_4, %add3A_54 : i32
          %add3A_103 = arith.constant 2 : i32
          %add3A_104 = arith.addi %add3A_102, %add3A_103 : i32
          %mul3A_105 = arith.constant 128 : i32
          %mul3A_106 = arith.muli %add3A_104, %mul3A_105 : i32
          %dma_start3A_107 = arith.constant 1 : i32
          %dma_start3A_108 = arith.constant 0 : i32
          %dma_start3A_109 = arith.constant 0 : i32
          %dma_start3A_110 = tpu.memref_slice %arg5[%dma_start3A_107, %dma_start3A_108, %dma_start3A_109] : memref<2x64x128xf32, #tpu.memory_space<vmem>> -> memref<1x64x128xf32, #tpu.memory_space<vmem>>
          %dma_start3A_111 = tpu.memref_squeeze %dma_start3A_110 : memref<1x64x128xf32, #tpu.memory_space<vmem>> -> memref<64x128xf32, #tpu.memory_space<vmem>>
          %dma_start3A_112 = arith.constant 0 : i32
          %dma_start3A_113 = tpu.memref_slice %arg2[%dma_start3A_112, %mul3A_106] : memref<64x1000000xf32, #tpu.memory_space<hbm>> -> memref<64x128xf32, #tpu.memory_space<hbm>>
          %dma_start3A_114 = arith.constant 0 : i32
          %dma_start3A_115 = arith.constant 0 : i32
          %dma_start3A_116 = tpu.memref_slice %arg5[%dma_start3A_107, %dma_start3A_114, %dma_start3A_115] : memref<2x64x128xf32, #tpu.memory_space<vmem>> -> memref<1x64x128xf32, #tpu.memory_space<vmem>>
          %dma_start3A_117 = tpu.memref_squeeze %dma_start3A_116 : memref<1x64x128xf32, #tpu.memory_space<vmem>> -> memref<64x128xf32, #tpu.memory_space<vmem>>
          %dma_start3A_118 = arith.constant 0 : i32
          %dma_start3A_119 = tpu.memref_slice %arg2[%dma_start3A_118, %mul3A_106] : memref<64x1000000xf32, #tpu.memory_space<hbm>> -> memref<64x128xf32, #tpu.memory_space<hbm>>
          tpu.enqueue_dma source(%dma_start3A_119 : memref<64x128xf32, #tpu.memory_space<hbm>>) target(%dma_start3A_117 : memref<64x128xf32, #tpu.memory_space<vmem>>) target_semaphore(%arg9 : memref<!tpu.dma_semaphore, #tpu.memory_space<semaphore_mem>>)
        } else {
        }
      } else {
      }
      %scan3A_59 = arith.constant 0 : i32
      scf.yield %scan3A_59 : i32
    }
    %scan3A_21 = arith.constant 123 : i32
    %dma_wait3A = arith.constant 0 : i32
    %dma_wait3A_22 = tpu.memref_slice %arg6[%dma_wait3A] : memref<16384xf32, #tpu.memory_space<vmem>> -> memref<8192xf32, #tpu.memory_space<vmem>>
    %dma_wait3A_23 = arith.constant 0 : i32
    %dma_wait3A_24 = tpu.memref_slice %arg4[%dma_wait3A_23] : memref<64000000xf32, #tpu.memory_space<hbm>> -> memref<8192xf32, #tpu.memory_space<hbm>>
    %dma_wait3A_25 = arith.constant 0 : i32
    %dma_wait3A_26 = tpu.memref_slice %arg4[%dma_wait3A_25] : memref<64000000xf32, #tpu.memory_space<hbm>> -> memref<8192xf32, #tpu.memory_space<hbm>>
    %dma_wait3A_27 = arith.constant 0 : i32
    %dma_wait3A_28 = tpu.memref_slice %arg6[%dma_wait3A_27] : memref<16384xf32, #tpu.memory_space<vmem>> -> memref<8192xf32, #tpu.memory_space<vmem>>
    tpu.wait_dma2 semaphore(%arg10 : memref<!tpu.dma_semaphore, #tpu.memory_space<semaphore_mem>>) src(%dma_wait3A_28 : memref<8192xf32, #tpu.memory_space<vmem>>) dst(%dma_wait3A_26 : memref<8192xf32, #tpu.memory_space<hbm>>)
    %dma_wait3A_29 = arith.constant 8192 : i32
    %dma_wait3A_30 = tpu.memref_slice %arg6[%dma_wait3A_29] : memref<16384xf32, #tpu.memory_space<vmem>> -> memref<8192xf32, #tpu.memory_space<vmem>>
    %dma_wait3A_31 = arith.constant 0 : i32
    %dma_wait3A_32 = tpu.memref_slice %arg4[%dma_wait3A_31] : memref<64000000xf32, #tpu.memory_space<hbm>> -> memref<8192xf32, #tpu.memory_space<hbm>>
    %dma_wait3A_33 = arith.constant 0 : i32
    %dma_wait3A_34 = tpu.memref_slice %arg4[%dma_wait3A_33] : memref<64000000xf32, #tpu.memory_space<hbm>> -> memref<8192xf32, #tpu.memory_space<hbm>>
    %dma_wait3A_35 = arith.constant 8192 : i32
    %dma_wait3A_36 = tpu.memref_slice %arg6[%dma_wait3A_35] : memref<16384xf32, #tpu.memory_space<vmem>> -> memref<8192xf32, #tpu.memory_space<vmem>>
    tpu.wait_dma2 semaphore(%arg11 : memref<!tpu.dma_semaphore, #tpu.memory_space<semaphore_mem>>) src(%dma_wait3A_36 : memref<8192xf32, #tpu.memory_space<vmem>>) dst(%dma_wait3A_34 : memref<8192xf32, #tpu.memory_space<hbm>>)
    %eq3A = arith.constant 0 : i32
    %eq3A_37 = arith.cmpi eq, %add3A, %eq3A : i32
    %convert_element_type3A_38 = arith.extui %eq3A_37 : i1 to i32
    %cond3A_39 = arith.constant 0 : i32
    %cond3A_40 = arith.cmpi ne, %convert_element_type3A_38, %cond3A_39 : i32
    scf.if %cond3A_40 {
      "tpu.region"() ({
        %run_scoped3A = tpu.sem_alloc : memref<!tpu.dma_semaphore, #tpu.memory_space<semaphore_mem>>
        tpu.enqueue_dma source(%arg3 : memref<4096xf32, #tpu.memory_space<hbm>>) target(%arg7 : memref<4096xf32, #tpu.memory_space<vmem>>) target_semaphore(%run_scoped3A : memref<!tpu.dma_semaphore, #tpu.memory_space<semaphore_mem>>)
        tpu.wait_dma2 semaphore(%run_scoped3A : memref<!tpu.dma_semaphore, #tpu.memory_space<semaphore_mem>>) src(%arg3 : memref<4096xf32, #tpu.memory_space<hbm>>) dst(%arg7 : memref<4096xf32, #tpu.memory_space<vmem>>)
        tpu.yield
      }) : () -> ()
      "tpu.region"() ({
        %run_scoped3A = tpu.sem_alloc : memref<!tpu.dma_semaphore, #tpu.memory_space<semaphore_mem>>
        %dma_start3A = arith.constant 63995904 : i32
        %dma_start3A_41 = tpu.memref_slice %arg4[%dma_start3A] : memref<64000000xf32, #tpu.memory_space<hbm>> -> memref<4096xf32, #tpu.memory_space<hbm>>
        %dma_start3A_42 = arith.constant 63995904 : i32
        %dma_start3A_43 = tpu.memref_slice %arg4[%dma_start3A_42] : memref<64000000xf32, #tpu.memory_space<hbm>> -> memref<4096xf32, #tpu.memory_space<hbm>>
        tpu.enqueue_dma source(%arg7 : memref<4096xf32, #tpu.memory_space<vmem>>) target(%dma_start3A_43 : memref<4096xf32, #tpu.memory_space<hbm>>) target_semaphore(%run_scoped3A : memref<!tpu.dma_semaphore, #tpu.memory_space<semaphore_mem>>)
        %dma_wait3A_44 = arith.constant 63995904 : i32
        %dma_wait3A_45 = tpu.memref_slice %arg4[%dma_wait3A_44] : memref<64000000xf32, #tpu.memory_space<hbm>> -> memref<4096xf32, #tpu.memory_space<hbm>>
        %dma_wait3A_46 = arith.constant 63995904 : i32
        %dma_wait3A_47 = tpu.memref_slice %arg4[%dma_wait3A_46] : memref<64000000xf32, #tpu.memory_space<hbm>> -> memref<4096xf32, #tpu.memory_space<hbm>>
        tpu.wait_dma2 semaphore(%run_scoped3A : memref<!tpu.dma_semaphore, #tpu.memory_space<semaphore_mem>>) src(%arg7 : memref<4096xf32, #tpu.memory_space<vmem>>) dst(%dma_wait3A_47 : memref<4096xf32, #tpu.memory_space<hbm>>)
        tpu.yield
      }) : () -> ()
    } else {
    }
    return
  }
}

#map = affine_map<(d0, d1) -> (0, 0)>
module attributes {stable_mosaic.version = 14 : i64} {
  func.func @_pool(%arg0: i32, %arg1: i32, %arg2: memref<4096x200xi32, #tpu.memory_space<hbm>>, %arg3: memref<1000000x64xf32, #tpu.memory_space<hbm>>, %arg4: memref<4096x64xf32, #tpu.memory_space<hbm>>, %arg5: memref<128x200xi32, #tpu.memory_space<vmem>>, %arg6: memref<4x200x64xf32, #tpu.memory_space<vmem>>, %arg7: memref<128x64xf32, #tpu.memory_space<vmem>>, %arg8: memref<!tpu.dma_semaphore, #tpu.memory_space<semaphore_mem>>, %arg9: memref<!tpu.dma_semaphore, #tpu.memory_space<semaphore_mem>>, %arg10: memref<!tpu.dma_semaphore, #tpu.memory_space<semaphore_mem>>, %arg11: memref<!tpu.dma_semaphore, #tpu.memory_space<semaphore_mem>>) attributes {dimension_semantics = [#tpu.dimension_semantics<core_parallel>, #tpu.dimension_semantics<subcore_parallel>], iteration_bounds = array<i64: 2, 16>, scalar_prefetch = 0 : i64, scratch_operands = 7 : i64, tpu.core_type = #tpu.core_type<sc_vector_subcore>, window_params = [{transform_indices = #map}, {transform_indices = #map}, {transform_indices = #map}]} {
    %mul3A = arith.constant 2 : i32
    %mul3A_0 = arith.muli %arg1, %mul3A : i32
    %add3A = arith.addi %mul3A_0, %arg0 : i32
    %mul3A_1 = arith.constant 128 : i32
    %mul3A_2 = arith.muli %add3A, %mul3A_1 : i32
    "tpu.region"() ({
      %run_scoped3A = tpu.sem_alloc : memref<!tpu.dma_semaphore, #tpu.memory_space<semaphore_mem>>
      %dma_start3A_80 = arith.constant 0 : i32
      %dma_start3A_81 = tpu.memref_slice %arg2[%mul3A_2, %dma_start3A_80] : memref<4096x200xi32, #tpu.memory_space<hbm>> -> memref<128x200xi32, #tpu.memory_space<hbm>>
      %dma_start3A_82 = arith.constant 0 : i32
      %dma_start3A_83 = tpu.memref_slice %arg2[%mul3A_2, %dma_start3A_82] : memref<4096x200xi32, #tpu.memory_space<hbm>> -> memref<128x200xi32, #tpu.memory_space<hbm>>
      tpu.enqueue_dma source(%dma_start3A_83 : memref<128x200xi32, #tpu.memory_space<hbm>>) target(%arg5 : memref<128x200xi32, #tpu.memory_space<vmem>>) target_semaphore(%run_scoped3A : memref<!tpu.dma_semaphore, #tpu.memory_space<semaphore_mem>>)
      %dma_wait3A = arith.constant 0 : i32
      %dma_wait3A_84 = tpu.memref_slice %arg2[%mul3A_2, %dma_wait3A] : memref<4096x200xi32, #tpu.memory_space<hbm>> -> memref<128x200xi32, #tpu.memory_space<hbm>>
      %dma_wait3A_85 = arith.constant 0 : i32
      %dma_wait3A_86 = tpu.memref_slice %arg2[%mul3A_2, %dma_wait3A_85] : memref<4096x200xi32, #tpu.memory_space<hbm>> -> memref<128x200xi32, #tpu.memory_space<hbm>>
      tpu.wait_dma2 semaphore(%run_scoped3A : memref<!tpu.dma_semaphore, #tpu.memory_space<semaphore_mem>>) src(%dma_wait3A_86 : memref<128x200xi32, #tpu.memory_space<hbm>>) dst(%arg5 : memref<128x200xi32, #tpu.memory_space<vmem>>)
      tpu.yield
    }) : () -> ()
    %dma_start3A = arith.constant 0 : i32
    %dma_start3A_3 = arith.constant 0 : i32
    %dma_start3A_4 = arith.constant 0 : i32
    %dma_start3A_5 = arith.constant 0 : i32
    %dma_start3A_6 = tpu.memref_slice %arg6[%dma_start3A_3, %dma_start3A_4, %dma_start3A_5] : memref<4x200x64xf32, #tpu.memory_space<vmem>> -> memref<1x128x64xf32, #tpu.memory_space<vmem>>
    %dma_start3A_7 = tpu.memref_squeeze %dma_start3A_6 : memref<1x128x64xf32, #tpu.memory_space<vmem>> -> memref<128x64xf32, #tpu.memory_space<vmem>>
    %dma_start3A_8 = arith.constant 0 : i32
    %dma_start3A_9 = tpu.memref_slice %arg5[%dma_start3A, %dma_start3A_8] : memref<128x200xi32, #tpu.memory_space<vmem>> -> memref<1x128xi32, #tpu.memory_space<vmem>>
    %dma_start3A_10 = tpu.memref_squeeze %dma_start3A_9 : memref<1x128xi32, #tpu.memory_space<vmem>> -> memref<128xi32, #tpu.memory_space<vmem>>
    %dma_start3A_11 = arith.constant 0 : i32
    %dma_start3A_12 = arith.constant 0 : i32
    %dma_start3A_13 = tpu.memref_slice %arg3[%dma_start3A_11, %dma_start3A_12] : memref<1000000x64xf32, #tpu.memory_space<hbm>> -> memref<1000000x64xf32, #tpu.memory_space<hbm>>
    tpu.enqueue_indirect_dma source(%dma_start3A_13 : memref<1000000x64xf32, #tpu.memory_space<hbm>>) target(%dma_start3A_7 : memref<128x64xf32, #tpu.memory_space<vmem>>) offsets(%dma_start3A_10 : memref<128xi32, #tpu.memory_space<vmem>>) semaphore(%arg8 : memref<!tpu.dma_semaphore, #tpu.memory_space<semaphore_mem>>)
    %dma_start3A_14 = arith.constant 0 : i32
    %dma_start3A_15 = arith.constant 0 : i32
    %dma_start3A_16 = arith.constant 128 : i32
    %dma_start3A_17 = arith.constant 0 : i32
    %dma_start3A_18 = tpu.memref_slice %arg6[%dma_start3A_15, %dma_start3A_16, %dma_start3A_17] : memref<4x200x64xf32, #tpu.memory_space<vmem>> -> memref<1x72x64xf32, #tpu.memory_space<vmem>>
    %dma_start3A_19 = tpu.memref_squeeze %dma_start3A_18 : memref<1x72x64xf32, #tpu.memory_space<vmem>> -> memref<72x64xf32, #tpu.memory_space<vmem>>
    %dma_start3A_20 = arith.constant 128 : i32
    %dma_start3A_21 = tpu.memref_slice %arg5[%dma_start3A_14, %dma_start3A_20] : memref<128x200xi32, #tpu.memory_space<vmem>> -> memref<1x72xi32, #tpu.memory_space<vmem>>
    %dma_start3A_22 = tpu.memref_squeeze %dma_start3A_21 : memref<1x72xi32, #tpu.memory_space<vmem>> -> memref<72xi32, #tpu.memory_space<vmem>>
    %dma_start3A_23 = arith.constant 0 : i32
    %dma_start3A_24 = arith.constant 0 : i32
    %dma_start3A_25 = tpu.memref_slice %arg3[%dma_start3A_23, %dma_start3A_24] : memref<1000000x64xf32, #tpu.memory_space<hbm>> -> memref<1000000x64xf32, #tpu.memory_space<hbm>>
    tpu.enqueue_indirect_dma source(%dma_start3A_25 : memref<1000000x64xf32, #tpu.memory_space<hbm>>) target(%dma_start3A_19 : memref<72x64xf32, #tpu.memory_space<vmem>>) offsets(%dma_start3A_22 : memref<72xi32, #tpu.memory_space<vmem>>) semaphore(%arg8 : memref<!tpu.dma_semaphore, #tpu.memory_space<semaphore_mem>>)
    %dma_start3A_26 = arith.constant 1 : i32
    %dma_start3A_27 = arith.constant 1 : i32
    %dma_start3A_28 = arith.constant 0 : i32
    %dma_start3A_29 = arith.constant 0 : i32
    %dma_start3A_30 = tpu.memref_slice %arg6[%dma_start3A_27, %dma_start3A_28, %dma_start3A_29] : memref<4x200x64xf32, #tpu.memory_space<vmem>> -> memref<1x128x64xf32, #tpu.memory_space<vmem>>
    %dma_start3A_31 = tpu.memref_squeeze %dma_start3A_30 : memref<1x128x64xf32, #tpu.memory_space<vmem>> -> memref<128x64xf32, #tpu.memory_space<vmem>>
    %dma_start3A_32 = arith.constant 0 : i32
    %dma_start3A_33 = tpu.memref_slice %arg5[%dma_start3A_26, %dma_start3A_32] : memref<128x200xi32, #tpu.memory_space<vmem>> -> memref<1x128xi32, #tpu.memory_space<vmem>>
    %dma_start3A_34 = tpu.memref_squeeze %dma_start3A_33 : memref<1x128xi32, #tpu.memory_space<vmem>> -> memref<128xi32, #tpu.memory_space<vmem>>
    %dma_start3A_35 = arith.constant 0 : i32
    %dma_start3A_36 = arith.constant 0 : i32
    %dma_start3A_37 = tpu.memref_slice %arg3[%dma_start3A_35, %dma_start3A_36] : memref<1000000x64xf32, #tpu.memory_space<hbm>> -> memref<1000000x64xf32, #tpu.memory_space<hbm>>
    tpu.enqueue_indirect_dma source(%dma_start3A_37 : memref<1000000x64xf32, #tpu.memory_space<hbm>>) target(%dma_start3A_31 : memref<128x64xf32, #tpu.memory_space<vmem>>) offsets(%dma_start3A_34 : memref<128xi32, #tpu.memory_space<vmem>>) semaphore(%arg9 : memref<!tpu.dma_semaphore, #tpu.memory_space<semaphore_mem>>)
    %dma_start3A_38 = arith.constant 1 : i32
    %dma_start3A_39 = arith.constant 1 : i32
    %dma_start3A_40 = arith.constant 128 : i32
    %dma_start3A_41 = arith.constant 0 : i32
    %dma_start3A_42 = tpu.memref_slice %arg6[%dma_start3A_39, %dma_start3A_40, %dma_start3A_41] : memref<4x200x64xf32, #tpu.memory_space<vmem>> -> memref<1x72x64xf32, #tpu.memory_space<vmem>>
    %dma_start3A_43 = tpu.memref_squeeze %dma_start3A_42 : memref<1x72x64xf32, #tpu.memory_space<vmem>> -> memref<72x64xf32, #tpu.memory_space<vmem>>
    %dma_start3A_44 = arith.constant 128 : i32
    %dma_start3A_45 = tpu.memref_slice %arg5[%dma_start3A_38, %dma_start3A_44] : memref<128x200xi32, #tpu.memory_space<vmem>> -> memref<1x72xi32, #tpu.memory_space<vmem>>
    %dma_start3A_46 = tpu.memref_squeeze %dma_start3A_45 : memref<1x72xi32, #tpu.memory_space<vmem>> -> memref<72xi32, #tpu.memory_space<vmem>>
    %dma_start3A_47 = arith.constant 0 : i32
    %dma_start3A_48 = arith.constant 0 : i32
    %dma_start3A_49 = tpu.memref_slice %arg3[%dma_start3A_47, %dma_start3A_48] : memref<1000000x64xf32, #tpu.memory_space<hbm>> -> memref<1000000x64xf32, #tpu.memory_space<hbm>>
    tpu.enqueue_indirect_dma source(%dma_start3A_49 : memref<1000000x64xf32, #tpu.memory_space<hbm>>) target(%dma_start3A_43 : memref<72x64xf32, #tpu.memory_space<vmem>>) offsets(%dma_start3A_46 : memref<72xi32, #tpu.memory_space<vmem>>) semaphore(%arg9 : memref<!tpu.dma_semaphore, #tpu.memory_space<semaphore_mem>>)
    %dma_start3A_50 = arith.constant 2 : i32
    %dma_start3A_51 = arith.constant 2 : i32
    %dma_start3A_52 = arith.constant 0 : i32
    %dma_start3A_53 = arith.constant 0 : i32
    %dma_start3A_54 = tpu.memref_slice %arg6[%dma_start3A_51, %dma_start3A_52, %dma_start3A_53] : memref<4x200x64xf32, #tpu.memory_space<vmem>> -> memref<1x128x64xf32, #tpu.memory_space<vmem>>
    %dma_start3A_55 = tpu.memref_squeeze %dma_start3A_54 : memref<1x128x64xf32, #tpu.memory_space<vmem>> -> memref<128x64xf32, #tpu.memory_space<vmem>>
    %dma_start3A_56 = arith.constant 0 : i32
    %dma_start3A_57 = tpu.memref_slice %arg5[%dma_start3A_50, %dma_start3A_56] : memref<128x200xi32, #tpu.memory_space<vmem>> -> memref<1x128xi32, #tpu.memory_space<vmem>>
    %dma_start3A_58 = tpu.memref_squeeze %dma_start3A_57 : memref<1x128xi32, #tpu.memory_space<vmem>> -> memref<128xi32, #tpu.memory_space<vmem>>
    %dma_start3A_59 = arith.constant 0 : i32
    %dma_start3A_60 = arith.constant 0 : i32
    %dma_start3A_61 = tpu.memref_slice %arg3[%dma_start3A_59, %dma_start3A_60] : memref<1000000x64xf32, #tpu.memory_space<hbm>> -> memref<1000000x64xf32, #tpu.memory_space<hbm>>
    tpu.enqueue_indirect_dma source(%dma_start3A_61 : memref<1000000x64xf32, #tpu.memory_space<hbm>>) target(%dma_start3A_55 : memref<128x64xf32, #tpu.memory_space<vmem>>) offsets(%dma_start3A_58 : memref<128xi32, #tpu.memory_space<vmem>>) semaphore(%arg10 : memref<!tpu.dma_semaphore, #tpu.memory_space<semaphore_mem>>)
    %dma_start3A_62 = arith.constant 2 : i32
    %dma_start3A_63 = arith.constant 2 : i32
    %dma_start3A_64 = arith.constant 128 : i32
    %dma_start3A_65 = arith.constant 0 : i32
    %dma_start3A_66 = tpu.memref_slice %arg6[%dma_start3A_63, %dma_start3A_64, %dma_start3A_65] : memref<4x200x64xf32, #tpu.memory_space<vmem>> -> memref<1x72x64xf32, #tpu.memory_space<vmem>>
    %dma_start3A_67 = tpu.memref_squeeze %dma_start3A_66 : memref<1x72x64xf32, #tpu.memory_space<vmem>> -> memref<72x64xf32, #tpu.memory_space<vmem>>
    %dma_start3A_68 = arith.constant 128 : i32
    %dma_start3A_69 = tpu.memref_slice %arg5[%dma_start3A_62, %dma_start3A_68] : memref<128x200xi32, #tpu.memory_space<vmem>> -> memref<1x72xi32, #tpu.memory_space<vmem>>
    %dma_start3A_70 = tpu.memref_squeeze %dma_start3A_69 : memref<1x72xi32, #tpu.memory_space<vmem>> -> memref<72xi32, #tpu.memory_space<vmem>>
    %dma_start3A_71 = arith.constant 0 : i32
    %dma_start3A_72 = arith.constant 0 : i32
    %dma_start3A_73 = tpu.memref_slice %arg3[%dma_start3A_71, %dma_start3A_72] : memref<1000000x64xf32, #tpu.memory_space<hbm>> -> memref<1000000x64xf32, #tpu.memory_space<hbm>>
    tpu.enqueue_indirect_dma source(%dma_start3A_73 : memref<1000000x64xf32, #tpu.memory_space<hbm>>) target(%dma_start3A_67 : memref<72x64xf32, #tpu.memory_space<vmem>>) offsets(%dma_start3A_70 : memref<72xi32, #tpu.memory_space<vmem>>) semaphore(%arg10 : memref<!tpu.dma_semaphore, #tpu.memory_space<semaphore_mem>>)
    %scan3A = arith.constant 0 : i32
    %scan3A_74 = arith.constant 0 : i32
    %scan3A_75 = arith.constant 32 : i32
    %scan3A_76 = arith.addi %scan3A_74, %scan3A_75 : i32
    %scan3A_77 = arith.constant 1 : i32
    %scan3A_78 = scf.for %scan3A_80 = %scan3A_74 to %scan3A_76 step %scan3A_77 iter_args(%scan3A_81 = %scan3A) -> (i32)  : i32 {
      %mul3A_82 = arith.constant 4 : i32
      %mul3A_83 = arith.muli %scan3A_80, %mul3A_82 : i32
      %add3A_84 = arith.constant 0 : i32
      %add3A_85 = arith.addi %mul3A_83, %add3A_84 : i32
      %add3A_86 = arith.constant 4 : i32
      %add3A_87 = arith.addi %add3A_85, %add3A_86 : i32
      %sub3A = arith.constant 1 : i32
      %sub3A_88 = arith.subi %add3A_87, %sub3A : i32
      %lt3A = arith.constant 128 : i32
      %lt3A_89 = arith.cmpi slt, %sub3A_88, %lt3A : i32
      %convert_element_type3A = arith.extui %lt3A_89 : i1 to i32
      %cond3A = arith.constant 0 : i32
      %cond3A_90 = arith.cmpi ne, %convert_element_type3A, %cond3A : i32
      scf.if %cond3A_90 {
        %dma_start3A_348 = arith.constant 3 : i32
        %dma_start3A_349 = arith.constant 0 : i32
        %dma_start3A_350 = arith.constant 0 : i32
        %dma_start3A_351 = tpu.memref_slice %arg6[%dma_start3A_348, %dma_start3A_349, %dma_start3A_350] : memref<4x200x64xf32, #tpu.memory_space<vmem>> -> memref<1x128x64xf32, #tpu.memory_space<vmem>>
        %dma_start3A_352 = tpu.memref_squeeze %dma_start3A_351 : memref<1x128x64xf32, #tpu.memory_space<vmem>> -> memref<128x64xf32, #tpu.memory_space<vmem>>
        %dma_start3A_353 = arith.constant 0 : i32
        %dma_start3A_354 = tpu.memref_slice %arg5[%sub3A_88, %dma_start3A_353] : memref<128x200xi32, #tpu.memory_space<vmem>> -> memref<1x128xi32, #tpu.memory_space<vmem>>
        %dma_start3A_355 = tpu.memref_squeeze %dma_start3A_354 : memref<1x128xi32, #tpu.memory_space<vmem>> -> memref<128xi32, #tpu.memory_space<vmem>>
        %dma_start3A_356 = arith.constant 0 : i32
        %dma_start3A_357 = arith.constant 0 : i32
        %dma_start3A_358 = tpu.memref_slice %arg3[%dma_start3A_356, %dma_start3A_357] : memref<1000000x64xf32, #tpu.memory_space<hbm>> -> memref<1000000x64xf32, #tpu.memory_space<hbm>>
        tpu.enqueue_indirect_dma source(%dma_start3A_358 : memref<1000000x64xf32, #tpu.memory_space<hbm>>) target(%dma_start3A_352 : memref<128x64xf32, #tpu.memory_space<vmem>>) offsets(%dma_start3A_355 : memref<128xi32, #tpu.memory_space<vmem>>) semaphore(%arg11 : memref<!tpu.dma_semaphore, #tpu.memory_space<semaphore_mem>>)
        %dma_start3A_359 = arith.constant 3 : i32
        %dma_start3A_360 = arith.constant 128 : i32
        %dma_start3A_361 = arith.constant 0 : i32
        %dma_start3A_362 = tpu.memref_slice %arg6[%dma_start3A_359, %dma_start3A_360, %dma_start3A_361] : memref<4x200x64xf32, #tpu.memory_space<vmem>> -> memref<1x72x64xf32, #tpu.memory_space<vmem>>
        %dma_start3A_363 = tpu.memref_squeeze %dma_start3A_362 : memref<1x72x64xf32, #tpu.memory_space<vmem>> -> memref<72x64xf32, #tpu.memory_space<vmem>>
        %dma_start3A_364 = arith.constant 128 : i32
        %dma_start3A_365 = tpu.memref_slice %arg5[%sub3A_88, %dma_start3A_364] : memref<128x200xi32, #tpu.memory_space<vmem>> -> memref<1x72xi32, #tpu.memory_space<vmem>>
        %dma_start3A_366 = tpu.memref_squeeze %dma_start3A_365 : memref<1x72xi32, #tpu.memory_space<vmem>> -> memref<72xi32, #tpu.memory_space<vmem>>
        %dma_start3A_367 = arith.constant 0 : i32
        %dma_start3A_368 = arith.constant 0 : i32
        %dma_start3A_369 = tpu.memref_slice %arg3[%dma_start3A_367, %dma_start3A_368] : memref<1000000x64xf32, #tpu.memory_space<hbm>> -> memref<1000000x64xf32, #tpu.memory_space<hbm>>
        tpu.enqueue_indirect_dma source(%dma_start3A_369 : memref<1000000x64xf32, #tpu.memory_space<hbm>>) target(%dma_start3A_363 : memref<72x64xf32, #tpu.memory_space<vmem>>) offsets(%dma_start3A_366 : memref<72xi32, #tpu.memory_space<vmem>>) semaphore(%arg11 : memref<!tpu.dma_semaphore, #tpu.memory_space<semaphore_mem>>)
      } else {
      }
      %dma_wait3A = arith.constant 0 : i32
      %dma_wait3A_91 = arith.constant 0 : i32
      %dma_wait3A_92 = arith.constant 0 : i32
      %dma_wait3A_93 = tpu.memref_slice %arg6[%dma_wait3A, %dma_wait3A_91, %dma_wait3A_92] : memref<4x200x64xf32, #tpu.memory_space<vmem>> -> memref<1x200x64xf32, #tpu.memory_space<vmem>>
      %dma_wait3A_94 = tpu.memref_squeeze %dma_wait3A_93 : memref<1x200x64xf32, #tpu.memory_space<vmem>> -> memref<200x64xf32, #tpu.memory_space<vmem>>
      %dma_wait3A_95 = arith.constant 0 : i32
      %dma_wait3A_96 = arith.constant 0 : i32
      %dma_wait3A_97 = tpu.memref_slice %arg3[%dma_wait3A_95, %dma_wait3A_96] : memref<1000000x64xf32, #tpu.memory_space<hbm>> -> memref<200x64xf32, #tpu.memory_space<hbm>>
      %dma_wait3A_98 = arith.constant 0 : i32
      %dma_wait3A_99 = arith.constant 0 : i32
      %dma_wait3A_100 = tpu.memref_slice %arg6[%dma_wait3A, %dma_wait3A_98, %dma_wait3A_99] : memref<4x200x64xf32, #tpu.memory_space<vmem>> -> memref<1x200x64xf32, #tpu.memory_space<vmem>>
      %dma_wait3A_101 = tpu.memref_squeeze %dma_wait3A_100 : memref<1x200x64xf32, #tpu.memory_space<vmem>> -> memref<200x64xf32, #tpu.memory_space<vmem>>
      %dma_wait3A_102 = arith.constant 0 : i32
      %dma_wait3A_103 = arith.constant 0 : i32
      %dma_wait3A_104 = tpu.memref_slice %arg3[%dma_wait3A_102, %dma_wait3A_103] : memref<1000000x64xf32, #tpu.memory_space<hbm>> -> memref<200x64xf32, #tpu.memory_space<hbm>>
      tpu.wait_dma2 semaphore(%arg8 : memref<!tpu.dma_semaphore, #tpu.memory_space<semaphore_mem>>) src(%dma_wait3A_104 : memref<200x64xf32, #tpu.memory_space<hbm>>) dst(%dma_wait3A_101 : memref<200x64xf32, #tpu.memory_space<vmem>>)
      %broadcast_in_dim3A = arith.constant 0.000000e+00 : f32
      %broadcast_in_dim3A_105 = vector.broadcast %broadcast_in_dim3A : f32 to vector<16xf32>
      %scan3A_106 = arith.constant 0 : i32
      %scan3A_107 = arith.constant 200 : i32
      %scan3A_108 = arith.addi %scan3A_106, %scan3A_107 : i32
      %scan3A_109 = arith.constant 8 : i32
      %scan3A_110:4 = scf.for %scan3A_348 = %scan3A_106 to %scan3A_108 step %scan3A_109 iter_args(%scan3A_349 = %broadcast_in_dim3A_105, %scan3A_350 = %broadcast_in_dim3A_105, %scan3A_351 = %broadcast_in_dim3A_105, %scan3A_352 = %broadcast_in_dim3A_105) -> (vector<16xf32>, vector<16xf32>, vector<16xf32>, vector<16xf32>)  : i32 {
        %get3A = arith.constant 0 : i32
        %get3A_353 = arith.index_cast %get3A : i32 to index
        %get3A_354 = arith.index_cast %scan3A_348 : i32 to index
        %get3A_355 = arith.constant 0 : index
        %get3A_356 = tpu.vector_load %arg6[%get3A_353, %get3A_354, %get3A_355] {strides = array<i32>} : memref<4x200x64xf32, #tpu.memory_space<vmem>>, vector<1x1x16xf32>,
        %get3A_357 = vector.shape_cast %get3A_356 : vector<1x1x16xf32> to vector<16xf32>
        %add3A_358 = arith.addf %scan3A_349, %get3A_357 : vector<16xf32>
        %get3A_359 = arith.constant 0 : i32
        %get3A_360 = arith.index_cast %get3A_359 : i32 to index
        %get3A_361 = arith.index_cast %scan3A_348 : i32 to index
        %get3A_362 = arith.constant 16 : index
        %get3A_363 = tpu.vector_load %arg6[%get3A_360, %get3A_361, %get3A_362] {strides = array<i32>} : memref<4x200x64xf32, #tpu.memory_space<vmem>>, vector<1x1x16xf32>,
        %get3A_364 = vector.shape_cast %get3A_363 : vector<1x1x16xf32> to vector<16xf32>
        %add3A_365 = arith.addf %scan3A_350, %get3A_364 : vector<16xf32>
        %get3A_366 = arith.constant 0 : i32
        %get3A_367 = arith.index_cast %get3A_366 : i32 to index
        %get3A_368 = arith.index_cast %scan3A_348 : i32 to index
        %get3A_369 = arith.constant 32 : index
        %get3A_370 = tpu.vector_load %arg6[%get3A_367, %get3A_368, %get3A_369] {strides = array<i32>} : memref<4x200x64xf32, #tpu.memory_space<vmem>>, vector<1x1x16xf32>,
        %get3A_371 = vector.shape_cast %get3A_370 : vector<1x1x16xf32> to vector<16xf32>
        %add3A_372 = arith.addf %scan3A_351, %get3A_371 : vector<16xf32>
        %get3A_373 = arith.constant 0 : i32
        %get3A_374 = arith.index_cast %get3A_373 : i32 to index
        %get3A_375 = arith.index_cast %scan3A_348 : i32 to index
        %get3A_376 = arith.constant 48 : index
        %get3A_377 = tpu.vector_load %arg6[%get3A_374, %get3A_375, %get3A_376] {strides = array<i32>} : memref<4x200x64xf32, #tpu.memory_space<vmem>>, vector<1x1x16xf32>,
        %get3A_378 = vector.shape_cast %get3A_377 : vector<1x1x16xf32> to vector<16xf32>
        %add3A_379 = arith.addf %scan3A_352, %get3A_378 : vector<16xf32>
        %scan3A_380 = arith.constant 1 : i32
        %scan3A_381 = arith.addi %scan3A_348, %scan3A_380 : i32
        %get3A_382 = arith.constant 0 : i32
        %get3A_383 = arith.index_cast %get3A_382 : i32 to index
        %get3A_384 = arith.index_cast %scan3A_381 : i32 to index
        %get3A_385 = arith.constant 0 : index
        %get3A_386 = tpu.vector_load %arg6[%get3A_383, %get3A_384, %get3A_385] {strides = array<i32>} : memref<4x200x64xf32, #tpu.memory_space<vmem>>, vector<1x1x16xf32>,
        %get3A_387 = vector.shape_cast %get3A_386 : vector<1x1x16xf32> to vector<16xf32>
        %add3A_388 = arith.addf %add3A_358, %get3A_387 : vector<16xf32>
        %get3A_389 = arith.constant 0 : i32
        %get3A_390 = arith.index_cast %get3A_389 : i32 to index
        %get3A_391 = arith.index_cast %scan3A_381 : i32 to index
        %get3A_392 = arith.constant 16 : index
        %get3A_393 = tpu.vector_load %arg6[%get3A_390, %get3A_391, %get3A_392] {strides = array<i32>} : memref<4x200x64xf32, #tpu.memory_space<vmem>>, vector<1x1x16xf32>,
        %get3A_394 = vector.shape_cast %get3A_393 : vector<1x1x16xf32> to vector<16xf32>
        %add3A_395 = arith.addf %add3A_365, %get3A_394 : vector<16xf32>
        %get3A_396 = arith.constant 0 : i32
        %get3A_397 = arith.index_cast %get3A_396 : i32 to index
        %get3A_398 = arith.index_cast %scan3A_381 : i32 to index
        %get3A_399 = arith.constant 32 : index
        %get3A_400 = tpu.vector_load %arg6[%get3A_397, %get3A_398, %get3A_399] {strides = array<i32>} : memref<4x200x64xf32, #tpu.memory_space<vmem>>, vector<1x1x16xf32>,
        %get3A_401 = vector.shape_cast %get3A_400 : vector<1x1x16xf32> to vector<16xf32>
        %add3A_402 = arith.addf %add3A_372, %get3A_401 : vector<16xf32>
        %get3A_403 = arith.constant 0 : i32
        %get3A_404 = arith.index_cast %get3A_403 : i32 to index
        %get3A_405 = arith.index_cast %scan3A_381 : i32 to index
        %get3A_406 = arith.constant 48 : index
        %get3A_407 = tpu.vector_load %arg6[%get3A_404, %get3A_405, %get3A_406] {strides = array<i32>} : memref<4x200x64xf32, #tpu.memory_space<vmem>>, vector<1x1x16xf32>,
        %get3A_408 = vector.shape_cast %get3A_407 : vector<1x1x16xf32> to vector<16xf32>
        %add3A_409 = arith.addf %add3A_379, %get3A_408 : vector<16xf32>
        %scan3A_410 = arith.constant 2 : i32
        %scan3A_411 = arith.addi %scan3A_348, %scan3A_410 : i32
        %get3A_412 = arith.constant 0 : i32
        %get3A_413 = arith.index_cast %get3A_412 : i32 to index
        %get3A_414 = arith.index_cast %scan3A_411 : i32 to index
        %get3A_415 = arith.constant 0 : index
        %get3A_416 = tpu.vector_load %arg6[%get3A_413, %get3A_414, %get3A_415] {strides = array<i32>} : memref<4x200x64xf32, #tpu.memory_space<vmem>>, vector<1x1x16xf32>,
        %get3A_417 = vector.shape_cast %get3A_416 : vector<1x1x16xf32> to vector<16xf32>
        %add3A_418 = arith.addf %add3A_388, %get3A_417 : vector<16xf32>
        %get3A_419 = arith.constant 0 : i32
        %get3A_420 = arith.index_cast %get3A_419 : i32 to index
        %get3A_421 = arith.index_cast %scan3A_411 : i32 to index
        %get3A_422 = arith.constant 16 : index
        %get3A_423 = tpu.vector_load %arg6[%get3A_420, %get3A_421, %get3A_422] {strides = array<i32>} : memref<4x200x64xf32, #tpu.memory_space<vmem>>, vector<1x1x16xf32>,
        %get3A_424 = vector.shape_cast %get3A_423 : vector<1x1x16xf32> to vector<16xf32>
        %add3A_425 = arith.addf %add3A_395, %get3A_424 : vector<16xf32>
        %get3A_426 = arith.constant 0 : i32
        %get3A_427 = arith.index_cast %get3A_426 : i32 to index
        %get3A_428 = arith.index_cast %scan3A_411 : i32 to index
        %get3A_429 = arith.constant 32 : index
        %get3A_430 = tpu.vector_load %arg6[%get3A_427, %get3A_428, %get3A_429] {strides = array<i32>} : memref<4x200x64xf32, #tpu.memory_space<vmem>>, vector<1x1x16xf32>,
        %get3A_431 = vector.shape_cast %get3A_430 : vector<1x1x16xf32> to vector<16xf32>
        %add3A_432 = arith.addf %add3A_402, %get3A_431 : vector<16xf32>
        %get3A_433 = arith.constant 0 : i32
        %get3A_434 = arith.index_cast %get3A_433 : i32 to index
        %get3A_435 = arith.index_cast %scan3A_411 : i32 to index
        %get3A_436 = arith.constant 48 : index
        %get3A_437 = tpu.vector_load %arg6[%get3A_434, %get3A_435, %get3A_436] {strides = array<i32>} : memref<4x200x64xf32, #tpu.memory_space<vmem>>, vector<1x1x16xf32>,
        %get3A_438 = vector.shape_cast %get3A_437 : vector<1x1x16xf32> to vector<16xf32>
        %add3A_439 = arith.addf %add3A_409, %get3A_438 : vector<16xf32>
        %scan3A_440 = arith.constant 3 : i32
        %scan3A_441 = arith.addi %scan3A_348, %scan3A_440 : i32
        %get3A_442 = arith.constant 0 : i32
        %get3A_443 = arith.index_cast %get3A_442 : i32 to index
        %get3A_444 = arith.index_cast %scan3A_441 : i32 to index
        %get3A_445 = arith.constant 0 : index
        %get3A_446 = tpu.vector_load %arg6[%get3A_443, %get3A_444, %get3A_445] {strides = array<i32>} : memref<4x200x64xf32, #tpu.memory_space<vmem>>, vector<1x1x16xf32>,
        %get3A_447 = vector.shape_cast %get3A_446 : vector<1x1x16xf32> to vector<16xf32>
        %add3A_448 = arith.addf %add3A_418, %get3A_447 : vector<16xf32>
        %get3A_449 = arith.constant 0 : i32
        %get3A_450 = arith.index_cast %get3A_449 : i32 to index
        %get3A_451 = arith.index_cast %scan3A_441 : i32 to index
        %get3A_452 = arith.constant 16 : index
        %get3A_453 = tpu.vector_load %arg6[%get3A_450, %get3A_451, %get3A_452] {strides = array<i32>} : memref<4x200x64xf32, #tpu.memory_space<vmem>>, vector<1x1x16xf32>,
        %get3A_454 = vector.shape_cast %get3A_453 : vector<1x1x16xf32> to vector<16xf32>
        %add3A_455 = arith.addf %add3A_425, %get3A_454 : vector<16xf32>
        %get3A_456 = arith.constant 0 : i32
        %get3A_457 = arith.index_cast %get3A_456 : i32 to index
        %get3A_458 = arith.index_cast %scan3A_441 : i32 to index
        %get3A_459 = arith.constant 32 : index
        %get3A_460 = tpu.vector_load %arg6[%get3A_457, %get3A_458, %get3A_459] {strides = array<i32>} : memref<4x200x64xf32, #tpu.memory_space<vmem>>, vector<1x1x16xf32>,
        %get3A_461 = vector.shape_cast %get3A_460 : vector<1x1x16xf32> to vector<16xf32>
        %add3A_462 = arith.addf %add3A_432, %get3A_461 : vector<16xf32>
        %get3A_463 = arith.constant 0 : i32
        %get3A_464 = arith.index_cast %get3A_463 : i32 to index
        %get3A_465 = arith.index_cast %scan3A_441 : i32 to index
        %get3A_466 = arith.constant 48 : index
        %get3A_467 = tpu.vector_load %arg6[%get3A_464, %get3A_465, %get3A_466] {strides = array<i32>} : memref<4x200x64xf32, #tpu.memory_space<vmem>>, vector<1x1x16xf32>,
        %get3A_468 = vector.shape_cast %get3A_467 : vector<1x1x16xf32> to vector<16xf32>
        %add3A_469 = arith.addf %add3A_439, %get3A_468 : vector<16xf32>
        %scan3A_470 = arith.constant 4 : i32
        %scan3A_471 = arith.addi %scan3A_348, %scan3A_470 : i32
        %get3A_472 = arith.constant 0 : i32
        %get3A_473 = arith.index_cast %get3A_472 : i32 to index
        %get3A_474 = arith.index_cast %scan3A_471 : i32 to index
        %get3A_475 = arith.constant 0 : index
        %get3A_476 = tpu.vector_load %arg6[%get3A_473, %get3A_474, %get3A_475] {strides = array<i32>} : memref<4x200x64xf32, #tpu.memory_space<vmem>>, vector<1x1x16xf32>,
        %get3A_477 = vector.shape_cast %get3A_476 : vector<1x1x16xf32> to vector<16xf32>
        %add3A_478 = arith.addf %add3A_448, %get3A_477 : vector<16xf32>
        %get3A_479 = arith.constant 0 : i32
        %get3A_480 = arith.index_cast %get3A_479 : i32 to index
        %get3A_481 = arith.index_cast %scan3A_471 : i32 to index
        %get3A_482 = arith.constant 16 : index
        %get3A_483 = tpu.vector_load %arg6[%get3A_480, %get3A_481, %get3A_482] {strides = array<i32>} : memref<4x200x64xf32, #tpu.memory_space<vmem>>, vector<1x1x16xf32>,
        %get3A_484 = vector.shape_cast %get3A_483 : vector<1x1x16xf32> to vector<16xf32>
        %add3A_485 = arith.addf %add3A_455, %get3A_484 : vector<16xf32>
        %get3A_486 = arith.constant 0 : i32
        %get3A_487 = arith.index_cast %get3A_486 : i32 to index
        %get3A_488 = arith.index_cast %scan3A_471 : i32 to index
        %get3A_489 = arith.constant 32 : index
        %get3A_490 = tpu.vector_load %arg6[%get3A_487, %get3A_488, %get3A_489] {strides = array<i32>} : memref<4x200x64xf32, #tpu.memory_space<vmem>>, vector<1x1x16xf32>,
        %get3A_491 = vector.shape_cast %get3A_490 : vector<1x1x16xf32> to vector<16xf32>
        %add3A_492 = arith.addf %add3A_462, %get3A_491 : vector<16xf32>
        %get3A_493 = arith.constant 0 : i32
        %get3A_494 = arith.index_cast %get3A_493 : i32 to index
        %get3A_495 = arith.index_cast %scan3A_471 : i32 to index
        %get3A_496 = arith.constant 48 : index
        %get3A_497 = tpu.vector_load %arg6[%get3A_494, %get3A_495, %get3A_496] {strides = array<i32>} : memref<4x200x64xf32, #tpu.memory_space<vmem>>, vector<1x1x16xf32>,
        %get3A_498 = vector.shape_cast %get3A_497 : vector<1x1x16xf32> to vector<16xf32>
        %add3A_499 = arith.addf %add3A_469, %get3A_498 : vector<16xf32>
        %scan3A_500 = arith.constant 5 : i32
        %scan3A_501 = arith.addi %scan3A_348, %scan3A_500 : i32
        %get3A_502 = arith.constant 0 : i32
        %get3A_503 = arith.index_cast %get3A_502 : i32 to index
        %get3A_504 = arith.index_cast %scan3A_501 : i32 to index
        %get3A_505 = arith.constant 0 : index
        %get3A_506 = tpu.vector_load %arg6[%get3A_503, %get3A_504, %get3A_505] {strides = array<i32>} : memref<4x200x64xf32, #tpu.memory_space<vmem>>, vector<1x1x16xf32>,
        %get3A_507 = vector.shape_cast %get3A_506 : vector<1x1x16xf32> to vector<16xf32>
        %add3A_508 = arith.addf %add3A_478, %get3A_507 : vector<16xf32>
        %get3A_509 = arith.constant 0 : i32
        %get3A_510 = arith.index_cast %get3A_509 : i32 to index
        %get3A_511 = arith.index_cast %scan3A_501 : i32 to index
        %get3A_512 = arith.constant 16 : index
        %get3A_513 = tpu.vector_load %arg6[%get3A_510, %get3A_511, %get3A_512] {strides = array<i32>} : memref<4x200x64xf32, #tpu.memory_space<vmem>>, vector<1x1x16xf32>,
        %get3A_514 = vector.shape_cast %get3A_513 : vector<1x1x16xf32> to vector<16xf32>
        %add3A_515 = arith.addf %add3A_485, %get3A_514 : vector<16xf32>
        %get3A_516 = arith.constant 0 : i32
        %get3A_517 = arith.index_cast %get3A_516 : i32 to index
        %get3A_518 = arith.index_cast %scan3A_501 : i32 to index
        %get3A_519 = arith.constant 32 : index
        %get3A_520 = tpu.vector_load %arg6[%get3A_517, %get3A_518, %get3A_519] {strides = array<i32>} : memref<4x200x64xf32, #tpu.memory_space<vmem>>, vector<1x1x16xf32>,
        %get3A_521 = vector.shape_cast %get3A_520 : vector<1x1x16xf32> to vector<16xf32>
        %add3A_522 = arith.addf %add3A_492, %get3A_521 : vector<16xf32>
        %get3A_523 = arith.constant 0 : i32
        %get3A_524 = arith.index_cast %get3A_523 : i32 to index
        %get3A_525 = arith.index_cast %scan3A_501 : i32 to index
        %get3A_526 = arith.constant 48 : index
        %get3A_527 = tpu.vector_load %arg6[%get3A_524, %get3A_525, %get3A_526] {strides = array<i32>} : memref<4x200x64xf32, #tpu.memory_space<vmem>>, vector<1x1x16xf32>,
        %get3A_528 = vector.shape_cast %get3A_527 : vector<1x1x16xf32> to vector<16xf32>
        %add3A_529 = arith.addf %add3A_499, %get3A_528 : vector<16xf32>
        %scan3A_530 = arith.constant 6 : i32
        %scan3A_531 = arith.addi %scan3A_348, %scan3A_530 : i32
        %get3A_532 = arith.constant 0 : i32
        %get3A_533 = arith.index_cast %get3A_532 : i32 to index
        %get3A_534 = arith.index_cast %scan3A_531 : i32 to index
        %get3A_535 = arith.constant 0 : index
        %get3A_536 = tpu.vector_load %arg6[%get3A_533, %get3A_534, %get3A_535] {strides = array<i32>} : memref<4x200x64xf32, #tpu.memory_space<vmem>>, vector<1x1x16xf32>,
        %get3A_537 = vector.shape_cast %get3A_536 : vector<1x1x16xf32> to vector<16xf32>
        %add3A_538 = arith.addf %add3A_508, %get3A_537 : vector<16xf32>
        %get3A_539 = arith.constant 0 : i32
        %get3A_540 = arith.index_cast %get3A_539 : i32 to index
        %get3A_541 = arith.index_cast %scan3A_531 : i32 to index
        %get3A_542 = arith.constant 16 : index
        %get3A_543 = tpu.vector_load %arg6[%get3A_540, %get3A_541, %get3A_542] {strides = array<i32>} : memref<4x200x64xf32, #tpu.memory_space<vmem>>, vector<1x1x16xf32>,
        %get3A_544 = vector.shape_cast %get3A_543 : vector<1x1x16xf32> to vector<16xf32>
        %add3A_545 = arith.addf %add3A_515, %get3A_544 : vector<16xf32>
        %get3A_546 = arith.constant 0 : i32
        %get3A_547 = arith.index_cast %get3A_546 : i32 to index
        %get3A_548 = arith.index_cast %scan3A_531 : i32 to index
        %get3A_549 = arith.constant 32 : index
        %get3A_550 = tpu.vector_load %arg6[%get3A_547, %get3A_548, %get3A_549] {strides = array<i32>} : memref<4x200x64xf32, #tpu.memory_space<vmem>>, vector<1x1x16xf32>,
        %get3A_551 = vector.shape_cast %get3A_550 : vector<1x1x16xf32> to vector<16xf32>
        %add3A_552 = arith.addf %add3A_522, %get3A_551 : vector<16xf32>
        %get3A_553 = arith.constant 0 : i32
        %get3A_554 = arith.index_cast %get3A_553 : i32 to index
        %get3A_555 = arith.index_cast %scan3A_531 : i32 to index
        %get3A_556 = arith.constant 48 : index
        %get3A_557 = tpu.vector_load %arg6[%get3A_554, %get3A_555, %get3A_556] {strides = array<i32>} : memref<4x200x64xf32, #tpu.memory_space<vmem>>, vector<1x1x16xf32>,
        %get3A_558 = vector.shape_cast %get3A_557 : vector<1x1x16xf32> to vector<16xf32>
        %add3A_559 = arith.addf %add3A_529, %get3A_558 : vector<16xf32>
        %scan3A_560 = arith.constant 7 : i32
        %scan3A_561 = arith.addi %scan3A_348, %scan3A_560 : i32
        %get3A_562 = arith.constant 0 : i32
        %get3A_563 = arith.index_cast %get3A_562 : i32 to index
        %get3A_564 = arith.index_cast %scan3A_561 : i32 to index
        %get3A_565 = arith.constant 0 : index
        %get3A_566 = tpu.vector_load %arg6[%get3A_563, %get3A_564, %get3A_565] {strides = array<i32>} : memref<4x200x64xf32, #tpu.memory_space<vmem>>, vector<1x1x16xf32>,
        %get3A_567 = vector.shape_cast %get3A_566 : vector<1x1x16xf32> to vector<16xf32>
        %add3A_568 = arith.addf %add3A_538, %get3A_567 : vector<16xf32>
        %get3A_569 = arith.constant 0 : i32
        %get3A_570 = arith.index_cast %get3A_569 : i32 to index
        %get3A_571 = arith.index_cast %scan3A_561 : i32 to index
        %get3A_572 = arith.constant 16 : index
        %get3A_573 = tpu.vector_load %arg6[%get3A_570, %get3A_571, %get3A_572] {strides = array<i32>} : memref<4x200x64xf32, #tpu.memory_space<vmem>>, vector<1x1x16xf32>,
        %get3A_574 = vector.shape_cast %get3A_573 : vector<1x1x16xf32> to vector<16xf32>
        %add3A_575 = arith.addf %add3A_545, %get3A_574 : vector<16xf32>
        %get3A_576 = arith.constant 0 : i32
        %get3A_577 = arith.index_cast %get3A_576 : i32 to index
        %get3A_578 = arith.index_cast %scan3A_561 : i32 to index
        %get3A_579 = arith.constant 32 : index
        %get3A_580 = tpu.vector_load %arg6[%get3A_577, %get3A_578, %get3A_579] {strides = array<i32>} : memref<4x200x64xf32, #tpu.memory_space<vmem>>, vector<1x1x16xf32>,
        %get3A_581 = vector.shape_cast %get3A_580 : vector<1x1x16xf32> to vector<16xf32>
        %add3A_582 = arith.addf %add3A_552, %get3A_581 : vector<16xf32>
        %get3A_583 = arith.constant 0 : i32
        %get3A_584 = arith.index_cast %get3A_583 : i32 to index
        %get3A_585 = arith.index_cast %scan3A_561 : i32 to index
        %get3A_586 = arith.constant 48 : index
        %get3A_587 = tpu.vector_load %arg6[%get3A_584, %get3A_585, %get3A_586] {strides = array<i32>} : memref<4x200x64xf32, #tpu.memory_space<vmem>>, vector<1x1x16xf32>,
        %get3A_588 = vector.shape_cast %get3A_587 : vector<1x1x16xf32> to vector<16xf32>
        %add3A_589 = arith.addf %add3A_559, %get3A_588 : vector<16xf32>
        scf.yield %add3A_568, %add3A_575, %add3A_582, %add3A_589 : vector<16xf32>, vector<16xf32>, vector<16xf32>, vector<16xf32>
      }
      %scan3A_111 = arith.constant 200 : i32
      %mul3A_112 = arith.constant 5.000000e-03 : f32
      %mul3A_113 = vector.broadcast %mul3A_112 : f32 to vector<16xf32>
      %mul3A_114 = arith.mulf %scan3A_110#0, %mul3A_113 : vector<16xf32>
      %swap3A = arith.index_cast %add3A_85 : i32 to index
      %swap3A_115 = arith.constant 0 : index
      %swap3A_116 = tpu.vector_load %arg7[%swap3A, %swap3A_115] {strides = array<i32>} : memref<128x64xf32, #tpu.memory_space<vmem>>, vector<1x16xf32>,
      %swap3A_117 = vector.shape_cast %swap3A_116 : vector<1x16xf32> to vector<16xf32>
      %swap3A_118 = vector.shape_cast %mul3A_114 : vector<16xf32> to vector<1x16xf32>
      tpu.vector_store %arg7[%swap3A, %swap3A_115], %swap3A_118 {strides = array<i32>} : memref<128x64xf32, #tpu.memory_space<vmem>>, vector<1x16xf32>,
      %mul3A_119 = arith.constant 5.000000e-03 : f32
      %mul3A_120 = vector.broadcast %mul3A_119 : f32 to vector<16xf32>
      %mul3A_121 = arith.mulf %scan3A_110#1, %mul3A_120 : vector<16xf32>
      %swap3A_122 = arith.index_cast %add3A_85 : i32 to index
      %swap3A_123 = arith.constant 16 : index
      %swap3A_124 = tpu.vector_load %arg7[%swap3A_122, %swap3A_123] {strides = array<i32>} : memref<128x64xf32, #tpu.memory_space<vmem>>, vector<1x16xf32>,
      %swap3A_125 = vector.shape_cast %swap3A_124 : vector<1x16xf32> to vector<16xf32>
      %swap3A_126 = vector.shape_cast %mul3A_121 : vector<16xf32> to vector<1x16xf32>
      tpu.vector_store %arg7[%swap3A_122, %swap3A_123], %swap3A_126 {strides = array<i32>} : memref<128x64xf32, #tpu.memory_space<vmem>>, vector<1x16xf32>,
      %mul3A_127 = arith.constant 5.000000e-03 : f32
      %mul3A_128 = vector.broadcast %mul3A_127 : f32 to vector<16xf32>
      %mul3A_129 = arith.mulf %scan3A_110#2, %mul3A_128 : vector<16xf32>
      %swap3A_130 = arith.index_cast %add3A_85 : i32 to index
      %swap3A_131 = arith.constant 32 : index
      %swap3A_132 = tpu.vector_load %arg7[%swap3A_130, %swap3A_131] {strides = array<i32>} : memref<128x64xf32, #tpu.memory_space<vmem>>, vector<1x16xf32>,
      %swap3A_133 = vector.shape_cast %swap3A_132 : vector<1x16xf32> to vector<16xf32>
      %swap3A_134 = vector.shape_cast %mul3A_129 : vector<16xf32> to vector<1x16xf32>
      tpu.vector_store %arg7[%swap3A_130, %swap3A_131], %swap3A_134 {strides = array<i32>} : memref<128x64xf32, #tpu.memory_space<vmem>>, vector<1x16xf32>,
      %mul3A_135 = arith.constant 5.000000e-03 : f32
      %mul3A_136 = vector.broadcast %mul3A_135 : f32 to vector<16xf32>
      %mul3A_137 = arith.mulf %scan3A_110#3, %mul3A_136 : vector<16xf32>
      %swap3A_138 = arith.index_cast %add3A_85 : i32 to index
      %swap3A_139 = arith.constant 48 : index
      %swap3A_140 = tpu.vector_load %arg7[%swap3A_138, %swap3A_139] {strides = array<i32>} : memref<128x64xf32, #tpu.memory_space<vmem>>, vector<1x16xf32>,
      %swap3A_141 = vector.shape_cast %swap3A_140 : vector<1x16xf32> to vector<16xf32>
      %swap3A_142 = vector.shape_cast %mul3A_137 : vector<16xf32> to vector<1x16xf32>
      tpu.vector_store %arg7[%swap3A_138, %swap3A_139], %swap3A_142 {strides = array<i32>} : memref<128x64xf32, #tpu.memory_space<vmem>>, vector<1x16xf32>,
      %mul3A_143 = arith.constant 4 : i32
      %mul3A_144 = arith.muli %scan3A_80, %mul3A_143 : i32
      %add3A_145 = arith.constant 1 : i32
      %add3A_146 = arith.addi %mul3A_144, %add3A_145 : i32
      %add3A_147 = arith.constant 4 : i32
      %add3A_148 = arith.addi %add3A_146, %add3A_147 : i32
      %sub3A_149 = arith.constant 1 : i32
      %sub3A_150 = arith.subi %add3A_148, %sub3A_149 : i32
      %lt3A_151 = arith.constant 128 : i32
      %lt3A_152 = arith.cmpi slt, %sub3A_150, %lt3A_151 : i32
      %convert_element_type3A_153 = arith.extui %lt3A_152 : i1 to i32
      %cond3A_154 = arith.constant 0 : i32
      %cond3A_155 = arith.cmpi ne, %convert_element_type3A_153, %cond3A_154 : i32
      scf.if %cond3A_155 {
        %dma_start3A_348 = arith.constant 0 : i32
        %dma_start3A_349 = arith.constant 0 : i32
        %dma_start3A_350 = arith.constant 0 : i32
        %dma_start3A_351 = tpu.memref_slice %arg6[%dma_start3A_348, %dma_start3A_349, %dma_start3A_350] : memref<4x200x64xf32, #tpu.memory_space<vmem>> -> memref<1x128x64xf32, #tpu.memory_space<vmem>>
        %dma_start3A_352 = tpu.memref_squeeze %dma_start3A_351 : memref<1x128x64xf32, #tpu.memory_space<vmem>> -> memref<128x64xf32, #tpu.memory_space<vmem>>
        %dma_start3A_353 = arith.constant 0 : i32
        %dma_start3A_354 = tpu.memref_slice %arg5[%sub3A_150, %dma_start3A_353] : memref<128x200xi32, #tpu.memory_space<vmem>> -> memref<1x128xi32, #tpu.memory_space<vmem>>
        %dma_start3A_355 = tpu.memref_squeeze %dma_start3A_354 : memref<1x128xi32, #tpu.memory_space<vmem>> -> memref<128xi32, #tpu.memory_space<vmem>>
        %dma_start3A_356 = arith.constant 0 : i32
        %dma_start3A_357 = arith.constant 0 : i32
        %dma_start3A_358 = tpu.memref_slice %arg3[%dma_start3A_356, %dma_start3A_357] : memref<1000000x64xf32, #tpu.memory_space<hbm>> -> memref<1000000x64xf32, #tpu.memory_space<hbm>>
        tpu.enqueue_indirect_dma source(%dma_start3A_358 : memref<1000000x64xf32, #tpu.memory_space<hbm>>) target(%dma_start3A_352 : memref<128x64xf32, #tpu.memory_space<vmem>>) offsets(%dma_start3A_355 : memref<128xi32, #tpu.memory_space<vmem>>) semaphore(%arg8 : memref<!tpu.dma_semaphore, #tpu.memory_space<semaphore_mem>>)
        %dma_start3A_359 = arith.constant 0 : i32
        %dma_start3A_360 = arith.constant 128 : i32
        %dma_start3A_361 = arith.constant 0 : i32
        %dma_start3A_362 = tpu.memref_slice %arg6[%dma_start3A_359, %dma_start3A_360, %dma_start3A_361] : memref<4x200x64xf32, #tpu.memory_space<vmem>> -> memref<1x72x64xf32, #tpu.memory_space<vmem>>
        %dma_start3A_363 = tpu.memref_squeeze %dma_start3A_362 : memref<1x72x64xf32, #tpu.memory_space<vmem>> -> memref<72x64xf32, #tpu.memory_space<vmem>>
        %dma_start3A_364 = arith.constant 128 : i32
        %dma_start3A_365 = tpu.memref_slice %arg5[%sub3A_150, %dma_start3A_364] : memref<128x200xi32, #tpu.memory_space<vmem>> -> memref<1x72xi32, #tpu.memory_space<vmem>>
        %dma_start3A_366 = tpu.memref_squeeze %dma_start3A_365 : memref<1x72xi32, #tpu.memory_space<vmem>> -> memref<72xi32, #tpu.memory_space<vmem>>
        %dma_start3A_367 = arith.constant 0 : i32
        %dma_start3A_368 = arith.constant 0 : i32
        %dma_start3A_369 = tpu.memref_slice %arg3[%dma_start3A_367, %dma_start3A_368] : memref<1000000x64xf32, #tpu.memory_space<hbm>> -> memref<1000000x64xf32, #tpu.memory_space<hbm>>
        tpu.enqueue_indirect_dma source(%dma_start3A_369 : memref<1000000x64xf32, #tpu.memory_space<hbm>>) target(%dma_start3A_363 : memref<72x64xf32, #tpu.memory_space<vmem>>) offsets(%dma_start3A_366 : memref<72xi32, #tpu.memory_space<vmem>>) semaphore(%arg8 : memref<!tpu.dma_semaphore, #tpu.memory_space<semaphore_mem>>)
      } else {
      }
      %dma_wait3A_156 = arith.constant 1 : i32
      %dma_wait3A_157 = arith.constant 0 : i32
      %dma_wait3A_158 = arith.constant 0 : i32
      %dma_wait3A_159 = tpu.memref_slice %arg6[%dma_wait3A_156, %dma_wait3A_157, %dma_wait3A_158] : memref<4x200x64xf32, #tpu.memory_space<vmem>> -> memref<1x200x64xf32, #tpu.memory_space<vmem>>
      %dma_wait3A_160 = tpu.memref_squeeze %dma_wait3A_159 : memref<1x200x64xf32, #tpu.memory_space<vmem>> -> memref<200x64xf32, #tpu.memory_space<vmem>>
      %dma_wait3A_161 = arith.constant 0 : i32
      %dma_wait3A_162 = arith.constant 0 : i32
      %dma_wait3A_163 = tpu.memref_slice %arg3[%dma_wait3A_161, %dma_wait3A_162] : memref<1000000x64xf32, #tpu.memory_space<hbm>> -> memref<200x64xf32, #tpu.memory_space<hbm>>
      %dma_wait3A_164 = arith.constant 0 : i32
      %dma_wait3A_165 = arith.constant 0 : i32
      %dma_wait3A_166 = tpu.memref_slice %arg6[%dma_wait3A_156, %dma_wait3A_164, %dma_wait3A_165] : memref<4x200x64xf32, #tpu.memory_space<vmem>> -> memref<1x200x64xf32, #tpu.memory_space<vmem>>
      %dma_wait3A_167 = tpu.memref_squeeze %dma_wait3A_166 : memref<1x200x64xf32, #tpu.memory_space<vmem>> -> memref<200x64xf32, #tpu.memory_space<vmem>>
      %dma_wait3A_168 = arith.constant 0 : i32
      %dma_wait3A_169 = arith.constant 0 : i32
      %dma_wait3A_170 = tpu.memref_slice %arg3[%dma_wait3A_168, %dma_wait3A_169] : memref<1000000x64xf32, #tpu.memory_space<hbm>> -> memref<200x64xf32, #tpu.memory_space<hbm>>
      tpu.wait_dma2 semaphore(%arg9 : memref<!tpu.dma_semaphore, #tpu.memory_space<semaphore_mem>>) src(%dma_wait3A_170 : memref<200x64xf32, #tpu.memory_space<hbm>>) dst(%dma_wait3A_167 : memref<200x64xf32, #tpu.memory_space<vmem>>)
      %broadcast_in_dim3A_171 = arith.constant 0.000000e+00 : f32
      %broadcast_in_dim3A_172 = vector.broadcast %broadcast_in_dim3A_171 : f32 to vector<16xf32>
      %scan3A_173 = arith.constant 0 : i32
      %scan3A_174 = arith.constant 200 : i32
      %scan3A_175 = arith.addi %scan3A_173, %scan3A_174 : i32
      %scan3A_176 = arith.constant 8 : i32
      %scan3A_177:4 = scf.for %scan3A_348 = %scan3A_173 to %scan3A_175 step %scan3A_176 iter_args(%scan3A_349 = %broadcast_in_dim3A_172, %scan3A_350 = %broadcast_in_dim3A_172, %scan3A_351 = %broadcast_in_dim3A_172, %scan3A_352 = %broadcast_in_dim3A_172) -> (vector<16xf32>, vector<16xf32>, vector<16xf32>, vector<16xf32>)  : i32 {
        %get3A = arith.constant 1 : i32
        %get3A_353 = arith.index_cast %get3A : i32 to index
        %get3A_354 = arith.index_cast %scan3A_348 : i32 to index
        %get3A_355 = arith.constant 0 : index
        %get3A_356 = tpu.vector_load %arg6[%get3A_353, %get3A_354, %get3A_355] {strides = array<i32>} : memref<4x200x64xf32, #tpu.memory_space<vmem>>, vector<1x1x16xf32>,
        %get3A_357 = vector.shape_cast %get3A_356 : vector<1x1x16xf32> to vector<16xf32>
        %add3A_358 = arith.addf %scan3A_349, %get3A_357 : vector<16xf32>
        %get3A_359 = arith.constant 1 : i32
        %get3A_360 = arith.index_cast %get3A_359 : i32 to index
        %get3A_361 = arith.index_cast %scan3A_348 : i32 to index
        %get3A_362 = arith.constant 16 : index
        %get3A_363 = tpu.vector_load %arg6[%get3A_360, %get3A_361, %get3A_362] {strides = array<i32>} : memref<4x200x64xf32, #tpu.memory_space<vmem>>, vector<1x1x16xf32>,
        %get3A_364 = vector.shape_cast %get3A_363 : vector<1x1x16xf32> to vector<16xf32>
        %add3A_365 = arith.addf %scan3A_350, %get3A_364 : vector<16xf32>
        %get3A_366 = arith.constant 1 : i32
        %get3A_367 = arith.index_cast %get3A_366 : i32 to index
        %get3A_368 = arith.index_cast %scan3A_348 : i32 to index
        %get3A_369 = arith.constant 32 : index
        %get3A_370 = tpu.vector_load %arg6[%get3A_367, %get3A_368, %get3A_369] {strides = array<i32>} : memref<4x200x64xf32, #tpu.memory_space<vmem>>, vector<1x1x16xf32>,
        %get3A_371 = vector.shape_cast %get3A_370 : vector<1x1x16xf32> to vector<16xf32>
        %add3A_372 = arith.addf %scan3A_351, %get3A_371 : vector<16xf32>
        %get3A_373 = arith.constant 1 : i32
        %get3A_374 = arith.index_cast %get3A_373 : i32 to index
        %get3A_375 = arith.index_cast %scan3A_348 : i32 to index
        %get3A_376 = arith.constant 48 : index
        %get3A_377 = tpu.vector_load %arg6[%get3A_374, %get3A_375, %get3A_376] {strides = array<i32>} : memref<4x200x64xf32, #tpu.memory_space<vmem>>, vector<1x1x16xf32>,
        %get3A_378 = vector.shape_cast %get3A_377 : vector<1x1x16xf32> to vector<16xf32>
        %add3A_379 = arith.addf %scan3A_352, %get3A_378 : vector<16xf32>
        %scan3A_380 = arith.constant 1 : i32
        %scan3A_381 = arith.addi %scan3A_348, %scan3A_380 : i32
        %get3A_382 = arith.constant 1 : i32
        %get3A_383 = arith.index_cast %get3A_382 : i32 to index
        %get3A_384 = arith.index_cast %scan3A_381 : i32 to index
        %get3A_385 = arith.constant 0 : index
        %get3A_386 = tpu.vector_load %arg6[%get3A_383, %get3A_384, %get3A_385] {strides = array<i32>} : memref<4x200x64xf32, #tpu.memory_space<vmem>>, vector<1x1x16xf32>,
        %get3A_387 = vector.shape_cast %get3A_386 : vector<1x1x16xf32> to vector<16xf32>
        %add3A_388 = arith.addf %add3A_358, %get3A_387 : vector<16xf32>
        %get3A_389 = arith.constant 1 : i32
        %get3A_390 = arith.index_cast %get3A_389 : i32 to index
        %get3A_391 = arith.index_cast %scan3A_381 : i32 to index
        %get3A_392 = arith.constant 16 : index
        %get3A_393 = tpu.vector_load %arg6[%get3A_390, %get3A_391, %get3A_392] {strides = array<i32>} : memref<4x200x64xf32, #tpu.memory_space<vmem>>, vector<1x1x16xf32>,
        %get3A_394 = vector.shape_cast %get3A_393 : vector<1x1x16xf32> to vector<16xf32>
        %add3A_395 = arith.addf %add3A_365, %get3A_394 : vector<16xf32>
        %get3A_396 = arith.constant 1 : i32
        %get3A_397 = arith.index_cast %get3A_396 : i32 to index
        %get3A_398 = arith.index_cast %scan3A_381 : i32 to index
        %get3A_399 = arith.constant 32 : index
        %get3A_400 = tpu.vector_load %arg6[%get3A_397, %get3A_398, %get3A_399] {strides = array<i32>} : memref<4x200x64xf32, #tpu.memory_space<vmem>>, vector<1x1x16xf32>,
        %get3A_401 = vector.shape_cast %get3A_400 : vector<1x1x16xf32> to vector<16xf32>
        %add3A_402 = arith.addf %add3A_372, %get3A_401 : vector<16xf32>
        %get3A_403 = arith.constant 1 : i32
        %get3A_404 = arith.index_cast %get3A_403 : i32 to index
        %get3A_405 = arith.index_cast %scan3A_381 : i32 to index
        %get3A_406 = arith.constant 48 : index
        %get3A_407 = tpu.vector_load %arg6[%get3A_404, %get3A_405, %get3A_406] {strides = array<i32>} : memref<4x200x64xf32, #tpu.memory_space<vmem>>, vector<1x1x16xf32>,
        %get3A_408 = vector.shape_cast %get3A_407 : vector<1x1x16xf32> to vector<16xf32>
        %add3A_409 = arith.addf %add3A_379, %get3A_408 : vector<16xf32>
        %scan3A_410 = arith.constant 2 : i32
        %scan3A_411 = arith.addi %scan3A_348, %scan3A_410 : i32
        %get3A_412 = arith.constant 1 : i32
        %get3A_413 = arith.index_cast %get3A_412 : i32 to index
        %get3A_414 = arith.index_cast %scan3A_411 : i32 to index
        %get3A_415 = arith.constant 0 : index
        %get3A_416 = tpu.vector_load %arg6[%get3A_413, %get3A_414, %get3A_415] {strides = array<i32>} : memref<4x200x64xf32, #tpu.memory_space<vmem>>, vector<1x1x16xf32>,
        %get3A_417 = vector.shape_cast %get3A_416 : vector<1x1x16xf32> to vector<16xf32>
        %add3A_418 = arith.addf %add3A_388, %get3A_417 : vector<16xf32>
        %get3A_419 = arith.constant 1 : i32
        %get3A_420 = arith.index_cast %get3A_419 : i32 to index
        %get3A_421 = arith.index_cast %scan3A_411 : i32 to index
        %get3A_422 = arith.constant 16 : index
        %get3A_423 = tpu.vector_load %arg6[%get3A_420, %get3A_421, %get3A_422] {strides = array<i32>} : memref<4x200x64xf32, #tpu.memory_space<vmem>>, vector<1x1x16xf32>,
        %get3A_424 = vector.shape_cast %get3A_423 : vector<1x1x16xf32> to vector<16xf32>
        %add3A_425 = arith.addf %add3A_395, %get3A_424 : vector<16xf32>
        %get3A_426 = arith.constant 1 : i32
        %get3A_427 = arith.index_cast %get3A_426 : i32 to index
        %get3A_428 = arith.index_cast %scan3A_411 : i32 to index
        %get3A_429 = arith.constant 32 : index
        %get3A_430 = tpu.vector_load %arg6[%get3A_427, %get3A_428, %get3A_429] {strides = array<i32>} : memref<4x200x64xf32, #tpu.memory_space<vmem>>, vector<1x1x16xf32>,
        %get3A_431 = vector.shape_cast %get3A_430 : vector<1x1x16xf32> to vector<16xf32>
        %add3A_432 = arith.addf %add3A_402, %get3A_431 : vector<16xf32>
        %get3A_433 = arith.constant 1 : i32
        %get3A_434 = arith.index_cast %get3A_433 : i32 to index
        %get3A_435 = arith.index_cast %scan3A_411 : i32 to index
        %get3A_436 = arith.constant 48 : index
        %get3A_437 = tpu.vector_load %arg6[%get3A_434, %get3A_435, %get3A_436] {strides = array<i32>} : memref<4x200x64xf32, #tpu.memory_space<vmem>>, vector<1x1x16xf32>,
        %get3A_438 = vector.shape_cast %get3A_437 : vector<1x1x16xf32> to vector<16xf32>
        %add3A_439 = arith.addf %add3A_409, %get3A_438 : vector<16xf32>
        %scan3A_440 = arith.constant 3 : i32
        %scan3A_441 = arith.addi %scan3A_348, %scan3A_440 : i32
        %get3A_442 = arith.constant 1 : i32
        %get3A_443 = arith.index_cast %get3A_442 : i32 to index
        %get3A_444 = arith.index_cast %scan3A_441 : i32 to index
        %get3A_445 = arith.constant 0 : index
        %get3A_446 = tpu.vector_load %arg6[%get3A_443, %get3A_444, %get3A_445] {strides = array<i32>} : memref<4x200x64xf32, #tpu.memory_space<vmem>>, vector<1x1x16xf32>,
        %get3A_447 = vector.shape_cast %get3A_446 : vector<1x1x16xf32> to vector<16xf32>
        %add3A_448 = arith.addf %add3A_418, %get3A_447 : vector<16xf32>
        %get3A_449 = arith.constant 1 : i32
        %get3A_450 = arith.index_cast %get3A_449 : i32 to index
        %get3A_451 = arith.index_cast %scan3A_441 : i32 to index
        %get3A_452 = arith.constant 16 : index
        %get3A_453 = tpu.vector_load %arg6[%get3A_450, %get3A_451, %get3A_452] {strides = array<i32>} : memref<4x200x64xf32, #tpu.memory_space<vmem>>, vector<1x1x16xf32>,
        %get3A_454 = vector.shape_cast %get3A_453 : vector<1x1x16xf32> to vector<16xf32>
        %add3A_455 = arith.addf %add3A_425, %get3A_454 : vector<16xf32>
        %get3A_456 = arith.constant 1 : i32
        %get3A_457 = arith.index_cast %get3A_456 : i32 to index
        %get3A_458 = arith.index_cast %scan3A_441 : i32 to index
        %get3A_459 = arith.constant 32 : index
        %get3A_460 = tpu.vector_load %arg6[%get3A_457, %get3A_458, %get3A_459] {strides = array<i32>} : memref<4x200x64xf32, #tpu.memory_space<vmem>>, vector<1x1x16xf32>,
        %get3A_461 = vector.shape_cast %get3A_460 : vector<1x1x16xf32> to vector<16xf32>
        %add3A_462 = arith.addf %add3A_432, %get3A_461 : vector<16xf32>
        %get3A_463 = arith.constant 1 : i32
        %get3A_464 = arith.index_cast %get3A_463 : i32 to index
        %get3A_465 = arith.index_cast %scan3A_441 : i32 to index
        %get3A_466 = arith.constant 48 : index
        %get3A_467 = tpu.vector_load %arg6[%get3A_464, %get3A_465, %get3A_466] {strides = array<i32>} : memref<4x200x64xf32, #tpu.memory_space<vmem>>, vector<1x1x16xf32>,
        %get3A_468 = vector.shape_cast %get3A_467 : vector<1x1x16xf32> to vector<16xf32>
        %add3A_469 = arith.addf %add3A_439, %get3A_468 : vector<16xf32>
        %scan3A_470 = arith.constant 4 : i32
        %scan3A_471 = arith.addi %scan3A_348, %scan3A_470 : i32
        %get3A_472 = arith.constant 1 : i32
        %get3A_473 = arith.index_cast %get3A_472 : i32 to index
        %get3A_474 = arith.index_cast %scan3A_471 : i32 to index
        %get3A_475 = arith.constant 0 : index
        %get3A_476 = tpu.vector_load %arg6[%get3A_473, %get3A_474, %get3A_475] {strides = array<i32>} : memref<4x200x64xf32, #tpu.memory_space<vmem>>, vector<1x1x16xf32>,
        %get3A_477 = vector.shape_cast %get3A_476 : vector<1x1x16xf32> to vector<16xf32>
        %add3A_478 = arith.addf %add3A_448, %get3A_477 : vector<16xf32>
        %get3A_479 = arith.constant 1 : i32
        %get3A_480 = arith.index_cast %get3A_479 : i32 to index
        %get3A_481 = arith.index_cast %scan3A_471 : i32 to index
        %get3A_482 = arith.constant 16 : index
        %get3A_483 = tpu.vector_load %arg6[%get3A_480, %get3A_481, %get3A_482] {strides = array<i32>} : memref<4x200x64xf32, #tpu.memory_space<vmem>>, vector<1x1x16xf32>,
        %get3A_484 = vector.shape_cast %get3A_483 : vector<1x1x16xf32> to vector<16xf32>
        %add3A_485 = arith.addf %add3A_455, %get3A_484 : vector<16xf32>
        %get3A_486 = arith.constant 1 : i32
        %get3A_487 = arith.index_cast %get3A_486 : i32 to index
        %get3A_488 = arith.index_cast %scan3A_471 : i32 to index
        %get3A_489 = arith.constant 32 : index
        %get3A_490 = tpu.vector_load %arg6[%get3A_487, %get3A_488, %get3A_489] {strides = array<i32>} : memref<4x200x64xf32, #tpu.memory_space<vmem>>, vector<1x1x16xf32>,
        %get3A_491 = vector.shape_cast %get3A_490 : vector<1x1x16xf32> to vector<16xf32>
        %add3A_492 = arith.addf %add3A_462, %get3A_491 : vector<16xf32>
        %get3A_493 = arith.constant 1 : i32
        %get3A_494 = arith.index_cast %get3A_493 : i32 to index
        %get3A_495 = arith.index_cast %scan3A_471 : i32 to index
        %get3A_496 = arith.constant 48 : index
        %get3A_497 = tpu.vector_load %arg6[%get3A_494, %get3A_495, %get3A_496] {strides = array<i32>} : memref<4x200x64xf32, #tpu.memory_space<vmem>>, vector<1x1x16xf32>,
        %get3A_498 = vector.shape_cast %get3A_497 : vector<1x1x16xf32> to vector<16xf32>
        %add3A_499 = arith.addf %add3A_469, %get3A_498 : vector<16xf32>
        %scan3A_500 = arith.constant 5 : i32
        %scan3A_501 = arith.addi %scan3A_348, %scan3A_500 : i32
        %get3A_502 = arith.constant 1 : i32
        %get3A_503 = arith.index_cast %get3A_502 : i32 to index
        %get3A_504 = arith.index_cast %scan3A_501 : i32 to index
        %get3A_505 = arith.constant 0 : index
        %get3A_506 = tpu.vector_load %arg6[%get3A_503, %get3A_504, %get3A_505] {strides = array<i32>} : memref<4x200x64xf32, #tpu.memory_space<vmem>>, vector<1x1x16xf32>,
        %get3A_507 = vector.shape_cast %get3A_506 : vector<1x1x16xf32> to vector<16xf32>
        %add3A_508 = arith.addf %add3A_478, %get3A_507 : vector<16xf32>
        %get3A_509 = arith.constant 1 : i32
        %get3A_510 = arith.index_cast %get3A_509 : i32 to index
        %get3A_511 = arith.index_cast %scan3A_501 : i32 to index
        %get3A_512 = arith.constant 16 : index
        %get3A_513 = tpu.vector_load %arg6[%get3A_510, %get3A_511, %get3A_512] {strides = array<i32>} : memref<4x200x64xf32, #tpu.memory_space<vmem>>, vector<1x1x16xf32>,
        %get3A_514 = vector.shape_cast %get3A_513 : vector<1x1x16xf32> to vector<16xf32>
        %add3A_515 = arith.addf %add3A_485, %get3A_514 : vector<16xf32>
        %get3A_516 = arith.constant 1 : i32
        %get3A_517 = arith.index_cast %get3A_516 : i32 to index
        %get3A_518 = arith.index_cast %scan3A_501 : i32 to index
        %get3A_519 = arith.constant 32 : index
        %get3A_520 = tpu.vector_load %arg6[%get3A_517, %get3A_518, %get3A_519] {strides = array<i32>} : memref<4x200x64xf32, #tpu.memory_space<vmem>>, vector<1x1x16xf32>,
        %get3A_521 = vector.shape_cast %get3A_520 : vector<1x1x16xf32> to vector<16xf32>
        %add3A_522 = arith.addf %add3A_492, %get3A_521 : vector<16xf32>
        %get3A_523 = arith.constant 1 : i32
        %get3A_524 = arith.index_cast %get3A_523 : i32 to index
        %get3A_525 = arith.index_cast %scan3A_501 : i32 to index
        %get3A_526 = arith.constant 48 : index
        %get3A_527 = tpu.vector_load %arg6[%get3A_524, %get3A_525, %get3A_526] {strides = array<i32>} : memref<4x200x64xf32, #tpu.memory_space<vmem>>, vector<1x1x16xf32>,
        %get3A_528 = vector.shape_cast %get3A_527 : vector<1x1x16xf32> to vector<16xf32>
        %add3A_529 = arith.addf %add3A_499, %get3A_528 : vector<16xf32>
        %scan3A_530 = arith.constant 6 : i32
        %scan3A_531 = arith.addi %scan3A_348, %scan3A_530 : i32
        %get3A_532 = arith.constant 1 : i32
        %get3A_533 = arith.index_cast %get3A_532 : i32 to index
        %get3A_534 = arith.index_cast %scan3A_531 : i32 to index
        %get3A_535 = arith.constant 0 : index
        %get3A_536 = tpu.vector_load %arg6[%get3A_533, %get3A_534, %get3A_535] {strides = array<i32>} : memref<4x200x64xf32, #tpu.memory_space<vmem>>, vector<1x1x16xf32>,
        %get3A_537 = vector.shape_cast %get3A_536 : vector<1x1x16xf32> to vector<16xf32>
        %add3A_538 = arith.addf %add3A_508, %get3A_537 : vector<16xf32>
        %get3A_539 = arith.constant 1 : i32
        %get3A_540 = arith.index_cast %get3A_539 : i32 to index
        %get3A_541 = arith.index_cast %scan3A_531 : i32 to index
        %get3A_542 = arith.constant 16 : index
        %get3A_543 = tpu.vector_load %arg6[%get3A_540, %get3A_541, %get3A_542] {strides = array<i32>} : memref<4x200x64xf32, #tpu.memory_space<vmem>>, vector<1x1x16xf32>,
        %get3A_544 = vector.shape_cast %get3A_543 : vector<1x1x16xf32> to vector<16xf32>
        %add3A_545 = arith.addf %add3A_515, %get3A_544 : vector<16xf32>
        %get3A_546 = arith.constant 1 : i32
        %get3A_547 = arith.index_cast %get3A_546 : i32 to index
        %get3A_548 = arith.index_cast %scan3A_531 : i32 to index
        %get3A_549 = arith.constant 32 : index
        %get3A_550 = tpu.vector_load %arg6[%get3A_547, %get3A_548, %get3A_549] {strides = array<i32>} : memref<4x200x64xf32, #tpu.memory_space<vmem>>, vector<1x1x16xf32>,
        %get3A_551 = vector.shape_cast %get3A_550 : vector<1x1x16xf32> to vector<16xf32>
        %add3A_552 = arith.addf %add3A_522, %get3A_551 : vector<16xf32>
        %get3A_553 = arith.constant 1 : i32
        %get3A_554 = arith.index_cast %get3A_553 : i32 to index
        %get3A_555 = arith.index_cast %scan3A_531 : i32 to index
        %get3A_556 = arith.constant 48 : index
        %get3A_557 = tpu.vector_load %arg6[%get3A_554, %get3A_555, %get3A_556] {strides = array<i32>} : memref<4x200x64xf32, #tpu.memory_space<vmem>>, vector<1x1x16xf32>,
        %get3A_558 = vector.shape_cast %get3A_557 : vector<1x1x16xf32> to vector<16xf32>
        %add3A_559 = arith.addf %add3A_529, %get3A_558 : vector<16xf32>
        %scan3A_560 = arith.constant 7 : i32
        %scan3A_561 = arith.addi %scan3A_348, %scan3A_560 : i32
        %get3A_562 = arith.constant 1 : i32
        %get3A_563 = arith.index_cast %get3A_562 : i32 to index
        %get3A_564 = arith.index_cast %scan3A_561 : i32 to index
        %get3A_565 = arith.constant 0 : index
        %get3A_566 = tpu.vector_load %arg6[%get3A_563, %get3A_564, %get3A_565] {strides = array<i32>} : memref<4x200x64xf32, #tpu.memory_space<vmem>>, vector<1x1x16xf32>,
        %get3A_567 = vector.shape_cast %get3A_566 : vector<1x1x16xf32> to vector<16xf32>
        %add3A_568 = arith.addf %add3A_538, %get3A_567 : vector<16xf32>
        %get3A_569 = arith.constant 1 : i32
        %get3A_570 = arith.index_cast %get3A_569 : i32 to index
        %get3A_571 = arith.index_cast %scan3A_561 : i32 to index
        %get3A_572 = arith.constant 16 : index
        %get3A_573 = tpu.vector_load %arg6[%get3A_570, %get3A_571, %get3A_572] {strides = array<i32>} : memref<4x200x64xf32, #tpu.memory_space<vmem>>, vector<1x1x16xf32>,
        %get3A_574 = vector.shape_cast %get3A_573 : vector<1x1x16xf32> to vector<16xf32>
        %add3A_575 = arith.addf %add3A_545, %get3A_574 : vector<16xf32>
        %get3A_576 = arith.constant 1 : i32
        %get3A_577 = arith.index_cast %get3A_576 : i32 to index
        %get3A_578 = arith.index_cast %scan3A_561 : i32 to index
        %get3A_579 = arith.constant 32 : index
        %get3A_580 = tpu.vector_load %arg6[%get3A_577, %get3A_578, %get3A_579] {strides = array<i32>} : memref<4x200x64xf32, #tpu.memory_space<vmem>>, vector<1x1x16xf32>,
        %get3A_581 = vector.shape_cast %get3A_580 : vector<1x1x16xf32> to vector<16xf32>
        %add3A_582 = arith.addf %add3A_552, %get3A_581 : vector<16xf32>
        %get3A_583 = arith.constant 1 : i32
        %get3A_584 = arith.index_cast %get3A_583 : i32 to index
        %get3A_585 = arith.index_cast %scan3A_561 : i32 to index
        %get3A_586 = arith.constant 48 : index
        %get3A_587 = tpu.vector_load %arg6[%get3A_584, %get3A_585, %get3A_586] {strides = array<i32>} : memref<4x200x64xf32, #tpu.memory_space<vmem>>, vector<1x1x16xf32>,
        %get3A_588 = vector.shape_cast %get3A_587 : vector<1x1x16xf32> to vector<16xf32>
        %add3A_589 = arith.addf %add3A_559, %get3A_588 : vector<16xf32>
        scf.yield %add3A_568, %add3A_575, %add3A_582, %add3A_589 : vector<16xf32>, vector<16xf32>, vector<16xf32>, vector<16xf32>
      }
      %scan3A_178 = arith.constant 200 : i32
      %mul3A_179 = arith.constant 5.000000e-03 : f32
      %mul3A_180 = vector.broadcast %mul3A_179 : f32 to vector<16xf32>
      %mul3A_181 = arith.mulf %scan3A_177#0, %mul3A_180 : vector<16xf32>
      %swap3A_182 = arith.index_cast %add3A_146 : i32 to index
      %swap3A_183 = arith.constant 0 : index
      %swap3A_184 = tpu.vector_load %arg7[%swap3A_182, %swap3A_183] {strides = array<i32>} : memref<128x64xf32, #tpu.memory_space<vmem>>, vector<1x16xf32>,
      %swap3A_185 = vector.shape_cast %swap3A_184 : vector<1x16xf32> to vector<16xf32>
      %swap3A_186 = vector.shape_cast %mul3A_181 : vector<16xf32> to vector<1x16xf32>
      tpu.vector_store %arg7[%swap3A_182, %swap3A_183], %swap3A_186 {strides = array<i32>} : memref<128x64xf32, #tpu.memory_space<vmem>>, vector<1x16xf32>,
      %mul3A_187 = arith.constant 5.000000e-03 : f32
      %mul3A_188 = vector.broadcast %mul3A_187 : f32 to vector<16xf32>
      %mul3A_189 = arith.mulf %scan3A_177#1, %mul3A_188 : vector<16xf32>
      %swap3A_190 = arith.index_cast %add3A_146 : i32 to index
      %swap3A_191 = arith.constant 16 : index
      %swap3A_192 = tpu.vector_load %arg7[%swap3A_190, %swap3A_191] {strides = array<i32>} : memref<128x64xf32, #tpu.memory_space<vmem>>, vector<1x16xf32>,
      %swap3A_193 = vector.shape_cast %swap3A_192 : vector<1x16xf32> to vector<16xf32>
      %swap3A_194 = vector.shape_cast %mul3A_189 : vector<16xf32> to vector<1x16xf32>
      tpu.vector_store %arg7[%swap3A_190, %swap3A_191], %swap3A_194 {strides = array<i32>} : memref<128x64xf32, #tpu.memory_space<vmem>>, vector<1x16xf32>,
      %mul3A_195 = arith.constant 5.000000e-03 : f32
      %mul3A_196 = vector.broadcast %mul3A_195 : f32 to vector<16xf32>
      %mul3A_197 = arith.mulf %scan3A_177#2, %mul3A_196 : vector<16xf32>
      %swap3A_198 = arith.index_cast %add3A_146 : i32 to index
      %swap3A_199 = arith.constant 32 : index
      %swap3A_200 = tpu.vector_load %arg7[%swap3A_198, %swap3A_199] {strides = array<i32>} : memref<128x64xf32, #tpu.memory_space<vmem>>, vector<1x16xf32>,
      %swap3A_201 = vector.shape_cast %swap3A_200 : vector<1x16xf32> to vector<16xf32>
      %swap3A_202 = vector.shape_cast %mul3A_197 : vector<16xf32> to vector<1x16xf32>
      tpu.vector_store %arg7[%swap3A_198, %swap3A_199], %swap3A_202 {strides = array<i32>} : memref<128x64xf32, #tpu.memory_space<vmem>>, vector<1x16xf32>,
      %mul3A_203 = arith.constant 5.000000e-03 : f32
      %mul3A_204 = vector.broadcast %mul3A_203 : f32 to vector<16xf32>
      %mul3A_205 = arith.mulf %scan3A_177#3, %mul3A_204 : vector<16xf32>
      %swap3A_206 = arith.index_cast %add3A_146 : i32 to index
      %swap3A_207 = arith.constant 48 : index
      %swap3A_208 = tpu.vector_load %arg7[%swap3A_206, %swap3A_207] {strides = array<i32>} : memref<128x64xf32, #tpu.memory_space<vmem>>, vector<1x16xf32>,
      %swap3A_209 = vector.shape_cast %swap3A_208 : vector<1x16xf32> to vector<16xf32>
      %swap3A_210 = vector.shape_cast %mul3A_205 : vector<16xf32> to vector<1x16xf32>
      tpu.vector_store %arg7[%swap3A_206, %swap3A_207], %swap3A_210 {strides = array<i32>} : memref<128x64xf32, #tpu.memory_space<vmem>>, vector<1x16xf32>,
      %mul3A_211 = arith.constant 4 : i32
      %mul3A_212 = arith.muli %scan3A_80, %mul3A_211 : i32
      %add3A_213 = arith.constant 2 : i32
      %add3A_214 = arith.addi %mul3A_212, %add3A_213 : i32
      %add3A_215 = arith.constant 4 : i32
      %add3A_216 = arith.addi %add3A_214, %add3A_215 : i32
      %sub3A_217 = arith.constant 1 : i32
      %sub3A_218 = arith.subi %add3A_216, %sub3A_217 : i32
      %lt3A_219 = arith.constant 128 : i32
      %lt3A_220 = arith.cmpi slt, %sub3A_218, %lt3A_219 : i32
      %convert_element_type3A_221 = arith.extui %lt3A_220 : i1 to i32
      %cond3A_222 = arith.constant 0 : i32
      %cond3A_223 = arith.cmpi ne, %convert_element_type3A_221, %cond3A_222 : i32
      scf.if %cond3A_223 {
        %dma_start3A_348 = arith.constant 1 : i32
        %dma_start3A_349 = arith.constant 0 : i32
        %dma_start3A_350 = arith.constant 0 : i32
        %dma_start3A_351 = tpu.memref_slice %arg6[%dma_start3A_348, %dma_start3A_349, %dma_start3A_350] : memref<4x200x64xf32, #tpu.memory_space<vmem>> -> memref<1x128x64xf32, #tpu.memory_space<vmem>>
        %dma_start3A_352 = tpu.memref_squeeze %dma_start3A_351 : memref<1x128x64xf32, #tpu.memory_space<vmem>> -> memref<128x64xf32, #tpu.memory_space<vmem>>
        %dma_start3A_353 = arith.constant 0 : i32
        %dma_start3A_354 = tpu.memref_slice %arg5[%sub3A_218, %dma_start3A_353] : memref<128x200xi32, #tpu.memory_space<vmem>> -> memref<1x128xi32, #tpu.memory_space<vmem>>
        %dma_start3A_355 = tpu.memref_squeeze %dma_start3A_354 : memref<1x128xi32, #tpu.memory_space<vmem>> -> memref<128xi32, #tpu.memory_space<vmem>>
        %dma_start3A_356 = arith.constant 0 : i32
        %dma_start3A_357 = arith.constant 0 : i32
        %dma_start3A_358 = tpu.memref_slice %arg3[%dma_start3A_356, %dma_start3A_357] : memref<1000000x64xf32, #tpu.memory_space<hbm>> -> memref<1000000x64xf32, #tpu.memory_space<hbm>>
        tpu.enqueue_indirect_dma source(%dma_start3A_358 : memref<1000000x64xf32, #tpu.memory_space<hbm>>) target(%dma_start3A_352 : memref<128x64xf32, #tpu.memory_space<vmem>>) offsets(%dma_start3A_355 : memref<128xi32, #tpu.memory_space<vmem>>) semaphore(%arg9 : memref<!tpu.dma_semaphore, #tpu.memory_space<semaphore_mem>>)
        %dma_start3A_359 = arith.constant 1 : i32
        %dma_start3A_360 = arith.constant 128 : i32
        %dma_start3A_361 = arith.constant 0 : i32
        %dma_start3A_362 = tpu.memref_slice %arg6[%dma_start3A_359, %dma_start3A_360, %dma_start3A_361] : memref<4x200x64xf32, #tpu.memory_space<vmem>> -> memref<1x72x64xf32, #tpu.memory_space<vmem>>
        %dma_start3A_363 = tpu.memref_squeeze %dma_start3A_362 : memref<1x72x64xf32, #tpu.memory_space<vmem>> -> memref<72x64xf32, #tpu.memory_space<vmem>>
        %dma_start3A_364 = arith.constant 128 : i32
        %dma_start3A_365 = tpu.memref_slice %arg5[%sub3A_218, %dma_start3A_364] : memref<128x200xi32, #tpu.memory_space<vmem>> -> memref<1x72xi32, #tpu.memory_space<vmem>>
        %dma_start3A_366 = tpu.memref_squeeze %dma_start3A_365 : memref<1x72xi32, #tpu.memory_space<vmem>> -> memref<72xi32, #tpu.memory_space<vmem>>
        %dma_start3A_367 = arith.constant 0 : i32
        %dma_start3A_368 = arith.constant 0 : i32
        %dma_start3A_369 = tpu.memref_slice %arg3[%dma_start3A_367, %dma_start3A_368] : memref<1000000x64xf32, #tpu.memory_space<hbm>> -> memref<1000000x64xf32, #tpu.memory_space<hbm>>
        tpu.enqueue_indirect_dma source(%dma_start3A_369 : memref<1000000x64xf32, #tpu.memory_space<hbm>>) target(%dma_start3A_363 : memref<72x64xf32, #tpu.memory_space<vmem>>) offsets(%dma_start3A_366 : memref<72xi32, #tpu.memory_space<vmem>>) semaphore(%arg9 : memref<!tpu.dma_semaphore, #tpu.memory_space<semaphore_mem>>)
      } else {
      }
      %dma_wait3A_224 = arith.constant 2 : i32
      %dma_wait3A_225 = arith.constant 0 : i32
      %dma_wait3A_226 = arith.constant 0 : i32
      %dma_wait3A_227 = tpu.memref_slice %arg6[%dma_wait3A_224, %dma_wait3A_225, %dma_wait3A_226] : memref<4x200x64xf32, #tpu.memory_space<vmem>> -> memref<1x200x64xf32, #tpu.memory_space<vmem>>
      %dma_wait3A_228 = tpu.memref_squeeze %dma_wait3A_227 : memref<1x200x64xf32, #tpu.memory_space<vmem>> -> memref<200x64xf32, #tpu.memory_space<vmem>>
      %dma_wait3A_229 = arith.constant 0 : i32
      %dma_wait3A_230 = arith.constant 0 : i32
      %dma_wait3A_231 = tpu.memref_slice %arg3[%dma_wait3A_229, %dma_wait3A_230] : memref<1000000x64xf32, #tpu.memory_space<hbm>> -> memref<200x64xf32, #tpu.memory_space<hbm>>
      %dma_wait3A_232 = arith.constant 0 : i32
      %dma_wait3A_233 = arith.constant 0 : i32
      %dma_wait3A_234 = tpu.memref_slice %arg6[%dma_wait3A_224, %dma_wait3A_232, %dma_wait3A_233] : memref<4x200x64xf32, #tpu.memory_space<vmem>> -> memref<1x200x64xf32, #tpu.memory_space<vmem>>
      %dma_wait3A_235 = tpu.memref_squeeze %dma_wait3A_234 : memref<1x200x64xf32, #tpu.memory_space<vmem>> -> memref<200x64xf32, #tpu.memory_space<vmem>>
      %dma_wait3A_236 = arith.constant 0 : i32
      %dma_wait3A_237 = arith.constant 0 : i32
      %dma_wait3A_238 = tpu.memref_slice %arg3[%dma_wait3A_236, %dma_wait3A_237] : memref<1000000x64xf32, #tpu.memory_space<hbm>> -> memref<200x64xf32, #tpu.memory_space<hbm>>
      tpu.wait_dma2 semaphore(%arg10 : memref<!tpu.dma_semaphore, #tpu.memory_space<semaphore_mem>>) src(%dma_wait3A_238 : memref<200x64xf32, #tpu.memory_space<hbm>>) dst(%dma_wait3A_235 : memref<200x64xf32, #tpu.memory_space<vmem>>)
      %broadcast_in_dim3A_239 = arith.constant 0.000000e+00 : f32
      %broadcast_in_dim3A_240 = vector.broadcast %broadcast_in_dim3A_239 : f32 to vector<16xf32>
      %scan3A_241 = arith.constant 0 : i32
      %scan3A_242 = arith.constant 200 : i32
      %scan3A_243 = arith.addi %scan3A_241, %scan3A_242 : i32
      %scan3A_244 = arith.constant 8 : i32
      %scan3A_245:4 = scf.for %scan3A_348 = %scan3A_241 to %scan3A_243 step %scan3A_244 iter_args(%scan3A_349 = %broadcast_in_dim3A_240, %scan3A_350 = %broadcast_in_dim3A_240, %scan3A_351 = %broadcast_in_dim3A_240, %scan3A_352 = %broadcast_in_dim3A_240) -> (vector<16xf32>, vector<16xf32>, vector<16xf32>, vector<16xf32>)  : i32 {
        %get3A = arith.constant 2 : i32
        %get3A_353 = arith.index_cast %get3A : i32 to index
        %get3A_354 = arith.index_cast %scan3A_348 : i32 to index
        %get3A_355 = arith.constant 0 : index
        %get3A_356 = tpu.vector_load %arg6[%get3A_353, %get3A_354, %get3A_355] {strides = array<i32>} : memref<4x200x64xf32, #tpu.memory_space<vmem>>, vector<1x1x16xf32>,
        %get3A_357 = vector.shape_cast %get3A_356 : vector<1x1x16xf32> to vector<16xf32>
        %add3A_358 = arith.addf %scan3A_349, %get3A_357 : vector<16xf32>
        %get3A_359 = arith.constant 2 : i32
        %get3A_360 = arith.index_cast %get3A_359 : i32 to index
        %get3A_361 = arith.index_cast %scan3A_348 : i32 to index
        %get3A_362 = arith.constant 16 : index
        %get3A_363 = tpu.vector_load %arg6[%get3A_360, %get3A_361, %get3A_362] {strides = array<i32>} : memref<4x200x64xf32, #tpu.memory_space<vmem>>, vector<1x1x16xf32>,
        %get3A_364 = vector.shape_cast %get3A_363 : vector<1x1x16xf32> to vector<16xf32>
        %add3A_365 = arith.addf %scan3A_350, %get3A_364 : vector<16xf32>
        %get3A_366 = arith.constant 2 : i32
        %get3A_367 = arith.index_cast %get3A_366 : i32 to index
        %get3A_368 = arith.index_cast %scan3A_348 : i32 to index
        %get3A_369 = arith.constant 32 : index
        %get3A_370 = tpu.vector_load %arg6[%get3A_367, %get3A_368, %get3A_369] {strides = array<i32>} : memref<4x200x64xf32, #tpu.memory_space<vmem>>, vector<1x1x16xf32>,
        %get3A_371 = vector.shape_cast %get3A_370 : vector<1x1x16xf32> to vector<16xf32>
        %add3A_372 = arith.addf %scan3A_351, %get3A_371 : vector<16xf32>
        %get3A_373 = arith.constant 2 : i32
        %get3A_374 = arith.index_cast %get3A_373 : i32 to index
        %get3A_375 = arith.index_cast %scan3A_348 : i32 to index
        %get3A_376 = arith.constant 48 : index
        %get3A_377 = tpu.vector_load %arg6[%get3A_374, %get3A_375, %get3A_376] {strides = array<i32>} : memref<4x200x64xf32, #tpu.memory_space<vmem>>, vector<1x1x16xf32>,
        %get3A_378 = vector.shape_cast %get3A_377 : vector<1x1x16xf32> to vector<16xf32>
        %add3A_379 = arith.addf %scan3A_352, %get3A_378 : vector<16xf32>
        %scan3A_380 = arith.constant 1 : i32
        %scan3A_381 = arith.addi %scan3A_348, %scan3A_380 : i32
        %get3A_382 = arith.constant 2 : i32
        %get3A_383 = arith.index_cast %get3A_382 : i32 to index
        %get3A_384 = arith.index_cast %scan3A_381 : i32 to index
        %get3A_385 = arith.constant 0 : index
        %get3A_386 = tpu.vector_load %arg6[%get3A_383, %get3A_384, %get3A_385] {strides = array<i32>} : memref<4x200x64xf32, #tpu.memory_space<vmem>>, vector<1x1x16xf32>,
        %get3A_387 = vector.shape_cast %get3A_386 : vector<1x1x16xf32> to vector<16xf32>
        %add3A_388 = arith.addf %add3A_358, %get3A_387 : vector<16xf32>
        %get3A_389 = arith.constant 2 : i32
        %get3A_390 = arith.index_cast %get3A_389 : i32 to index
        %get3A_391 = arith.index_cast %scan3A_381 : i32 to index
        %get3A_392 = arith.constant 16 : index
        %get3A_393 = tpu.vector_load %arg6[%get3A_390, %get3A_391, %get3A_392] {strides = array<i32>} : memref<4x200x64xf32, #tpu.memory_space<vmem>>, vector<1x1x16xf32>,
        %get3A_394 = vector.shape_cast %get3A_393 : vector<1x1x16xf32> to vector<16xf32>
        %add3A_395 = arith.addf %add3A_365, %get3A_394 : vector<16xf32>
        %get3A_396 = arith.constant 2 : i32
        %get3A_397 = arith.index_cast %get3A_396 : i32 to index
        %get3A_398 = arith.index_cast %scan3A_381 : i32 to index
        %get3A_399 = arith.constant 32 : index
        %get3A_400 = tpu.vector_load %arg6[%get3A_397, %get3A_398, %get3A_399] {strides = array<i32>} : memref<4x200x64xf32, #tpu.memory_space<vmem>>, vector<1x1x16xf32>,
        %get3A_401 = vector.shape_cast %get3A_400 : vector<1x1x16xf32> to vector<16xf32>
        %add3A_402 = arith.addf %add3A_372, %get3A_401 : vector<16xf32>
        %get3A_403 = arith.constant 2 : i32
        %get3A_404 = arith.index_cast %get3A_403 : i32 to index
        %get3A_405 = arith.index_cast %scan3A_381 : i32 to index
        %get3A_406 = arith.constant 48 : index
        %get3A_407 = tpu.vector_load %arg6[%get3A_404, %get3A_405, %get3A_406] {strides = array<i32>} : memref<4x200x64xf32, #tpu.memory_space<vmem>>, vector<1x1x16xf32>,
        %get3A_408 = vector.shape_cast %get3A_407 : vector<1x1x16xf32> to vector<16xf32>
        %add3A_409 = arith.addf %add3A_379, %get3A_408 : vector<16xf32>
        %scan3A_410 = arith.constant 2 : i32
        %scan3A_411 = arith.addi %scan3A_348, %scan3A_410 : i32
        %get3A_412 = arith.constant 2 : i32
        %get3A_413 = arith.index_cast %get3A_412 : i32 to index
        %get3A_414 = arith.index_cast %scan3A_411 : i32 to index
        %get3A_415 = arith.constant 0 : index
        %get3A_416 = tpu.vector_load %arg6[%get3A_413, %get3A_414, %get3A_415] {strides = array<i32>} : memref<4x200x64xf32, #tpu.memory_space<vmem>>, vector<1x1x16xf32>,
        %get3A_417 = vector.shape_cast %get3A_416 : vector<1x1x16xf32> to vector<16xf32>
        %add3A_418 = arith.addf %add3A_388, %get3A_417 : vector<16xf32>
        %get3A_419 = arith.constant 2 : i32
        %get3A_420 = arith.index_cast %get3A_419 : i32 to index
        %get3A_421 = arith.index_cast %scan3A_411 : i32 to index
        %get3A_422 = arith.constant 16 : index
        %get3A_423 = tpu.vector_load %arg6[%get3A_420, %get3A_421, %get3A_422] {strides = array<i32>} : memref<4x200x64xf32, #tpu.memory_space<vmem>>, vector<1x1x16xf32>,
        %get3A_424 = vector.shape_cast %get3A_423 : vector<1x1x16xf32> to vector<16xf32>
        %add3A_425 = arith.addf %add3A_395, %get3A_424 : vector<16xf32>
        %get3A_426 = arith.constant 2 : i32
        %get3A_427 = arith.index_cast %get3A_426 : i32 to index
        %get3A_428 = arith.index_cast %scan3A_411 : i32 to index
        %get3A_429 = arith.constant 32 : index
        %get3A_430 = tpu.vector_load %arg6[%get3A_427, %get3A_428, %get3A_429] {strides = array<i32>} : memref<4x200x64xf32, #tpu.memory_space<vmem>>, vector<1x1x16xf32>,
        %get3A_431 = vector.shape_cast %get3A_430 : vector<1x1x16xf32> to vector<16xf32>
        %add3A_432 = arith.addf %add3A_402, %get3A_431 : vector<16xf32>
        %get3A_433 = arith.constant 2 : i32
        %get3A_434 = arith.index_cast %get3A_433 : i32 to index
        %get3A_435 = arith.index_cast %scan3A_411 : i32 to index
        %get3A_436 = arith.constant 48 : index
        %get3A_437 = tpu.vector_load %arg6[%get3A_434, %get3A_435, %get3A_436] {strides = array<i32>} : memref<4x200x64xf32, #tpu.memory_space<vmem>>, vector<1x1x16xf32>,
        %get3A_438 = vector.shape_cast %get3A_437 : vector<1x1x16xf32> to vector<16xf32>
        %add3A_439 = arith.addf %add3A_409, %get3A_438 : vector<16xf32>
        %scan3A_440 = arith.constant 3 : i32
        %scan3A_441 = arith.addi %scan3A_348, %scan3A_440 : i32
        %get3A_442 = arith.constant 2 : i32
        %get3A_443 = arith.index_cast %get3A_442 : i32 to index
        %get3A_444 = arith.index_cast %scan3A_441 : i32 to index
        %get3A_445 = arith.constant 0 : index
        %get3A_446 = tpu.vector_load %arg6[%get3A_443, %get3A_444, %get3A_445] {strides = array<i32>} : memref<4x200x64xf32, #tpu.memory_space<vmem>>, vector<1x1x16xf32>,
        %get3A_447 = vector.shape_cast %get3A_446 : vector<1x1x16xf32> to vector<16xf32>
        %add3A_448 = arith.addf %add3A_418, %get3A_447 : vector<16xf32>
        %get3A_449 = arith.constant 2 : i32
        %get3A_450 = arith.index_cast %get3A_449 : i32 to index
        %get3A_451 = arith.index_cast %scan3A_441 : i32 to index
        %get3A_452 = arith.constant 16 : index
        %get3A_453 = tpu.vector_load %arg6[%get3A_450, %get3A_451, %get3A_452] {strides = array<i32>} : memref<4x200x64xf32, #tpu.memory_space<vmem>>, vector<1x1x16xf32>,
        %get3A_454 = vector.shape_cast %get3A_453 : vector<1x1x16xf32> to vector<16xf32>
        %add3A_455 = arith.addf %add3A_425, %get3A_454 : vector<16xf32>
        %get3A_456 = arith.constant 2 : i32
        %get3A_457 = arith.index_cast %get3A_456 : i32 to index
        %get3A_458 = arith.index_cast %scan3A_441 : i32 to index
        %get3A_459 = arith.constant 32 : index
        %get3A_460 = tpu.vector_load %arg6[%get3A_457, %get3A_458, %get3A_459] {strides = array<i32>} : memref<4x200x64xf32, #tpu.memory_space<vmem>>, vector<1x1x16xf32>,
        %get3A_461 = vector.shape_cast %get3A_460 : vector<1x1x16xf32> to vector<16xf32>
        %add3A_462 = arith.addf %add3A_432, %get3A_461 : vector<16xf32>
        %get3A_463 = arith.constant 2 : i32
        %get3A_464 = arith.index_cast %get3A_463 : i32 to index
        %get3A_465 = arith.index_cast %scan3A_441 : i32 to index
        %get3A_466 = arith.constant 48 : index
        %get3A_467 = tpu.vector_load %arg6[%get3A_464, %get3A_465, %get3A_466] {strides = array<i32>} : memref<4x200x64xf32, #tpu.memory_space<vmem>>, vector<1x1x16xf32>,
        %get3A_468 = vector.shape_cast %get3A_467 : vector<1x1x16xf32> to vector<16xf32>
        %add3A_469 = arith.addf %add3A_439, %get3A_468 : vector<16xf32>
        %scan3A_470 = arith.constant 4 : i32
        %scan3A_471 = arith.addi %scan3A_348, %scan3A_470 : i32
        %get3A_472 = arith.constant 2 : i32
        %get3A_473 = arith.index_cast %get3A_472 : i32 to index
        %get3A_474 = arith.index_cast %scan3A_471 : i32 to index
        %get3A_475 = arith.constant 0 : index
        %get3A_476 = tpu.vector_load %arg6[%get3A_473, %get3A_474, %get3A_475] {strides = array<i32>} : memref<4x200x64xf32, #tpu.memory_space<vmem>>, vector<1x1x16xf32>,
        %get3A_477 = vector.shape_cast %get3A_476 : vector<1x1x16xf32> to vector<16xf32>
        %add3A_478 = arith.addf %add3A_448, %get3A_477 : vector<16xf32>
        %get3A_479 = arith.constant 2 : i32
        %get3A_480 = arith.index_cast %get3A_479 : i32 to index
        %get3A_481 = arith.index_cast %scan3A_471 : i32 to index
        %get3A_482 = arith.constant 16 : index
        %get3A_483 = tpu.vector_load %arg6[%get3A_480, %get3A_481, %get3A_482] {strides = array<i32>} : memref<4x200x64xf32, #tpu.memory_space<vmem>>, vector<1x1x16xf32>,
        %get3A_484 = vector.shape_cast %get3A_483 : vector<1x1x16xf32> to vector<16xf32>
        %add3A_485 = arith.addf %add3A_455, %get3A_484 : vector<16xf32>
        %get3A_486 = arith.constant 2 : i32
        %get3A_487 = arith.index_cast %get3A_486 : i32 to index
        %get3A_488 = arith.index_cast %scan3A_471 : i32 to index
        %get3A_489 = arith.constant 32 : index
        %get3A_490 = tpu.vector_load %arg6[%get3A_487, %get3A_488, %get3A_489] {strides = array<i32>} : memref<4x200x64xf32, #tpu.memory_space<vmem>>, vector<1x1x16xf32>,
        %get3A_491 = vector.shape_cast %get3A_490 : vector<1x1x16xf32> to vector<16xf32>
        %add3A_492 = arith.addf %add3A_462, %get3A_491 : vector<16xf32>
        %get3A_493 = arith.constant 2 : i32
        %get3A_494 = arith.index_cast %get3A_493 : i32 to index
        %get3A_495 = arith.index_cast %scan3A_471 : i32 to index
        %get3A_496 = arith.constant 48 : index
        %get3A_497 = tpu.vector_load %arg6[%get3A_494, %get3A_495, %get3A_496] {strides = array<i32>} : memref<4x200x64xf32, #tpu.memory_space<vmem>>, vector<1x1x16xf32>,
        %get3A_498 = vector.shape_cast %get3A_497 : vector<1x1x16xf32> to vector<16xf32>
        %add3A_499 = arith.addf %add3A_469, %get3A_498 : vector<16xf32>
        %scan3A_500 = arith.constant 5 : i32
        %scan3A_501 = arith.addi %scan3A_348, %scan3A_500 : i32
        %get3A_502 = arith.constant 2 : i32
        %get3A_503 = arith.index_cast %get3A_502 : i32 to index
        %get3A_504 = arith.index_cast %scan3A_501 : i32 to index
        %get3A_505 = arith.constant 0 : index
        %get3A_506 = tpu.vector_load %arg6[%get3A_503, %get3A_504, %get3A_505] {strides = array<i32>} : memref<4x200x64xf32, #tpu.memory_space<vmem>>, vector<1x1x16xf32>,
        %get3A_507 = vector.shape_cast %get3A_506 : vector<1x1x16xf32> to vector<16xf32>
        %add3A_508 = arith.addf %add3A_478, %get3A_507 : vector<16xf32>
        %get3A_509 = arith.constant 2 : i32
        %get3A_510 = arith.index_cast %get3A_509 : i32 to index
        %get3A_511 = arith.index_cast %scan3A_501 : i32 to index
        %get3A_512 = arith.constant 16 : index
        %get3A_513 = tpu.vector_load %arg6[%get3A_510, %get3A_511, %get3A_512] {strides = array<i32>} : memref<4x200x64xf32, #tpu.memory_space<vmem>>, vector<1x1x16xf32>,
        %get3A_514 = vector.shape_cast %get3A_513 : vector<1x1x16xf32> to vector<16xf32>
        %add3A_515 = arith.addf %add3A_485, %get3A_514 : vector<16xf32>
        %get3A_516 = arith.constant 2 : i32
        %get3A_517 = arith.index_cast %get3A_516 : i32 to index
        %get3A_518 = arith.index_cast %scan3A_501 : i32 to index
        %get3A_519 = arith.constant 32 : index
        %get3A_520 = tpu.vector_load %arg6[%get3A_517, %get3A_518, %get3A_519] {strides = array<i32>} : memref<4x200x64xf32, #tpu.memory_space<vmem>>, vector<1x1x16xf32>,
        %get3A_521 = vector.shape_cast %get3A_520 : vector<1x1x16xf32> to vector<16xf32>
        %add3A_522 = arith.addf %add3A_492, %get3A_521 : vector<16xf32>
        %get3A_523 = arith.constant 2 : i32
        %get3A_524 = arith.index_cast %get3A_523 : i32 to index
        %get3A_525 = arith.index_cast %scan3A_501 : i32 to index
        %get3A_526 = arith.constant 48 : index
        %get3A_527 = tpu.vector_load %arg6[%get3A_524, %get3A_525, %get3A_526] {strides = array<i32>} : memref<4x200x64xf32, #tpu.memory_space<vmem>>, vector<1x1x16xf32>,
        %get3A_528 = vector.shape_cast %get3A_527 : vector<1x1x16xf32> to vector<16xf32>
        %add3A_529 = arith.addf %add3A_499, %get3A_528 : vector<16xf32>
        %scan3A_530 = arith.constant 6 : i32
        %scan3A_531 = arith.addi %scan3A_348, %scan3A_530 : i32
        %get3A_532 = arith.constant 2 : i32
        %get3A_533 = arith.index_cast %get3A_532 : i32 to index
        %get3A_534 = arith.index_cast %scan3A_531 : i32 to index
        %get3A_535 = arith.constant 0 : index
        %get3A_536 = tpu.vector_load %arg6[%get3A_533, %get3A_534, %get3A_535] {strides = array<i32>} : memref<4x200x64xf32, #tpu.memory_space<vmem>>, vector<1x1x16xf32>,
        %get3A_537 = vector.shape_cast %get3A_536 : vector<1x1x16xf32> to vector<16xf32>
        %add3A_538 = arith.addf %add3A_508, %get3A_537 : vector<16xf32>
        %get3A_539 = arith.constant 2 : i32
        %get3A_540 = arith.index_cast %get3A_539 : i32 to index
        %get3A_541 = arith.index_cast %scan3A_531 : i32 to index
        %get3A_542 = arith.constant 16 : index
        %get3A_543 = tpu.vector_load %arg6[%get3A_540, %get3A_541, %get3A_542] {strides = array<i32>} : memref<4x200x64xf32, #tpu.memory_space<vmem>>, vector<1x1x16xf32>,
        %get3A_544 = vector.shape_cast %get3A_543 : vector<1x1x16xf32> to vector<16xf32>
        %add3A_545 = arith.addf %add3A_515, %get3A_544 : vector<16xf32>
        %get3A_546 = arith.constant 2 : i32
        %get3A_547 = arith.index_cast %get3A_546 : i32 to index
        %get3A_548 = arith.index_cast %scan3A_531 : i32 to index
        %get3A_549 = arith.constant 32 : index
        %get3A_550 = tpu.vector_load %arg6[%get3A_547, %get3A_548, %get3A_549] {strides = array<i32>} : memref<4x200x64xf32, #tpu.memory_space<vmem>>, vector<1x1x16xf32>,
        %get3A_551 = vector.shape_cast %get3A_550 : vector<1x1x16xf32> to vector<16xf32>
        %add3A_552 = arith.addf %add3A_522, %get3A_551 : vector<16xf32>
        %get3A_553 = arith.constant 2 : i32
        %get3A_554 = arith.index_cast %get3A_553 : i32 to index
        %get3A_555 = arith.index_cast %scan3A_531 : i32 to index
        %get3A_556 = arith.constant 48 : index
        %get3A_557 = tpu.vector_load %arg6[%get3A_554, %get3A_555, %get3A_556] {strides = array<i32>} : memref<4x200x64xf32, #tpu.memory_space<vmem>>, vector<1x1x16xf32>,
        %get3A_558 = vector.shape_cast %get3A_557 : vector<1x1x16xf32> to vector<16xf32>
        %add3A_559 = arith.addf %add3A_529, %get3A_558 : vector<16xf32>
        %scan3A_560 = arith.constant 7 : i32
        %scan3A_561 = arith.addi %scan3A_348, %scan3A_560 : i32
        %get3A_562 = arith.constant 2 : i32
        %get3A_563 = arith.index_cast %get3A_562 : i32 to index
        %get3A_564 = arith.index_cast %scan3A_561 : i32 to index
        %get3A_565 = arith.constant 0 : index
        %get3A_566 = tpu.vector_load %arg6[%get3A_563, %get3A_564, %get3A_565] {strides = array<i32>} : memref<4x200x64xf32, #tpu.memory_space<vmem>>, vector<1x1x16xf32>,
        %get3A_567 = vector.shape_cast %get3A_566 : vector<1x1x16xf32> to vector<16xf32>
        %add3A_568 = arith.addf %add3A_538, %get3A_567 : vector<16xf32>
        %get3A_569 = arith.constant 2 : i32
        %get3A_570 = arith.index_cast %get3A_569 : i32 to index
        %get3A_571 = arith.index_cast %scan3A_561 : i32 to index
        %get3A_572 = arith.constant 16 : index
        %get3A_573 = tpu.vector_load %arg6[%get3A_570, %get3A_571, %get3A_572] {strides = array<i32>} : memref<4x200x64xf32, #tpu.memory_space<vmem>>, vector<1x1x16xf32>,
        %get3A_574 = vector.shape_cast %get3A_573 : vector<1x1x16xf32> to vector<16xf32>
        %add3A_575 = arith.addf %add3A_545, %get3A_574 : vector<16xf32>
        %get3A_576 = arith.constant 2 : i32
        %get3A_577 = arith.index_cast %get3A_576 : i32 to index
        %get3A_578 = arith.index_cast %scan3A_561 : i32 to index
        %get3A_579 = arith.constant 32 : index
        %get3A_580 = tpu.vector_load %arg6[%get3A_577, %get3A_578, %get3A_579] {strides = array<i32>} : memref<4x200x64xf32, #tpu.memory_space<vmem>>, vector<1x1x16xf32>,
        %get3A_581 = vector.shape_cast %get3A_580 : vector<1x1x16xf32> to vector<16xf32>
        %add3A_582 = arith.addf %add3A_552, %get3A_581 : vector<16xf32>
        %get3A_583 = arith.constant 2 : i32
        %get3A_584 = arith.index_cast %get3A_583 : i32 to index
        %get3A_585 = arith.index_cast %scan3A_561 : i32 to index
        %get3A_586 = arith.constant 48 : index
        %get3A_587 = tpu.vector_load %arg6[%get3A_584, %get3A_585, %get3A_586] {strides = array<i32>} : memref<4x200x64xf32, #tpu.memory_space<vmem>>, vector<1x1x16xf32>,
        %get3A_588 = vector.shape_cast %get3A_587 : vector<1x1x16xf32> to vector<16xf32>
        %add3A_589 = arith.addf %add3A_559, %get3A_588 : vector<16xf32>
        scf.yield %add3A_568, %add3A_575, %add3A_582, %add3A_589 : vector<16xf32>, vector<16xf32>, vector<16xf32>, vector<16xf32>
      }
      %scan3A_246 = arith.constant 200 : i32
      %mul3A_247 = arith.constant 5.000000e-03 : f32
      %mul3A_248 = vector.broadcast %mul3A_247 : f32 to vector<16xf32>
      %mul3A_249 = arith.mulf %scan3A_245#0, %mul3A_248 : vector<16xf32>
      %swap3A_250 = arith.index_cast %add3A_214 : i32 to index
      %swap3A_251 = arith.constant 0 : index
      %swap3A_252 = tpu.vector_load %arg7[%swap3A_250, %swap3A_251] {strides = array<i32>} : memref<128x64xf32, #tpu.memory_space<vmem>>, vector<1x16xf32>,
      %swap3A_253 = vector.shape_cast %swap3A_252 : vector<1x16xf32> to vector<16xf32>
      %swap3A_254 = vector.shape_cast %mul3A_249 : vector<16xf32> to vector<1x16xf32>
      tpu.vector_store %arg7[%swap3A_250, %swap3A_251], %swap3A_254 {strides = array<i32>} : memref<128x64xf32, #tpu.memory_space<vmem>>, vector<1x16xf32>,
      %mul3A_255 = arith.constant 5.000000e-03 : f32
      %mul3A_256 = vector.broadcast %mul3A_255 : f32 to vector<16xf32>
      %mul3A_257 = arith.mulf %scan3A_245#1, %mul3A_256 : vector<16xf32>
      %swap3A_258 = arith.index_cast %add3A_214 : i32 to index
      %swap3A_259 = arith.constant 16 : index
      %swap3A_260 = tpu.vector_load %arg7[%swap3A_258, %swap3A_259] {strides = array<i32>} : memref<128x64xf32, #tpu.memory_space<vmem>>, vector<1x16xf32>,
      %swap3A_261 = vector.shape_cast %swap3A_260 : vector<1x16xf32> to vector<16xf32>
      %swap3A_262 = vector.shape_cast %mul3A_257 : vector<16xf32> to vector<1x16xf32>
      tpu.vector_store %arg7[%swap3A_258, %swap3A_259], %swap3A_262 {strides = array<i32>} : memref<128x64xf32, #tpu.memory_space<vmem>>, vector<1x16xf32>,
      %mul3A_263 = arith.constant 5.000000e-03 : f32
      %mul3A_264 = vector.broadcast %mul3A_263 : f32 to vector<16xf32>
      %mul3A_265 = arith.mulf %scan3A_245#2, %mul3A_264 : vector<16xf32>
      %swap3A_266 = arith.index_cast %add3A_214 : i32 to index
      %swap3A_267 = arith.constant 32 : index
      %swap3A_268 = tpu.vector_load %arg7[%swap3A_266, %swap3A_267] {strides = array<i32>} : memref<128x64xf32, #tpu.memory_space<vmem>>, vector<1x16xf32>,
      %swap3A_269 = vector.shape_cast %swap3A_268 : vector<1x16xf32> to vector<16xf32>
      %swap3A_270 = vector.shape_cast %mul3A_265 : vector<16xf32> to vector<1x16xf32>
      tpu.vector_store %arg7[%swap3A_266, %swap3A_267], %swap3A_270 {strides = array<i32>} : memref<128x64xf32, #tpu.memory_space<vmem>>, vector<1x16xf32>,
      %mul3A_271 = arith.constant 5.000000e-03 : f32
      %mul3A_272 = vector.broadcast %mul3A_271 : f32 to vector<16xf32>
      %mul3A_273 = arith.mulf %scan3A_245#3, %mul3A_272 : vector<16xf32>
      %swap3A_274 = arith.index_cast %add3A_214 : i32 to index
      %swap3A_275 = arith.constant 48 : index
      %swap3A_276 = tpu.vector_load %arg7[%swap3A_274, %swap3A_275] {strides = array<i32>} : memref<128x64xf32, #tpu.memory_space<vmem>>, vector<1x16xf32>,
      %swap3A_277 = vector.shape_cast %swap3A_276 : vector<1x16xf32> to vector<16xf32>
      %swap3A_278 = vector.shape_cast %mul3A_273 : vector<16xf32> to vector<1x16xf32>
      tpu.vector_store %arg7[%swap3A_274, %swap3A_275], %swap3A_278 {strides = array<i32>} : memref<128x64xf32, #tpu.memory_space<vmem>>, vector<1x16xf32>,
      %mul3A_279 = arith.constant 4 : i32
      %mul3A_280 = arith.muli %scan3A_80, %mul3A_279 : i32
      %add3A_281 = arith.constant 3 : i32
      %add3A_282 = arith.addi %mul3A_280, %add3A_281 : i32
      %add3A_283 = arith.constant 4 : i32
      %add3A_284 = arith.addi %add3A_282, %add3A_283 : i32
      %sub3A_285 = arith.constant 1 : i32
      %sub3A_286 = arith.subi %add3A_284, %sub3A_285 : i32
      %lt3A_287 = arith.constant 128 : i32
      %lt3A_288 = arith.cmpi slt, %sub3A_286, %lt3A_287 : i32
      %convert_element_type3A_289 = arith.extui %lt3A_288 : i1 to i32
      %cond3A_290 = arith.constant 0 : i32
      %cond3A_291 = arith.cmpi ne, %convert_element_type3A_289, %cond3A_290 : i32
      scf.if %cond3A_291 {
        %dma_start3A_348 = arith.constant 2 : i32
        %dma_start3A_349 = arith.constant 0 : i32
        %dma_start3A_350 = arith.constant 0 : i32
        %dma_start3A_351 = tpu.memref_slice %arg6[%dma_start3A_348, %dma_start3A_349, %dma_start3A_350] : memref<4x200x64xf32, #tpu.memory_space<vmem>> -> memref<1x128x64xf32, #tpu.memory_space<vmem>>
        %dma_start3A_352 = tpu.memref_squeeze %dma_start3A_351 : memref<1x128x64xf32, #tpu.memory_space<vmem>> -> memref<128x64xf32, #tpu.memory_space<vmem>>
        %dma_start3A_353 = arith.constant 0 : i32
        %dma_start3A_354 = tpu.memref_slice %arg5[%sub3A_286, %dma_start3A_353] : memref<128x200xi32, #tpu.memory_space<vmem>> -> memref<1x128xi32, #tpu.memory_space<vmem>>
        %dma_start3A_355 = tpu.memref_squeeze %dma_start3A_354 : memref<1x128xi32, #tpu.memory_space<vmem>> -> memref<128xi32, #tpu.memory_space<vmem>>
        %dma_start3A_356 = arith.constant 0 : i32
        %dma_start3A_357 = arith.constant 0 : i32
        %dma_start3A_358 = tpu.memref_slice %arg3[%dma_start3A_356, %dma_start3A_357] : memref<1000000x64xf32, #tpu.memory_space<hbm>> -> memref<1000000x64xf32, #tpu.memory_space<hbm>>
        tpu.enqueue_indirect_dma source(%dma_start3A_358 : memref<1000000x64xf32, #tpu.memory_space<hbm>>) target(%dma_start3A_352 : memref<128x64xf32, #tpu.memory_space<vmem>>) offsets(%dma_start3A_355 : memref<128xi32, #tpu.memory_space<vmem>>) semaphore(%arg10 : memref<!tpu.dma_semaphore, #tpu.memory_space<semaphore_mem>>)
        %dma_start3A_359 = arith.constant 2 : i32
        %dma_start3A_360 = arith.constant 128 : i32
        %dma_start3A_361 = arith.constant 0 : i32
        %dma_start3A_362 = tpu.memref_slice %arg6[%dma_start3A_359, %dma_start3A_360, %dma_start3A_361] : memref<4x200x64xf32, #tpu.memory_space<vmem>> -> memref<1x72x64xf32, #tpu.memory_space<vmem>>
        %dma_start3A_363 = tpu.memref_squeeze %dma_start3A_362 : memref<1x72x64xf32, #tpu.memory_space<vmem>> -> memref<72x64xf32, #tpu.memory_space<vmem>>
        %dma_start3A_364 = arith.constant 128 : i32
        %dma_start3A_365 = tpu.memref_slice %arg5[%sub3A_286, %dma_start3A_364] : memref<128x200xi32, #tpu.memory_space<vmem>> -> memref<1x72xi32, #tpu.memory_space<vmem>>
        %dma_start3A_366 = tpu.memref_squeeze %dma_start3A_365 : memref<1x72xi32, #tpu.memory_space<vmem>> -> memref<72xi32, #tpu.memory_space<vmem>>
        %dma_start3A_367 = arith.constant 0 : i32
        %dma_start3A_368 = arith.constant 0 : i32
        %dma_start3A_369 = tpu.memref_slice %arg3[%dma_start3A_367, %dma_start3A_368] : memref<1000000x64xf32, #tpu.memory_space<hbm>> -> memref<1000000x64xf32, #tpu.memory_space<hbm>>
        tpu.enqueue_indirect_dma source(%dma_start3A_369 : memref<1000000x64xf32, #tpu.memory_space<hbm>>) target(%dma_start3A_363 : memref<72x64xf32, #tpu.memory_space<vmem>>) offsets(%dma_start3A_366 : memref<72xi32, #tpu.memory_space<vmem>>) semaphore(%arg10 : memref<!tpu.dma_semaphore, #tpu.memory_space<semaphore_mem>>)
      } else {
      }
      %dma_wait3A_292 = arith.constant 3 : i32
      %dma_wait3A_293 = arith.constant 0 : i32
      %dma_wait3A_294 = arith.constant 0 : i32
      %dma_wait3A_295 = tpu.memref_slice %arg6[%dma_wait3A_292, %dma_wait3A_293, %dma_wait3A_294] : memref<4x200x64xf32, #tpu.memory_space<vmem>> -> memref<1x200x64xf32, #tpu.memory_space<vmem>>
      %dma_wait3A_296 = tpu.memref_squeeze %dma_wait3A_295 : memref<1x200x64xf32, #tpu.memory_space<vmem>> -> memref<200x64xf32, #tpu.memory_space<vmem>>
      %dma_wait3A_297 = arith.constant 0 : i32
      %dma_wait3A_298 = arith.constant 0 : i32
      %dma_wait3A_299 = tpu.memref_slice %arg3[%dma_wait3A_297, %dma_wait3A_298] : memref<1000000x64xf32, #tpu.memory_space<hbm>> -> memref<200x64xf32, #tpu.memory_space<hbm>>
      %dma_wait3A_300 = arith.constant 0 : i32
      %dma_wait3A_301 = arith.constant 0 : i32
      %dma_wait3A_302 = tpu.memref_slice %arg6[%dma_wait3A_292, %dma_wait3A_300, %dma_wait3A_301] : memref<4x200x64xf32, #tpu.memory_space<vmem>> -> memref<1x200x64xf32, #tpu.memory_space<vmem>>
      %dma_wait3A_303 = tpu.memref_squeeze %dma_wait3A_302 : memref<1x200x64xf32, #tpu.memory_space<vmem>> -> memref<200x64xf32, #tpu.memory_space<vmem>>
      %dma_wait3A_304 = arith.constant 0 : i32
      %dma_wait3A_305 = arith.constant 0 : i32
      %dma_wait3A_306 = tpu.memref_slice %arg3[%dma_wait3A_304, %dma_wait3A_305] : memref<1000000x64xf32, #tpu.memory_space<hbm>> -> memref<200x64xf32, #tpu.memory_space<hbm>>
      tpu.wait_dma2 semaphore(%arg11 : memref<!tpu.dma_semaphore, #tpu.memory_space<semaphore_mem>>) src(%dma_wait3A_306 : memref<200x64xf32, #tpu.memory_space<hbm>>) dst(%dma_wait3A_303 : memref<200x64xf32, #tpu.memory_space<vmem>>)
      %broadcast_in_dim3A_307 = arith.constant 0.000000e+00 : f32
      %broadcast_in_dim3A_308 = vector.broadcast %broadcast_in_dim3A_307 : f32 to vector<16xf32>
      %scan3A_309 = arith.constant 0 : i32
      %scan3A_310 = arith.constant 200 : i32
      %scan3A_311 = arith.addi %scan3A_309, %scan3A_310 : i32
      %scan3A_312 = arith.constant 8 : i32
      %scan3A_313:4 = scf.for %scan3A_348 = %scan3A_309 to %scan3A_311 step %scan3A_312 iter_args(%scan3A_349 = %broadcast_in_dim3A_308, %scan3A_350 = %broadcast_in_dim3A_308, %scan3A_351 = %broadcast_in_dim3A_308, %scan3A_352 = %broadcast_in_dim3A_308) -> (vector<16xf32>, vector<16xf32>, vector<16xf32>, vector<16xf32>)  : i32 {
        %get3A = arith.constant 3 : i32
        %get3A_353 = arith.index_cast %get3A : i32 to index
        %get3A_354 = arith.index_cast %scan3A_348 : i32 to index
        %get3A_355 = arith.constant 0 : index
        %get3A_356 = tpu.vector_load %arg6[%get3A_353, %get3A_354, %get3A_355] {strides = array<i32>} : memref<4x200x64xf32, #tpu.memory_space<vmem>>, vector<1x1x16xf32>,
        %get3A_357 = vector.shape_cast %get3A_356 : vector<1x1x16xf32> to vector<16xf32>
        %add3A_358 = arith.addf %scan3A_349, %get3A_357 : vector<16xf32>
        %get3A_359 = arith.constant 3 : i32
        %get3A_360 = arith.index_cast %get3A_359 : i32 to index
        %get3A_361 = arith.index_cast %scan3A_348 : i32 to index
        %get3A_362 = arith.constant 16 : index
        %get3A_363 = tpu.vector_load %arg6[%get3A_360, %get3A_361, %get3A_362] {strides = array<i32>} : memref<4x200x64xf32, #tpu.memory_space<vmem>>, vector<1x1x16xf32>,
        %get3A_364 = vector.shape_cast %get3A_363 : vector<1x1x16xf32> to vector<16xf32>
        %add3A_365 = arith.addf %scan3A_350, %get3A_364 : vector<16xf32>
        %get3A_366 = arith.constant 3 : i32
        %get3A_367 = arith.index_cast %get3A_366 : i32 to index
        %get3A_368 = arith.index_cast %scan3A_348 : i32 to index
        %get3A_369 = arith.constant 32 : index
        %get3A_370 = tpu.vector_load %arg6[%get3A_367, %get3A_368, %get3A_369] {strides = array<i32>} : memref<4x200x64xf32, #tpu.memory_space<vmem>>, vector<1x1x16xf32>,
        %get3A_371 = vector.shape_cast %get3A_370 : vector<1x1x16xf32> to vector<16xf32>
        %add3A_372 = arith.addf %scan3A_351, %get3A_371 : vector<16xf32>
        %get3A_373 = arith.constant 3 : i32
        %get3A_374 = arith.index_cast %get3A_373 : i32 to index
        %get3A_375 = arith.index_cast %scan3A_348 : i32 to index
        %get3A_376 = arith.constant 48 : index
        %get3A_377 = tpu.vector_load %arg6[%get3A_374, %get3A_375, %get3A_376] {strides = array<i32>} : memref<4x200x64xf32, #tpu.memory_space<vmem>>, vector<1x1x16xf32>,
        %get3A_378 = vector.shape_cast %get3A_377 : vector<1x1x16xf32> to vector<16xf32>
        %add3A_379 = arith.addf %scan3A_352, %get3A_378 : vector<16xf32>
        %scan3A_380 = arith.constant 1 : i32
        %scan3A_381 = arith.addi %scan3A_348, %scan3A_380 : i32
        %get3A_382 = arith.constant 3 : i32
        %get3A_383 = arith.index_cast %get3A_382 : i32 to index
        %get3A_384 = arith.index_cast %scan3A_381 : i32 to index
        %get3A_385 = arith.constant 0 : index
        %get3A_386 = tpu.vector_load %arg6[%get3A_383, %get3A_384, %get3A_385] {strides = array<i32>} : memref<4x200x64xf32, #tpu.memory_space<vmem>>, vector<1x1x16xf32>,
        %get3A_387 = vector.shape_cast %get3A_386 : vector<1x1x16xf32> to vector<16xf32>
        %add3A_388 = arith.addf %add3A_358, %get3A_387 : vector<16xf32>
        %get3A_389 = arith.constant 3 : i32
        %get3A_390 = arith.index_cast %get3A_389 : i32 to index
        %get3A_391 = arith.index_cast %scan3A_381 : i32 to index
        %get3A_392 = arith.constant 16 : index
        %get3A_393 = tpu.vector_load %arg6[%get3A_390, %get3A_391, %get3A_392] {strides = array<i32>} : memref<4x200x64xf32, #tpu.memory_space<vmem>>, vector<1x1x16xf32>,
        %get3A_394 = vector.shape_cast %get3A_393 : vector<1x1x16xf32> to vector<16xf32>
        %add3A_395 = arith.addf %add3A_365, %get3A_394 : vector<16xf32>
        %get3A_396 = arith.constant 3 : i32
        %get3A_397 = arith.index_cast %get3A_396 : i32 to index
        %get3A_398 = arith.index_cast %scan3A_381 : i32 to index
        %get3A_399 = arith.constant 32 : index
        %get3A_400 = tpu.vector_load %arg6[%get3A_397, %get3A_398, %get3A_399] {strides = array<i32>} : memref<4x200x64xf32, #tpu.memory_space<vmem>>, vector<1x1x16xf32>,
        %get3A_401 = vector.shape_cast %get3A_400 : vector<1x1x16xf32> to vector<16xf32>
        %add3A_402 = arith.addf %add3A_372, %get3A_401 : vector<16xf32>
        %get3A_403 = arith.constant 3 : i32
        %get3A_404 = arith.index_cast %get3A_403 : i32 to index
        %get3A_405 = arith.index_cast %scan3A_381 : i32 to index
        %get3A_406 = arith.constant 48 : index
        %get3A_407 = tpu.vector_load %arg6[%get3A_404, %get3A_405, %get3A_406] {strides = array<i32>} : memref<4x200x64xf32, #tpu.memory_space<vmem>>, vector<1x1x16xf32>,
        %get3A_408 = vector.shape_cast %get3A_407 : vector<1x1x16xf32> to vector<16xf32>
        %add3A_409 = arith.addf %add3A_379, %get3A_408 : vector<16xf32>
        %scan3A_410 = arith.constant 2 : i32
        %scan3A_411 = arith.addi %scan3A_348, %scan3A_410 : i32
        %get3A_412 = arith.constant 3 : i32
        %get3A_413 = arith.index_cast %get3A_412 : i32 to index
        %get3A_414 = arith.index_cast %scan3A_411 : i32 to index
        %get3A_415 = arith.constant 0 : index
        %get3A_416 = tpu.vector_load %arg6[%get3A_413, %get3A_414, %get3A_415] {strides = array<i32>} : memref<4x200x64xf32, #tpu.memory_space<vmem>>, vector<1x1x16xf32>,
        %get3A_417 = vector.shape_cast %get3A_416 : vector<1x1x16xf32> to vector<16xf32>
        %add3A_418 = arith.addf %add3A_388, %get3A_417 : vector<16xf32>
        %get3A_419 = arith.constant 3 : i32
        %get3A_420 = arith.index_cast %get3A_419 : i32 to index
        %get3A_421 = arith.index_cast %scan3A_411 : i32 to index
        %get3A_422 = arith.constant 16 : index
        %get3A_423 = tpu.vector_load %arg6[%get3A_420, %get3A_421, %get3A_422] {strides = array<i32>} : memref<4x200x64xf32, #tpu.memory_space<vmem>>, vector<1x1x16xf32>,
        %get3A_424 = vector.shape_cast %get3A_423 : vector<1x1x16xf32> to vector<16xf32>
        %add3A_425 = arith.addf %add3A_395, %get3A_424 : vector<16xf32>
        %get3A_426 = arith.constant 3 : i32
        %get3A_427 = arith.index_cast %get3A_426 : i32 to index
        %get3A_428 = arith.index_cast %scan3A_411 : i32 to index
        %get3A_429 = arith.constant 32 : index
        %get3A_430 = tpu.vector_load %arg6[%get3A_427, %get3A_428, %get3A_429] {strides = array<i32>} : memref<4x200x64xf32, #tpu.memory_space<vmem>>, vector<1x1x16xf32>,
        %get3A_431 = vector.shape_cast %get3A_430 : vector<1x1x16xf32> to vector<16xf32>
        %add3A_432 = arith.addf %add3A_402, %get3A_431 : vector<16xf32>
        %get3A_433 = arith.constant 3 : i32
        %get3A_434 = arith.index_cast %get3A_433 : i32 to index
        %get3A_435 = arith.index_cast %scan3A_411 : i32 to index
        %get3A_436 = arith.constant 48 : index
        %get3A_437 = tpu.vector_load %arg6[%get3A_434, %get3A_435, %get3A_436] {strides = array<i32>} : memref<4x200x64xf32, #tpu.memory_space<vmem>>, vector<1x1x16xf32>,
        %get3A_438 = vector.shape_cast %get3A_437 : vector<1x1x16xf32> to vector<16xf32>
        %add3A_439 = arith.addf %add3A_409, %get3A_438 : vector<16xf32>
        %scan3A_440 = arith.constant 3 : i32
        %scan3A_441 = arith.addi %scan3A_348, %scan3A_440 : i32
        %get3A_442 = arith.constant 3 : i32
        %get3A_443 = arith.index_cast %get3A_442 : i32 to index
        %get3A_444 = arith.index_cast %scan3A_441 : i32 to index
        %get3A_445 = arith.constant 0 : index
        %get3A_446 = tpu.vector_load %arg6[%get3A_443, %get3A_444, %get3A_445] {strides = array<i32>} : memref<4x200x64xf32, #tpu.memory_space<vmem>>, vector<1x1x16xf32>,
        %get3A_447 = vector.shape_cast %get3A_446 : vector<1x1x16xf32> to vector<16xf32>
        %add3A_448 = arith.addf %add3A_418, %get3A_447 : vector<16xf32>
        %get3A_449 = arith.constant 3 : i32
        %get3A_450 = arith.index_cast %get3A_449 : i32 to index
        %get3A_451 = arith.index_cast %scan3A_441 : i32 to index
        %get3A_452 = arith.constant 16 : index
        %get3A_453 = tpu.vector_load %arg6[%get3A_450, %get3A_451, %get3A_452] {strides = array<i32>} : memref<4x200x64xf32, #tpu.memory_space<vmem>>, vector<1x1x16xf32>,
        %get3A_454 = vector.shape_cast %get3A_453 : vector<1x1x16xf32> to vector<16xf32>
        %add3A_455 = arith.addf %add3A_425, %get3A_454 : vector<16xf32>
        %get3A_456 = arith.constant 3 : i32
        %get3A_457 = arith.index_cast %get3A_456 : i32 to index
        %get3A_458 = arith.index_cast %scan3A_441 : i32 to index
        %get3A_459 = arith.constant 32 : index
        %get3A_460 = tpu.vector_load %arg6[%get3A_457, %get3A_458, %get3A_459] {strides = array<i32>} : memref<4x200x64xf32, #tpu.memory_space<vmem>>, vector<1x1x16xf32>,
        %get3A_461 = vector.shape_cast %get3A_460 : vector<1x1x16xf32> to vector<16xf32>
        %add3A_462 = arith.addf %add3A_432, %get3A_461 : vector<16xf32>
        %get3A_463 = arith.constant 3 : i32
        %get3A_464 = arith.index_cast %get3A_463 : i32 to index
        %get3A_465 = arith.index_cast %scan3A_441 : i32 to index
        %get3A_466 = arith.constant 48 : index
        %get3A_467 = tpu.vector_load %arg6[%get3A_464, %get3A_465, %get3A_466] {strides = array<i32>} : memref<4x200x64xf32, #tpu.memory_space<vmem>>, vector<1x1x16xf32>,
        %get3A_468 = vector.shape_cast %get3A_467 : vector<1x1x16xf32> to vector<16xf32>
        %add3A_469 = arith.addf %add3A_439, %get3A_468 : vector<16xf32>
        %scan3A_470 = arith.constant 4 : i32
        %scan3A_471 = arith.addi %scan3A_348, %scan3A_470 : i32
        %get3A_472 = arith.constant 3 : i32
        %get3A_473 = arith.index_cast %get3A_472 : i32 to index
        %get3A_474 = arith.index_cast %scan3A_471 : i32 to index
        %get3A_475 = arith.constant 0 : index
        %get3A_476 = tpu.vector_load %arg6[%get3A_473, %get3A_474, %get3A_475] {strides = array<i32>} : memref<4x200x64xf32, #tpu.memory_space<vmem>>, vector<1x1x16xf32>,
        %get3A_477 = vector.shape_cast %get3A_476 : vector<1x1x16xf32> to vector<16xf32>
        %add3A_478 = arith.addf %add3A_448, %get3A_477 : vector<16xf32>
        %get3A_479 = arith.constant 3 : i32
        %get3A_480 = arith.index_cast %get3A_479 : i32 to index
        %get3A_481 = arith.index_cast %scan3A_471 : i32 to index
        %get3A_482 = arith.constant 16 : index
        %get3A_483 = tpu.vector_load %arg6[%get3A_480, %get3A_481, %get3A_482] {strides = array<i32>} : memref<4x200x64xf32, #tpu.memory_space<vmem>>, vector<1x1x16xf32>,
        %get3A_484 = vector.shape_cast %get3A_483 : vector<1x1x16xf32> to vector<16xf32>
        %add3A_485 = arith.addf %add3A_455, %get3A_484 : vector<16xf32>
        %get3A_486 = arith.constant 3 : i32
        %get3A_487 = arith.index_cast %get3A_486 : i32 to index
        %get3A_488 = arith.index_cast %scan3A_471 : i32 to index
        %get3A_489 = arith.constant 32 : index
        %get3A_490 = tpu.vector_load %arg6[%get3A_487, %get3A_488, %get3A_489] {strides = array<i32>} : memref<4x200x64xf32, #tpu.memory_space<vmem>>, vector<1x1x16xf32>,
        %get3A_491 = vector.shape_cast %get3A_490 : vector<1x1x16xf32> to vector<16xf32>
        %add3A_492 = arith.addf %add3A_462, %get3A_491 : vector<16xf32>
        %get3A_493 = arith.constant 3 : i32
        %get3A_494 = arith.index_cast %get3A_493 : i32 to index
        %get3A_495 = arith.index_cast %scan3A_471 : i32 to index
        %get3A_496 = arith.constant 48 : index
        %get3A_497 = tpu.vector_load %arg6[%get3A_494, %get3A_495, %get3A_496] {strides = array<i32>} : memref<4x200x64xf32, #tpu.memory_space<vmem>>, vector<1x1x16xf32>,
        %get3A_498 = vector.shape_cast %get3A_497 : vector<1x1x16xf32> to vector<16xf32>
        %add3A_499 = arith.addf %add3A_469, %get3A_498 : vector<16xf32>
        %scan3A_500 = arith.constant 5 : i32
        %scan3A_501 = arith.addi %scan3A_348, %scan3A_500 : i32
        %get3A_502 = arith.constant 3 : i32
        %get3A_503 = arith.index_cast %get3A_502 : i32 to index
        %get3A_504 = arith.index_cast %scan3A_501 : i32 to index
        %get3A_505 = arith.constant 0 : index
        %get3A_506 = tpu.vector_load %arg6[%get3A_503, %get3A_504, %get3A_505] {strides = array<i32>} : memref<4x200x64xf32, #tpu.memory_space<vmem>>, vector<1x1x16xf32>,
        %get3A_507 = vector.shape_cast %get3A_506 : vector<1x1x16xf32> to vector<16xf32>
        %add3A_508 = arith.addf %add3A_478, %get3A_507 : vector<16xf32>
        %get3A_509 = arith.constant 3 : i32
        %get3A_510 = arith.index_cast %get3A_509 : i32 to index
        %get3A_511 = arith.index_cast %scan3A_501 : i32 to index
        %get3A_512 = arith.constant 16 : index
        %get3A_513 = tpu.vector_load %arg6[%get3A_510, %get3A_511, %get3A_512] {strides = array<i32>} : memref<4x200x64xf32, #tpu.memory_space<vmem>>, vector<1x1x16xf32>,
        %get3A_514 = vector.shape_cast %get3A_513 : vector<1x1x16xf32> to vector<16xf32>
        %add3A_515 = arith.addf %add3A_485, %get3A_514 : vector<16xf32>
        %get3A_516 = arith.constant 3 : i32
        %get3A_517 = arith.index_cast %get3A_516 : i32 to index
        %get3A_518 = arith.index_cast %scan3A_501 : i32 to index
        %get3A_519 = arith.constant 32 : index
        %get3A_520 = tpu.vector_load %arg6[%get3A_517, %get3A_518, %get3A_519] {strides = array<i32>} : memref<4x200x64xf32, #tpu.memory_space<vmem>>, vector<1x1x16xf32>,
        %get3A_521 = vector.shape_cast %get3A_520 : vector<1x1x16xf32> to vector<16xf32>
        %add3A_522 = arith.addf %add3A_492, %get3A_521 : vector<16xf32>
        %get3A_523 = arith.constant 3 : i32
        %get3A_524 = arith.index_cast %get3A_523 : i32 to index
        %get3A_525 = arith.index_cast %scan3A_501 : i32 to index
        %get3A_526 = arith.constant 48 : index
        %get3A_527 = tpu.vector_load %arg6[%get3A_524, %get3A_525, %get3A_526] {strides = array<i32>} : memref<4x200x64xf32, #tpu.memory_space<vmem>>, vector<1x1x16xf32>,
        %get3A_528 = vector.shape_cast %get3A_527 : vector<1x1x16xf32> to vector<16xf32>
        %add3A_529 = arith.addf %add3A_499, %get3A_528 : vector<16xf32>
        %scan3A_530 = arith.constant 6 : i32
        %scan3A_531 = arith.addi %scan3A_348, %scan3A_530 : i32
        %get3A_532 = arith.constant 3 : i32
        %get3A_533 = arith.index_cast %get3A_532 : i32 to index
        %get3A_534 = arith.index_cast %scan3A_531 : i32 to index
        %get3A_535 = arith.constant 0 : index
        %get3A_536 = tpu.vector_load %arg6[%get3A_533, %get3A_534, %get3A_535] {strides = array<i32>} : memref<4x200x64xf32, #tpu.memory_space<vmem>>, vector<1x1x16xf32>,
        %get3A_537 = vector.shape_cast %get3A_536 : vector<1x1x16xf32> to vector<16xf32>
        %add3A_538 = arith.addf %add3A_508, %get3A_537 : vector<16xf32>
        %get3A_539 = arith.constant 3 : i32
        %get3A_540 = arith.index_cast %get3A_539 : i32 to index
        %get3A_541 = arith.index_cast %scan3A_531 : i32 to index
        %get3A_542 = arith.constant 16 : index
        %get3A_543 = tpu.vector_load %arg6[%get3A_540, %get3A_541, %get3A_542] {strides = array<i32>} : memref<4x200x64xf32, #tpu.memory_space<vmem>>, vector<1x1x16xf32>,
        %get3A_544 = vector.shape_cast %get3A_543 : vector<1x1x16xf32> to vector<16xf32>
        %add3A_545 = arith.addf %add3A_515, %get3A_544 : vector<16xf32>
        %get3A_546 = arith.constant 3 : i32
        %get3A_547 = arith.index_cast %get3A_546 : i32 to index
        %get3A_548 = arith.index_cast %scan3A_531 : i32 to index
        %get3A_549 = arith.constant 32 : index
        %get3A_550 = tpu.vector_load %arg6[%get3A_547, %get3A_548, %get3A_549] {strides = array<i32>} : memref<4x200x64xf32, #tpu.memory_space<vmem>>, vector<1x1x16xf32>,
        %get3A_551 = vector.shape_cast %get3A_550 : vector<1x1x16xf32> to vector<16xf32>
        %add3A_552 = arith.addf %add3A_522, %get3A_551 : vector<16xf32>
        %get3A_553 = arith.constant 3 : i32
        %get3A_554 = arith.index_cast %get3A_553 : i32 to index
        %get3A_555 = arith.index_cast %scan3A_531 : i32 to index
        %get3A_556 = arith.constant 48 : index
        %get3A_557 = tpu.vector_load %arg6[%get3A_554, %get3A_555, %get3A_556] {strides = array<i32>} : memref<4x200x64xf32, #tpu.memory_space<vmem>>, vector<1x1x16xf32>,
        %get3A_558 = vector.shape_cast %get3A_557 : vector<1x1x16xf32> to vector<16xf32>
        %add3A_559 = arith.addf %add3A_529, %get3A_558 : vector<16xf32>
        %scan3A_560 = arith.constant 7 : i32
        %scan3A_561 = arith.addi %scan3A_348, %scan3A_560 : i32
        %get3A_562 = arith.constant 3 : i32
        %get3A_563 = arith.index_cast %get3A_562 : i32 to index
        %get3A_564 = arith.index_cast %scan3A_561 : i32 to index
        %get3A_565 = arith.constant 0 : index
        %get3A_566 = tpu.vector_load %arg6[%get3A_563, %get3A_564, %get3A_565] {strides = array<i32>} : memref<4x200x64xf32, #tpu.memory_space<vmem>>, vector<1x1x16xf32>,
        %get3A_567 = vector.shape_cast %get3A_566 : vector<1x1x16xf32> to vector<16xf32>
        %add3A_568 = arith.addf %add3A_538, %get3A_567 : vector<16xf32>
        %get3A_569 = arith.constant 3 : i32
        %get3A_570 = arith.index_cast %get3A_569 : i32 to index
        %get3A_571 = arith.index_cast %scan3A_561 : i32 to index
        %get3A_572 = arith.constant 16 : index
        %get3A_573 = tpu.vector_load %arg6[%get3A_570, %get3A_571, %get3A_572] {strides = array<i32>} : memref<4x200x64xf32, #tpu.memory_space<vmem>>, vector<1x1x16xf32>,
        %get3A_574 = vector.shape_cast %get3A_573 : vector<1x1x16xf32> to vector<16xf32>
        %add3A_575 = arith.addf %add3A_545, %get3A_574 : vector<16xf32>
        %get3A_576 = arith.constant 3 : i32
        %get3A_577 = arith.index_cast %get3A_576 : i32 to index
        %get3A_578 = arith.index_cast %scan3A_561 : i32 to index
        %get3A_579 = arith.constant 32 : index
        %get3A_580 = tpu.vector_load %arg6[%get3A_577, %get3A_578, %get3A_579] {strides = array<i32>} : memref<4x200x64xf32, #tpu.memory_space<vmem>>, vector<1x1x16xf32>,
        %get3A_581 = vector.shape_cast %get3A_580 : vector<1x1x16xf32> to vector<16xf32>
        %add3A_582 = arith.addf %add3A_552, %get3A_581 : vector<16xf32>
        %get3A_583 = arith.constant 3 : i32
        %get3A_584 = arith.index_cast %get3A_583 : i32 to index
        %get3A_585 = arith.index_cast %scan3A_561 : i32 to index
        %get3A_586 = arith.constant 48 : index
        %get3A_587 = tpu.vector_load %arg6[%get3A_584, %get3A_585, %get3A_586] {strides = array<i32>} : memref<4x200x64xf32, #tpu.memory_space<vmem>>, vector<1x1x16xf32>,
        %get3A_588 = vector.shape_cast %get3A_587 : vector<1x1x16xf32> to vector<16xf32>
        %add3A_589 = arith.addf %add3A_559, %get3A_588 : vector<16xf32>
        scf.yield %add3A_568, %add3A_575, %add3A_582, %add3A_589 : vector<16xf32>, vector<16xf32>, vector<16xf32>, vector<16xf32>
      }
      %scan3A_314 = arith.constant 200 : i32
      %mul3A_315 = arith.constant 5.000000e-03 : f32
      %mul3A_316 = vector.broadcast %mul3A_315 : f32 to vector<16xf32>
      %mul3A_317 = arith.mulf %scan3A_313#0, %mul3A_316 : vector<16xf32>
      %swap3A_318 = arith.index_cast %add3A_282 : i32 to index
      %swap3A_319 = arith.constant 0 : index
      %swap3A_320 = tpu.vector_load %arg7[%swap3A_318, %swap3A_319] {strides = array<i32>} : memref<128x64xf32, #tpu.memory_space<vmem>>, vector<1x16xf32>,
      %swap3A_321 = vector.shape_cast %swap3A_320 : vector<1x16xf32> to vector<16xf32>
      %swap3A_322 = vector.shape_cast %mul3A_317 : vector<16xf32> to vector<1x16xf32>
      tpu.vector_store %arg7[%swap3A_318, %swap3A_319], %swap3A_322 {strides = array<i32>} : memref<128x64xf32, #tpu.memory_space<vmem>>, vector<1x16xf32>,
      %mul3A_323 = arith.constant 5.000000e-03 : f32
      %mul3A_324 = vector.broadcast %mul3A_323 : f32 to vector<16xf32>
      %mul3A_325 = arith.mulf %scan3A_313#1, %mul3A_324 : vector<16xf32>
      %swap3A_326 = arith.index_cast %add3A_282 : i32 to index
      %swap3A_327 = arith.constant 16 : index
      %swap3A_328 = tpu.vector_load %arg7[%swap3A_326, %swap3A_327] {strides = array<i32>} : memref<128x64xf32, #tpu.memory_space<vmem>>, vector<1x16xf32>,
      %swap3A_329 = vector.shape_cast %swap3A_328 : vector<1x16xf32> to vector<16xf32>
      %swap3A_330 = vector.shape_cast %mul3A_325 : vector<16xf32> to vector<1x16xf32>
      tpu.vector_store %arg7[%swap3A_326, %swap3A_327], %swap3A_330 {strides = array<i32>} : memref<128x64xf32, #tpu.memory_space<vmem>>, vector<1x16xf32>,
      %mul3A_331 = arith.constant 5.000000e-03 : f32
      %mul3A_332 = vector.broadcast %mul3A_331 : f32 to vector<16xf32>
      %mul3A_333 = arith.mulf %scan3A_313#2, %mul3A_332 : vector<16xf32>
      %swap3A_334 = arith.index_cast %add3A_282 : i32 to index
      %swap3A_335 = arith.constant 32 : index
      %swap3A_336 = tpu.vector_load %arg7[%swap3A_334, %swap3A_335] {strides = array<i32>} : memref<128x64xf32, #tpu.memory_space<vmem>>, vector<1x16xf32>,
      %swap3A_337 = vector.shape_cast %swap3A_336 : vector<1x16xf32> to vector<16xf32>
      %swap3A_338 = vector.shape_cast %mul3A_333 : vector<16xf32> to vector<1x16xf32>
      tpu.vector_store %arg7[%swap3A_334, %swap3A_335], %swap3A_338 {strides = array<i32>} : memref<128x64xf32, #tpu.memory_space<vmem>>, vector<1x16xf32>,
      %mul3A_339 = arith.constant 5.000000e-03 : f32
      %mul3A_340 = vector.broadcast %mul3A_339 : f32 to vector<16xf32>
      %mul3A_341 = arith.mulf %scan3A_313#3, %mul3A_340 : vector<16xf32>
      %swap3A_342 = arith.index_cast %add3A_282 : i32 to index
      %swap3A_343 = arith.constant 48 : index
      %swap3A_344 = tpu.vector_load %arg7[%swap3A_342, %swap3A_343] {strides = array<i32>} : memref<128x64xf32, #tpu.memory_space<vmem>>, vector<1x16xf32>,
      %swap3A_345 = vector.shape_cast %swap3A_344 : vector<1x16xf32> to vector<16xf32>
      %swap3A_346 = vector.shape_cast %mul3A_341 : vector<16xf32> to vector<1x16xf32>
      tpu.vector_store %arg7[%swap3A_342, %swap3A_343], %swap3A_346 {strides = array<i32>} : memref<128x64xf32, #tpu.memory_space<vmem>>, vector<1x16xf32>,
      %scan3A_347 = arith.constant 0 : i32
      scf.yield %scan3A_347 : i32
    }
    %scan3A_79 = arith.constant 32 : i32
    "tpu.region"() ({
      %run_scoped3A = tpu.sem_alloc : memref<!tpu.dma_semaphore, #tpu.memory_space<semaphore_mem>>
      %dma_start3A_80 = arith.constant 0 : i32
      %dma_start3A_81 = tpu.memref_slice %arg4[%mul3A_2, %dma_start3A_80] : memref<4096x64xf32, #tpu.memory_space<hbm>> -> memref<128x64xf32, #tpu.memory_space<hbm>>
      %dma_start3A_82 = arith.constant 0 : i32
      %dma_start3A_83 = tpu.memref_slice %arg4[%mul3A_2, %dma_start3A_82] : memref<4096x64xf32, #tpu.memory_space<hbm>> -> memref<128x64xf32, #tpu.memory_space<hbm>>
      tpu.enqueue_dma source(%arg7 : memref<128x64xf32, #tpu.memory_space<vmem>>) target(%dma_start3A_83 : memref<128x64xf32, #tpu.memory_space<hbm>>) target_semaphore(%run_scoped3A : memref<!tpu.dma_semaphore, #tpu.memory_space<semaphore_mem>>)
      %dma_wait3A = arith.constant 0 : i32
      %dma_wait3A_84 = tpu.memref_slice %arg4[%mul3A_2, %dma_wait3A] : memref<4096x64xf32, #tpu.memory_space<hbm>> -> memref<128x64xf32, #tpu.memory_space<hbm>>
      %dma_wait3A_85 = arith.constant 0 : i32
      %dma_wait3A_86 = tpu.memref_slice %arg4[%mul3A_2, %dma_wait3A_85] : memref<4096x64xf32, #tpu.memory_space<hbm>> -> memref<128x64xf32, #tpu.memory_space<hbm>>
      tpu.wait_dma2 semaphore(%run_scoped3A : memref<!tpu.dma_semaphore, #tpu.memory_space<semaphore_mem>>) src(%arg7 : memref<128x64xf32, #tpu.memory_space<vmem>>) dst(%dma_wait3A_86 : memref<128x64xf32, #tpu.memory_space<hbm>>)
      tpu.yield
    }) : () -> ()
    return
  }
}

module attributes {stable_mosaic.version = 14 : i64} {
  func.func @_mlp_body(%arg0: memref<4096x64xf32, #tpu.memory_space<vmem>>, %arg1: memref<64x256xf32, #tpu.memory_space<vmem>>, %arg2: memref<1x256xf32, #tpu.memory_space<vmem>>, %arg3: memref<256x16xf32, #tpu.memory_space<vmem>>, %arg4: memref<1x16xf32, #tpu.memory_space<vmem>>, %arg5: memref<4096x16xf32, #tpu.memory_space<vmem>>) attributes {dimension_semantics = [], scalar_prefetch = 0 : i64, scratch_operands = 0 : i64, tpu.core_type = #tpu.core_type<tc>} {
    %get3A = arith.constant 0 : index
    %get3A_0 = arith.constant 0 : index
    %get3A_1 = vector.load %arg0[%get3A, %get3A_0] : memref<4096x64xf32, #tpu.memory_space<vmem>>, vector<4096x64xf32>
    %get3A_2 = arith.constant 0 : index
    %get3A_3 = arith.constant 0 : index
    %get3A_4 = vector.load %arg1[%get3A_2, %get3A_3] : memref<64x256xf32, #tpu.memory_space<vmem>>, vector<64x256xf32>
    %dot_general3A = arith.constant dense<0.000000e+00> : vector<4096x256xf32>
    %dot_general3A_5 = tpu.matmul %get3A_1, %get3A_4, %dot_general3A {dimension_numbers = #tpu.dot_dimension_numbers<[1], [0], [0], [1], [0, 0, 1, 1], [], []>, transpose_lhs_hint = false} : vector<4096x64xf32>, vector<64x256xf32>, vector<4096x256xf32> -> vector<4096x256xf32>
    %get3A_6 = arith.constant 0 : index
    %get3A_7 = arith.constant 0 : index
    %get3A_8 = vector.load %arg2[%get3A_6, %get3A_7] : memref<1x256xf32, #tpu.memory_space<vmem>>, vector<1x256xf32>
    %add3A = vector.broadcast %get3A_8 : vector<1x256xf32> to vector<4096x256xf32>
    %add3A_9 = arith.addf %dot_general3A_5, %add3A : vector<4096x256xf32>
    %get3A_10 = arith.constant 0 : index
    %get3A_11 = arith.constant 0 : index
    %get3A_12 = vector.load %arg3[%get3A_10, %get3A_11] : memref<256x16xf32, #tpu.memory_space<vmem>>, vector<256x16xf32>
    %dot_general3A_13 = arith.constant dense<0.000000e+00> : vector<4096x16xf32>
    %dot_general3A_14 = tpu.matmul %add3A_9, %get3A_12, %dot_general3A_13 {dimension_numbers = #tpu.dot_dimension_numbers<[1], [0], [0], [1], [0, 0, 1, 1], [], []>, transpose_lhs_hint = false} : vector<4096x256xf32>, vector<256x16xf32>, vector<4096x16xf32> -> vector<4096x16xf32>
    %get3A_15 = arith.constant 0 : index
    %get3A_16 = arith.constant 0 : index
    %get3A_17 = vector.load %arg4[%get3A_15, %get3A_16] : memref<1x16xf32, #tpu.memory_space<vmem>>, vector<1x16xf32>
    %add3A_18 = vector.broadcast %get3A_17 : vector<1x16xf32> to vector<4096x16xf32>
    %add3A_19 = arith.addf %dot_general3A_14, %add3A_18 : vector<4096x16xf32>
    %reduce_max3A = arith.constant dense<0xFF800000> : vector<4096xf32>
    %reduce_max3A_20 = vector.multi_reduction <maximumf>, %add3A_19, %reduce_max3A [1] : vector<4096x16xf32> to vector<4096xf32>
    %broadcast_in_dim3A = vector.shape_cast %reduce_max3A_20 : vector<4096xf32> to vector<4096x1xf32>
    %sub3A = vector.broadcast %broadcast_in_dim3A : vector<4096x1xf32> to vector<4096x16xf32>
    %sub3A_21 = arith.subf %add3A_19, %sub3A : vector<4096x16xf32>
    %exp3A = math.exp %sub3A_21 : vector<4096x16xf32>
    %reduce_sum3A = arith.constant dense<0.000000e+00> : vector<4096xf32>
    %reduce_sum3A_22 = vector.multi_reduction <add>, %exp3A, %reduce_sum3A [1] : vector<4096x16xf32> to vector<4096xf32>
    %broadcast_in_dim3A_23 = vector.shape_cast %reduce_sum3A_22 : vector<4096xf32> to vector<4096x1xf32>
    %div3A = vector.broadcast %broadcast_in_dim3A_23 : vector<4096x1xf32> to vector<4096x16xf32>
    %div3A_24 = arith.divf %exp3A, %div3A : vector<4096x16xf32>
    %swap3A = arith.constant 0 : index
    %swap3A_25 = arith.constant 0 : index
    %swap3A_26 = vector.load %arg5[%swap3A, %swap3A_25] : memref<4096x16xf32, #tpu.memory_space<vmem>>, vector<4096x16xf32>
    tpu.vector_store %arg5[%swap3A, %swap3A_25], %div3A_24 {strides = array<i32>} : memref<4096x16xf32, #tpu.memory_space<vmem>>, vector<4096x16xf32>,
    return
  }
}

</mosaic_0001>

<sc_bundles>
// kernel: kernel.5.cloned.1.call-start
scs
__scs_entry_jumppad:
0x0: {  	(pc) =	sbr.rel $0x88, $3  }
0x1: {  	(tag) =	ssettag $0x0;
	lr =	simm.s32 $0x1  }
0x2: {  	[smem:$0x3F9B] =	sst lr;
	_ =	strace $0xD0000000  }
0x3: {  	_ = 	snop  }
0x4: {  	_ = 	snop  }
0x5: {  	_ = 	snop  }
0x6: {  	_ = 	snop  }
0x7: {  	_ = 	snop  }
__scs_overlays_trampoline_lowered:
0x8: {  	[smem:$0x3FAA] =	sst s0  }
0x9: {  	[smem:$0x3FAB] =	sst s1  }
0xa: {  	[smem:$0x3FAC] =	sst s2  }
0xb: {  	[smem:$0x3FAD] =	sst s3  }
0xc: {  	[smem:$0x3FAE] =	sst s4  }
0xd: {  	[smem:$0x3FAF] =	sst s5  }
0xe: {  	[smem:$0x3FB0] =	sst s6  }
0xf: {  	[smem:$0x3FB1] =	sst s7  }
0x10: {  	[smem:$0x3FB2] =	sst s8  }
0x11: {  	[smem:$0x3FB3] =	sst s9;
	s0 =	simm.s32 @!p0 $0x0  }
0x12: {  	s1 =	sld [smem:$0x3F99];
	s0 =	simm.s32 @p0 $0x1  }
0x13: {  	[smem:$0x3FB4] =	sst s0;
	s0 =	simm.s32 @!p1 $0x0  }
0x14: {  	s2 =	sld [smem:$0x3F98];
	s0 =	simm.s32 @p1 $0x1  }
0x15: {  	[smem:$0x3FB5] =	sst s0;
	s0 =	simm.s32 @!p2 $0x0  }
0x16: {  	s3 =	sld [smem:$0x3FDB];
	s0 =	simm.s32 @p2 $0x1  }
0x17: {  	s4 =	simm.s32 $0x1BF5;
	[smem:$0x3FB7] =	sst s0  }
0x18: {  	s0 =	sld [smem:$0x3F9A];
	_ =	swait.ge [sflag:s4], $0x0  }
0x19: {  	s7 =	sld [smem:$0x3F9B]  }
0x1a: {  	s8 =	sadd.s32 $0xFFFFE003, lr  }
0x1b: {  	s9 =	sadd.s32 $0xFFFFFEF7, lr;
	s5 =	simm.s32 $0xFFFFFFFF;
	p2 =	slt.u32 s8, $0xFFFFF086  }
0x1c: {  	p1 =	slt.u32 s9, $0xF7A;
	s5 =	simm.s32 @!p2 $0x0  }
0x1d: {  	s5 =	simm.s32 @p1 $0x1;
	p0 =	seq.s32 s7, s2  }
0x1e: {  	s7 =	smul.u32 @!p0 $0xF7A, s2;
	p2 =	seq.s32 @!p0 s5, $0x0  }
0x1f: {  	s9 =	smul.u32 $0xF7A, s1;
	s8 =	simm.s32 @!p0 $0x1BF5;
	p2 =	por !p2, p0  }
0x20: {  	[sflag:s8] =	ssyncset.s32 @!p0 $0xFFFFF086;
	s6 =	sadd.s32 @!p0 s3, s7;
	s7 =	simm.s32 @!p0 $0x108  }
0x21: {  	s3 =	sadd.s32 s3, s9;
	s6 =	sadd.s32 @!p0 $0x88, s6;
	s7 =	simm.s32 @p2 $0x1082  }
0x22: {  	[simem:s7], [sflag:s8] =	dma.local @!p0 [hbm:s6], $0xF7A  }
0x23: {  	s9 =	sor.u32 $0xD0000000, s2;
	s6 =	simm.s32 $0x108;
	_ =	swait.ge @!p0 [sflag:s8], $0x0  }
0x24: {  	s3 =	sadd.s32 $0x88, s3;
	s6 =	simm.s32 @!p1 $0x1082;
	[sflag:s4] =	ssyncset.s32 $0xFFFFF086  }
0x25: {  	[simem:s6], [sflag:s4] =	dma.local [hbm:s3], $0xF7A  }
0x26: {  	[smem:$0x3F9B] =	sst s1;
	(tag) =	ssettag s2;
	_ =	strace s9  }
0x27: {  	s1 =	sld [smem:$0x3FAB]  }
0x28: {  	s2 =	sld [smem:$0x3FAC]  }
0x29: {  	s4 =	sld [smem:$0x3FAE]  }
0x2a: {  	p0 =	seq.s32 s5, $0x0;
	s5 =	sld [smem:$0x3FAF]  }
0x2b: {  	s6 =	sld [smem:$0x3FB0]  }
0x2c: {  	s7 =	sld [smem:$0x3FB1]  }
0x2d: {  	s3 =	simm.s32 $0x108;
	s8 =	sld [smem:$0x3FB2]  }
0x2e: {  	s3 =	simm.s32 @!p0 $0x1082;
	s9 =	sld [smem:$0x3FB3]  }
0x2f: {  	lr =	sadd.s32 s0, s3;
	s0 =	sld [smem:$0x3FAA]  }
0x30: {  	s3 =	sld [smem:$0x3FAD]  }
0x31: {  	[smem:$0x3FB6] =	sst s10  }
0x32: {  	s10 =	sld [smem:$0x3FB4];
	_ =	sdelay $0x3  }
0x33: {  	p0 =	seq.s32 s10, $0x1;
	s10 =	sld [smem:$0x3FB6];
	_ =	sdelay $0x3  }
0x34: {  	[smem:$0x3FB6] =	sst s10  }
0x35: {  	s10 =	sld [smem:$0x3FB5];
	_ =	sdelay $0x3  }
0x36: {  	p1 =	seq.s32 s10, $0x1;
	s10 =	sld [smem:$0x3FB6];
	_ =	sdelay $0x3  }
0x37: {  	[smem:$0x3FB6] =	sst s10  }
0x38: {  	s10 =	sld [smem:$0x3FB7]  }
0x39: {  	_ = 	snop;
	(pc) =	sbr.ind lr, $3  }
0x3a: {  	_ = 	snop  }
0x3b: {  	_ = 	snop  }
0x3c: {  	p2 =	seq.s32 s10, $0x1;
	s10 =	sld [smem:$0x3FB6]  }
0x3d: {  	_ =	shalt  }
0x3e: {  	_ =	shalt  }
0x3f: {  	_ =	shalt  }
0x40: {  	_ =	shalt  }
0x41: {  	_ =	shalt  }
0x42: {  	_ =	shalt  }
0x43: {  	_ =	shalt  }
0x44: {  	_ =	shalt  }
0x45: {  	_ =	shalt  }
0x46: {  	_ =	shalt  }
0x47: {  	_ =	shalt  }
0x48: {  	_ =	shalt  }
0x49: {  	_ =	shalt  }
0x4a: {  	_ =	shalt  }
0x4b: {  	_ =	shalt  }
0x4c: {  	_ =	shalt  }
0x4d: {  	_ =	shalt  }
0x4e: {  	_ =	shalt  }
0x4f: {  	_ =	shalt  }
0x50: {  	_ =	shalt  }
0x51: {  	_ =	shalt  }
0x52: {  	_ =	shalt  }
0x53: {  	_ =	shalt  }
0x54: {  	_ =	shalt  }
0x55: {  	_ =	shalt  }
0x56: {  	_ =	shalt  }
0x57: {  	_ =	shalt  }
0x58: {  	_ =	shalt  }
0x59: {  	_ =	shalt  }
0x5a: {  	_ =	shalt  }
0x5b: {  	_ =	shalt  }
0x5c: {  	_ =	shalt  }
0x5d: {  	_ =	shalt  }
0x5e: {  	_ =	shalt  }
0x5f: {  	_ =	shalt  }
0x60: {  	_ =	shalt  }
0x61: {  	_ =	shalt  }
0x62: {  	_ =	shalt  }
0x63: {  	_ =	shalt  }
0x64: {  	_ =	shalt  }
0x65: {  	_ =	shalt  }
0x66: {  	_ =	shalt  }
0x67: {  	_ =	shalt  }
0x68: {  	_ =	shalt  }
0x69: {  	_ =	shalt  }
0x6a: {  	_ =	shalt  }
0x6b: {  	_ =	shalt  }
0x6c: {  	_ =	shalt  }
0x6d: {  	_ =	shalt  }
0x6e: {  	_ =	shalt  }
0x6f: {  	_ =	shalt  }
0x70: {  	_ =	shalt  }
0x71: {  	_ =	shalt  }
0x72: {  	_ =	shalt  }
0x73: {  	_ =	shalt  }
0x74: {  	_ =	shalt  }
0x75: {  	_ =	shalt  }
0x76: {  	_ =	shalt  }
0x77: {  	_ =	shalt  }
0x78: {  	_ =	shalt  }
0x79: {  	_ =	shalt  }
0x7a: {  	_ =	shalt  }
0x7b: {  	_ =	shalt  }
0x7c: {  	_ =	shalt  }
0x7d: {  	_ =	shalt  }
0x7e: {  	_ =	shalt  }
0x7f: {  	_ =	shalt  }
0x80: {  	_ =	shalt  }
0x81: {  	_ =	shalt  }
0x82: {  	_ =	shalt  }
0x83: {  	_ =	shalt  }
0x84: {  	_ =	shalt  }
0x85: {  	_ =	shalt  }
0x86: {  	_ =	shalt  }
0x87: {  	_ =	shalt  }
.Lfunc_end0:
.L_simem_size_0:
called_computation_lowered:
.L_overlay_start_0:
0x88: {  	s2 =	sld [smem:$0x3FD9]  }
0x89: {  	s3 =	sld [smem:$0x3FFE];
	_ =	sdelay $0x1  }
0x8a: {  	s1 =	srdreg.scid  }
0x8b: {  	s0 =	sand.u32 $0x1, s1  }
0x8c: {  	s17 =	sshll.u32 s0, $0xA;
	s2 =	sadd.s32 s3, s2  }
0x8d: {  	s2 =	sadd.s32 s2, s17  }
0x8e: {  	[smem:$0x3FC2] =	sst s2  }
0x8f: {  	_ = 	snop  }
0x90: {  	s2 =	sld [smem:$0x3FC8]  }
0x91: {  	s18 =	sld [smem:$0x3FD0];
	(tm) =	ssettm $0x1  }
0x92: {  	s4 =	sld [smem:$0x3FFB];
	_ =	sdelay $0x3  }
0x93: {  	_ =	strace s4  }
0x94: {  	s4 =	sld [smem:$0x3FFC];
	_ =	sdelay $0x3  }
0x95: {  	_ =	strace s4  }
0x96: {  	s4 =	sld [smem:$0x3FFD];
	_ =	sdelay $0x3  }
0x97: {  	_ =	strace s4  }
0x98: {  	_ =	strace $0x8FFFFFFF  }
0x99: {  	s19 =	sld [smem:$0x3FDB];
	_ =	sdelay $0x1  }
0x9a: {  	s5 =	simm.s32 $_scs_section_size  }
0x9b: {  	s6 =	simm.s32 $_size__tile_overlayer_lowered;
	s7 =	simm.s32 $_tile_overlayer_lowered  }
0x9c: {  	s22 =	simm.s32 $0x1BFF;
	s21 =	sshll.u32 s7, $0x1;
	s4 =	sadd.s32 s5, s19  }
0x9d: {  	s8 =	simm.s32 $0x0;
	s20 =	sshll.u32 s6, $0x1;
	s6 =	sadd.s32 s21, s4  }
0x9e: {  	[timem:s8], [sflag:s22] =	dma.local [hbm:s6], s20  }
0x9f: {  	_ =	swait.ge [sflag:s22], s20  }
0xa0: {  	s5 =	ssub.s32 $0x0, s20;
	[sflag:s22] =	ssyncset.done $0x0  }
0xa1: {  	[sflag:s22] =	ssyncadd.s32 s5;
	_ =	sdelay $0x1  }
0xa2: {  	s23 =	simm.s32 $0x1B8B  }
0xa3: {  	_ =	swait.ge [sflag:s23], $0x1  }
0xa4: {  	[sflag:s23] =	ssyncset.done $0x0  }
0xa5: {  	s25 =	simm.s32 $0x1B8E;
	s24 =	sld [smem:$0x3FFE];
	[sflag:s23] =	ssyncadd.s32 $0xFFFFFFFF  }
0xa6: {  	s26 =	simm.s32 $execute0_lowered;
	[smem:$0x3FD2] =	sst s25  }
0xa7: {  	s6 =	sshll.u32 s26, $0x1;
	_ =	strace $0x80000046;
	[dreg:$0x1] =	wrdreg $0xFFFFFFFF  }
0xa8: {  	s28 =	simm.s32 $_size_execute0_lowered;
	s4 =	sadd.s32 s4, s6;
	[dreg:$0x0] =	wrdreg $0x0  }
0xa9: {  	s6 =	sshll.u32 s28, $0x1;
	[dreg:$0x2] =	wrdreg s4  }
0xaa: {  	[dreg:$0x3] =	wrdreg s6  }
0xab: {  	[dreg:$0x4] =	wrdreg $0xC0  }
0xac: {  	_ =	task [dreg:s8], $0x5FFFF  }
0xad: {  	[dreg:$0x1] =	wrdreg $0xFFFFFFFF  }
0xae: {  	[dreg:$0x0] =	wrdreg $0x60  }
0xaf: {  	[dreg:$0x2] =	wrdreg s2  }
0xb0: {  	[dreg:$0x3] =	wrdreg s18  }
0xb1: {  	[dreg:$0x4] =	wrdreg s24  }
0xb2: {  	[dreg:$0x5] =	wrdreg $0x9  }
0xb3: {  	_ =	task.clear_ibuf [dreg:s8], $0x6FFFF;
	_ =	strace $0x90000046  }
0xb4: {  	s29 =	simm.s32 $0x9;
	_ =	strace $0x80000048  }
0xb5: {  	_ =	swait.ge [sflag:s29], $0x1  }
0xb6: {  	[sflag:s29] =	ssyncadd.s32 $0xFFFFFFFF  }
0xb7: {  	_ =	strace $0x90000048  }
0xb8: {  	_ =	sfence  }
0xb9: {  	s30 =	sld [smem:$0x0];
	_ =	sdelay $0x2  }
0xba: {  	s31 =	sshll.u32 s1, $0xD;
	s1 =	sshrl.u32 s1, $0x2  }
0xbb: {  	s3 =	sand.u32 $0x4000, s31;
	s1 =	sadd.s32 s1, s30  }
0xbc: {  	s0 =	sor.u32 s3, s0;
	s1 =	sshll.u32 s1, $0x11  }
0xbd: {  	s0 =	sor.u32 s1, s0  }
0xbe: {  	s0 =	sadd.s32 $0x8F2B, s0  }
0xbf: {  	[sflag:s0] =	ssyncadd.remote.s32 $0x1  }
0xc0: {  	_ =	sfence.sel $0xFFFF  }
0xc1: {  	[dreg:$0x0] =	wrdreg $0xFFFFFFFF;
	(pc) =	sbr.abs _section_cstart, $3  }
0xc2: {  	[dreg:$0x1] =	wrdreg $0xFFFFFFFF  }
0xc3: {  	_ =	task.clear_ibuf [dreg:s8], $0x2FFFF;
	_ =	strace $0x9FFFFFFF  }
0xc4: {  	(tm) =	ssettm $0x7FFFFFFF  }
0xc5: {  	_ =	shalt  }
tec
execute0_lowered:
.L_overlay_start_1:
0x0: {  	(tag) =	ssettag $0x1  }
0x1: {  	s11 =	rddreg [dreg:$0x0]  }
0x2: {  	s2 =	rddreg [dreg:$0x1];
	s1 =	srdreg.scid  }
0x3: {  	s0 =	stileid.u32;
	s12 =	rddreg [dreg:$0x2];
	s3 =	simm.s32 $0x0  }
0x4: {  	s14 =	simm.s32 $0x400;
	s15 =	simm.s32 $0x7A1400;
	s16 =	simm.s32 $0x2000  }
0x5: {  	s17 =	simm.s32 $0x1;
	s18 =	simm.s32 $0x4000;
	s19 =	simm.s32 $0x2  }
0x6: {  	s20 =	simm.s32 $0x6000;
	s22 =	simm.s32 $0x4;
	s23 =	simm.s32 $0x0  }
0x7: {  	s5 =	sand.u32 $0x1, s1;
	s4 =	sshll.u32 s0, $0x1;
	s1 =	rddreg [dreg:$0x3]  }
0x8: {  	[smem:$0x7FF] =	sst s3;
	p0 =	slt.u32 s0, $0x2;
	s21 =	sor.u32 s5, s4  }
0x9: {  	_ =	strace $0x80000047;
	s4 =	sadd.s32 $0x1200, s12;
	s8 =	ssub.s32 $0x2, s5  }
0xa: {  	s12 =	sadd.s32 $0x7A2200, s12;
	s6 =	smul.u32 $0xF4, s21;
	s9 =	sshrl.u32 s8, $0x1  }
.Ltmp0:
0xb: {  	s7 =	smin.u32 s21, $0x4;
	s13 =	ssub.s32 s8, s9;
	(pc) =	sbr.rel .LBB2_1-.Ltmp0, $4  }
0xc: {  	v0 =	vlaneseq.u32;
	s5 =	sadd.s32 s7, s6;
	s6 =	simm.s32 $0xF5;
	s13 =	smax.u32 s13, $0x1  }
0xd: {  	v0 =	vmul.u32 $0x80, v0;
	s7 =	sshll.u32 s5, $0x7;
	s6 =	simm.s32 @!p0 $0xF4;
	p0 =	sne.s32 s21, $0x0  }
0xe: {  	s21 =	simm.s32 $0x3;
	s7 =	sadd.s32 s11, s7;
	s9 =	sadd.s32 $0xFFFFFFFE, s6  }
0xf: {  	v1 =	vor.u32 $0x800, v0;
	v2 =	vor.u32 $0x1000, v0;
	v3 =	vor.u32 $0x1800, v0;
	s10 =	sadd.s32 $0xFFFFFFFD, s6;
	s11 =	sadd.s32 $0x100, s11;
	s8 =	sadd.s32 $0x80, s7  }
.LBB2_11:
0x10: {  	_ =	swait.ge [sflag:s21], $0x2000  }
0x11: {  	[sflag:s21] =	ssyncset.done $0x0  }
0x12: {  	[sflag:s21] =	ssyncadd.s32 $0xFFFFE000  }
0x13: {  	_ =	swait.ge [sflag:s22], $0x2000  }
0x14: {  	s24 =	simm.s32 @!p0 $0x0;
	[sflag:s22] =	ssyncset.done $0x0  }
0x15: {  	s25 =	simm.s32 @!p0 $0x8000;
	s26 =	simm.s32 @!p0 $0x5;
	[sflag:s22] =	ssyncadd.s32 $0xFFFFE000  }
0x16: {  	[tilespmem:s25], [sflag:$0x5] =	stream.linear.gather @!p0 [hbm4b:s2+s24], $0x1000, $0x38;
	[tilespmem:$0x9000] =	vst v63  }
0x17: {  	s23 =	sadd.s32 $0x1, s23;
	_ =	swait.ge @!p0 [sflag:s26], $0x1000  }
0x18: {  	p1 =	sne.s32 s23, s13;
	[sflag:s26] =	ssyncset.done @!p0 $0x0  }
.Ltmp1:
0x19: {  	[sflag:s26] =	ssyncadd.s32 @!p0 $0xFFFFF000;
	(pc) =	sbr.rel @!p1 .LBB2_12-.Ltmp1, $4  }
0x1a: {  	[hbm4b:s12+s24] =	stream.linear.scatter @!p0 [tilespmem:s25], [sflag:$0x5], $0x1000, $0x38;
	[tilespmem:$0x9000] =	vst v63  }
0x1b: {  	_ =	swait.ge @!p0 [sflag:s26], $0x1000  }
0x1c: {  	[sflag:s26] =	ssyncset.done @!p0 $0x0  }
0x1d: {  	[sflag:s26] =	ssyncadd.s32 @!p0 $0xFFFFF000  }
.LBB2_1:
.Ltmp2:
0x1e: {  	(pc) =	sbr.rel .LBB2_2-.Ltmp2, $4  }
0x1f: {  	_ = 	snop  }
0x20: {  	[tilespmem:s3], [sflag:$0x1] =	stream.strided.gather [hbm4b:s7+s14], $0x2000, s15, s14, $0x38;
	[tilespmem:$0x9000] =	vst v63  }
0x21: {  	s24 =	simm.s32 $0x0  }
0x22: {  	[tilespmem:s16], [sflag:$0x2] =	stream.strided.gather [hbm4b:s8+s14], $0x2000, s15, s14, $0x38;
	[tilespmem:$0x9000] =	vst v63  }
.LBB2_10:
0x23: {  	s24 =	sadd.s32 $0x1, s24  }
0x24: {  	p1 =	sne.s32 s24, $0x7B  }
.Ltmp3:
0x25: {  	_ = 	snop;
	(pc) =	sbr.rel @!p1 .LBB2_11-.Ltmp3, $1  }
0x26: {  	_ =	sdelay $0x3  }
.LBB2_2:
0x27: {  	s25 =	sshll.u32 s24, $0x1  }
0x28: {  	p2 =	sge.u32 s25, s6  }
.Ltmp4:
0x29: {  	_ = 	snop;
	(pc) =	sbr.rel @p2 .LBB2_6-.Ltmp4, $2  }
0x2a: {  	_ =	sdelay $0x2  }
0x2b: {  	p1 =	seq.s32 s24, $0x0  }
0x2c: {  	s26 =	simm.s32 $0x0  }
0x2d: {  	v4 =	vmov s26  }
0x2e: {  	v4 =	vand.u32 $0x7F, v4  }
0x2f: {  	v4 =	vbroadcast v4, $0x0  }
0x30: {  	_ =	swait.ge [sflag:s17], $0x2000  }
0x31: {  	[sflag:s17] =	ssyncset.done $0x0;
	v5 =	vor.u32 v0, v4  }
0x32: {  	s26 =	simm.s32 @!p1 $0x3;
	[sflag:s17] =	ssyncadd.s32 $0xFFFFE000  }
0x33: {  	_ =	swait.ge @!p1 [sflag:s26], $0x2000  }
0x34: {  	[sflag:s26] =	ssyncset.done @!p1 $0x0  }
0x35: {  	[sflag:s26] =	ssyncadd.s32 @!p1 $0xFFFFE000  }
0x36: {  	v5 =	vld.idx.msk [tilespmem:v5+s3+$0x0], $0xffff  }
0x37: {  	v6 =	vor.u32 v1, v4;
	_ =	sdelay $0x2  }
0x38: {  	s26 =	simm.s32 $0x4020  }
0x39: {  	[tilespmem:s26+$0xFFFFFFE0] =	vst v5  }
0x3a: {  	v5 =	vld.idx.msk [tilespmem:v6+s3+$0x0], $0xffff  }
0x3b: {  	v6 =	vor.u32 v2, v4;
	_ =	sdelay $0x3  }
0x3c: {  	[tilespmem:s26+$0xFFFFFFF0] =	vst v5  }
0x3d: {  	v5 =	vld.idx.msk [tilespmem:v6+s3+$0x0], $0xffff  }
0x3e: {  	v4 =	vor.u32 v3, v4;
	_ =	sdelay $0x1  }
0x3f: {  	s28 =	simm.s32 $0x1  }
0x40: {  	v6 =	vmov s28;
	s28 =	simm.s32 $0x2  }
.LBB2_4:
0x41: {  	p2 =	sne.s32 s28, $0x7F;
	v6 =	vand.u32 $0x7F, v6;
	[tilespmem:s26+$0x0] =	vst v5  }
0x42: {  	v6 =	vbroadcast v6, $0x0;
	v4 =	vld.idx.msk [tilespmem:v4+s3+$0x0], $0xffff;
	_ =	sdelay $0x1  }
0x43: {  	v5 =	vor.u32 v0, v6;
	_ =	sdelay $0x3  }
0x44: {  	[tilespmem:s26+$0x10] =	vst v4  }
0x45: {  	v4 =	vld.idx.msk [tilespmem:v5+s3+$0x0], $0xffff;
	_ =	sdelay $0x1  }
0x46: {  	v5 =	vor.u32 v1, v6;
	_ =	sdelay $0x2  }
0x47: {  	s26 =	sadd.s32 $0x40, s26  }
0x48: {  	[tilespmem:s26+$0xFFFFFFE0] =	vst v4  }
0x49: {  	v4 =	vld.idx.msk [tilespmem:v5+s3+$0x0], $0xffff;
	_ =	sdelay $0x1  }
0x4a: {  	v5 =	vor.u32 v2, v6;
	_ =	sdelay $0x3  }
0x4b: {  	[tilespmem:s26+$0xFFFFFFF0] =	vst v4  }
0x4c: {  	v5 =	vld.idx.msk [tilespmem:v5+s3+$0x0], $0xffff  }
.Ltmp5:
0x4d: {  	(pc) =	sbr.rel @p2 .LBB2_4-.Ltmp5, $2  }
0x4e: {  	v4 =	vor.u32 v3, v6;
	_ =	sdelay $0x2  }
0x4f: {  	v6 =	vmov s28;
	s28 =	sadd.s32 $0x1, s28  }
0x50: {  	_ =	sdelay $0x1  }
0x51: {  	v6 =	vand.u32 $0x7F, v6  }
0x52: {  	[tilespmem:s26+$0x0] =	vst v5;
	v5 =	vbroadcast v6, $0x0  }
0x53: {  	v4 =	vld.idx.msk [tilespmem:v4+s3+$0x0], $0xffff  }
0x54: {  	v6 =	vor.u32 v0, v5;
	_ =	sdelay $0x3  }
0x55: {  	[tilespmem:s26+$0x10] =	vst v4  }
0x56: {  	v4 =	vld.idx.msk [tilespmem:v6+s3+$0x0], $0xffff  }
0x57: {  	v62 =	vor.u32 v1, v5;
	_ =	sdelay $0x2  }
0x58: {  	s30 =	sadd.s32 $0x40, s26  }
0x59: {  	[tilespmem:s30+$0xFFFFFFE0] =	vst v4  }
0x5a: {  	v4 =	vld.idx.msk [tilespmem:v62+s3+$0x0], $0xffff  }
0x5b: {  	v63 =	vor.u32 v2, v5;
	_ =	sdelay $0x3  }
0x5c: {  	[tilespmem:s30+$0xFFFFFFF0] =	vst v4  }
0x5d: {  	v4 =	vld.idx.msk [tilespmem:v63+s3+$0x0], $0xffff  }
0x5e: {  	v5 =	vor.u32 v3, v5;
	_ =	sdelay $0x3  }
0x5f: {  	[tilespmem:s30+$0x0] =	vst v4  }
0x60: {  	v4 =	vld.idx.msk [tilespmem:v5+s3+$0x0], $0xffff;
	_ =	sdelay $0x1  }
0x61: {  	s28 =	sadd.s32 s5, s25  }
0x62: {  	s29 =	sshll.u32 s28, $0xA  }
0x63: {  	p2 =	sge.u32 s25, s9;
	s29 =	sand.u32 $0x1FFFFC00, s29  }
0x64: {  	s31 =	sadd.s32 s4, s29;
	s29 =	simm.s32 @!p2 $0x7A1400;
	s26 =	sshll.u32 @!p2 s28, $0x7;
	[tilespmem:s30+$0x10] =	vst v4  }
0x65: {  	[hbm4b:s31+s3] =	stream.linear.scatter [tilespmem:s18], [sflag:$0x3], $0x2000, $0x38;
	[tilespmem:$0x9000] =	vst v63  }
0x66: {  	s28 =	simm.s32 @!p2 $0x400;
	s26 =	sadd.s32 @!p2 s26, s11;
	s30 =	simm.s32 @!p2 $0x0  }
0x67: {  	[tilespmem:s30], [sflag:$0x1] =	stream.strided.gather @!p2 [hbm4b:s26+s28], $0x2000, s29, s28, $0x38;
	[tilespmem:$0x9000] =	vst v63  }
.LBB2_6:
0x68: {  	s26 =	sor.u32 $0x1, s25  }
0x69: {  	p2 =	sge.u32 s26, s6  }
.Ltmp6:
0x6a: {  	_ = 	snop;
	(pc) =	sbr.rel @p2 .LBB2_10-.Ltmp6, $1  }
0x6b: {  	_ =	sdelay $0x3  }
0x6c: {  	s28 =	simm.s32 $0x0  }
0x6d: {  	v4 =	vmov s28  }
0x6e: {  	v4 =	vand.u32 $0x7F, v4  }
0x6f: {  	v4 =	vbroadcast v4, $0x0  }
0x70: {  	_ =	swait.ge [sflag:s19], $0x2000  }
0x71: {  	[sflag:s19] =	ssyncset.done $0x0;
	v5 =	vor.u32 v0, v4  }
0x72: {  	s29 =	simm.s32 @!p1 $0x4;
	[sflag:s19] =	ssyncadd.s32 $0xFFFFE000  }
0x73: {  	_ =	swait.ge @!p1 [sflag:s29], $0x2000  }
0x74: {  	[sflag:s29] =	ssyncset.done @!p1 $0x0  }
0x75: {  	[sflag:s29] =	ssyncadd.s32 @!p1 $0xFFFFE000  }
0x76: {  	v5 =	vld.idx.msk [tilespmem:v5+s16+$0x0], $0xffff  }
0x77: {  	v6 =	vor.u32 v1, v4;
	_ =	sdelay $0x2  }
0x78: {  	s29 =	sand.u32 $0x1FC0, s28  }
0x79: {  	[tilespmem:s29+$0x6000] =	vst v5  }
0x7a: {  	v5 =	vld.idx.msk [tilespmem:v6+s16+$0x0], $0xffff  }
0x7b: {  	v6 =	vor.u32 v2, v4;
	_ =	sdelay $0x2  }
0x7c: {  	s29 =	simm.s32 $0x6030  }
0x7d: {  	[tilespmem:s29+$0xFFFFFFE0] =	vst v5  }
0x7e: {  	v5 =	vld.idx.msk [tilespmem:v6+s16+$0x0], $0xffff  }
0x7f: {  	v4 =	vor.u32 v3, v4;
	_ =	sdelay $0x1  }
0x80: {  	s30 =	simm.s32 $0x1  }
0x81: {  	v6 =	vmov s30;
	s30 =	simm.s32 $0x2  }
.LBB2_8:
0x82: {  	p1 =	sne.s32 s30, $0x7F;
	v6 =	vand.u32 $0x7F, v6;
	[tilespmem:s29+$0xFFFFFFF0] =	vst v5  }
0x83: {  	v6 =	vbroadcast v6, $0x0;
	v4 =	vld.idx.msk [tilespmem:v4+s16+$0x0], $0xffff;
	_ =	sdelay $0x1  }
0x84: {  	v5 =	vor.u32 v0, v6;
	_ =	sdelay $0x3  }
0x85: {  	[tilespmem:s29+$0x0] =	vst v4  }
0x86: {  	v4 =	vld.idx.msk [tilespmem:v5+s16+$0x0], $0xffff;
	_ =	sdelay $0x1  }
0x87: {  	v5 =	vor.u32 v1, v6;
	_ =	sdelay $0x1  }
0x88: {  	s28 =	sadd.s32 $0x40, s28  }
0x89: {  	s31 =	sand.u32 $0x1FC0, s28  }
0x8a: {  	[tilespmem:s31+$0x6000] =	vst v4  }
0x8b: {  	v4 =	vld.idx.msk [tilespmem:v5+s16+$0x0], $0xffff;
	_ =	sdelay $0x1  }
0x8c: {  	v5 =	vor.u32 v2, v6;
	_ =	sdelay $0x2  }
0x8d: {  	s29 =	sadd.s32 $0x40, s29  }
0x8e: {  	[tilespmem:s29+$0xFFFFFFE0] =	vst v4  }
0x8f: {  	v5 =	vld.idx.msk [tilespmem:v5+s16+$0x0], $0xffff  }
.Ltmp7:
0x90: {  	(pc) =	sbr.rel @p1 .LBB2_8-.Ltmp7, $2  }
0x91: {  	v4 =	vor.u32 v3, v6;
	_ =	sdelay $0x2  }
0x92: {  	v6 =	vmov s30;
	s30 =	sadd.s32 $0x1, s30  }
0x93: {  	_ =	sdelay $0x1  }
0x94: {  	v6 =	vand.u32 $0x7F, v6  }
0x95: {  	[tilespmem:s29+$0xFFFFFFF0] =	vst v5;
	v5 =	vbroadcast v6, $0x0  }
0x96: {  	v4 =	vld.idx.msk [tilespmem:v4+s16+$0x0], $0xffff  }
0x97: {  	v6 =	vor.u32 v0, v5;
	_ =	sdelay $0x3  }
0x98: {  	[tilespmem:s29+$0x0] =	vst v4  }
0x99: {  	v4 =	vld.idx.msk [tilespmem:v6+s16+$0x0], $0xffff  }
0x9a: {  	v62 =	vor.u32 v1, v5;
	_ =	sdelay $0x1  }
0x9b: {  	s28 =	sadd.s32 $0x40, s28  }
0x9c: {  	s28 =	sand.u32 $0x1FC0, s28  }
0x9d: {  	[tilespmem:s28+$0x6000] =	vst v4  }
0x9e: {  	v4 =	vld.idx.msk [tilespmem:v62+s16+$0x0], $0xffff  }
0x9f: {  	v63 =	vor.u32 v2, v5;
	_ =	sdelay $0x2  }
0xa0: {  	s31 =	sadd.s32 $0x40, s29  }
0xa1: {  	[tilespmem:s31+$0xFFFFFFE0] =	vst v4  }
0xa2: {  	v4 =	vld.idx.msk [tilespmem:v63+s16+$0x0], $0xffff  }
0xa3: {  	v5 =	vor.u32 v3, v5;
	_ =	sdelay $0x3  }
0xa4: {  	[tilespmem:s31+$0xFFFFFFF0] =	vst v4  }
0xa5: {  	v4 =	vld.idx.msk [tilespmem:v5+s16+$0x0], $0xffff;
	_ =	sdelay $0x1  }
0xa6: {  	s26 =	sadd.s32 s5, s26  }
0xa7: {  	s30 =	sshll.u32 s26, $0xA  }
.Ltmp8:
0xa8: {  	p1 =	sge.u32 s25, s10;
	s29 =	sand.u32 $0x1FFFFC00, s30;
	(pc) =	sbr.rel .LBB2_10-.Ltmp8, $4  }
0xa9: {  	s25 =	sshll.u32 @!p1 s26, $0x7;
	s26 =	simm.s32 @!p1 $0x400;
	[tilespmem:s31+$0x0] =	vst v4;
	s31 =	sadd.s32 s4, s29  }
0xaa: {  	[hbm4b:s31+s3] =	stream.linear.scatter [tilespmem:s20], [sflag:$0x4], $0x2000, $0x38;
	[tilespmem:$0x9000] =	vst v63  }
0xab: {  	s25 =	sadd.s32 @!p1 s25, s11;
	s28 =	simm.s32 @!p1 $0x7A1400;
	s29 =	simm.s32 @!p1 $0x2000  }
0xac: {  	[tilespmem:s29], [sflag:$0x2] =	stream.strided.gather @!p1 [hbm4b:s25+s26], $0x2000, s28, s26, $0x38;
	[tilespmem:$0x9000] =	vst v63  }
.LBB2_12:
0xad: {  	_ =	sfence.sel $0x180000  }
0xae: {  	[bflag:$0x0] =	sbarrier.arrive $0xFFFF  }
0xaf: {  	p0 =	sne.s32 s0, $0x0;
	_ =	strace $0x90000047  }
0xb0: {  	s0 =	sadd.s32 @!p0 $0x100000, s1;
	[bflag:$0x2] =	sbarrier.arrive $0xFFFF  }
0xb1: {  	[sflag:s0] =	ssyncadd.tile.s32 @!p0 $0x1;
	_ =	shalt  }
.Lfunc_end2:
_tile_overlayer_lowered:
.L_overlay_start_2:
0xb2: {  	(tag) =	ssettag $0x2  }
0xb3: {  	s0 =	rddreg [dreg:$0x0];
	s2 =	stileid.u32  }
0xb4: {  	s1 =	rddreg [dreg:$0x1];
	p0 =	sne.s32 s2, $0x0  }
0xb5: {  	s3 =	rddreg [dreg:$0x2];
	[bflag:$0x3] =	sbarrier.arrive $0xFFFF;
	s2 =	simm.s32 @!p0 $0x1C05  }
0xb6: {  	[timem:s3], [sflag:s2] =	dma.local @!p0 [hbm:s0], s1  }
0xb7: {  	s0 =	simm.s32 @!p0 $0x5  }
0xb8: {  	_ =	swait.ge @!p0 [sflag:s0], s1  }
0xb9: {  	s1 =	ssub.s32 @!p0 $0x0, s1;
	[sflag:s0] =	ssyncset.done @!p0 $0x0  }
0xba: {  	[sflag:s0] =	ssyncadd.s32 @!p0 s1  }
0xbb: {  	[bflag:$0x3] =	sbarrier.arrive $0xFFFF  }
0xbc: {  	_ =	shalt  }

// kernel: kernel.8.cloned.1.call-start
scs
__scs_entry_jumppad:
0x0: {  	(pc) =	sbr.rel $0x88, $3  }
0x1: {  	(tag) =	ssettag $0x0;
	lr =	simm.s32 $0x1  }
0x2: {  	[smem:$0x3F9B] =	sst lr;
	_ =	strace $0xD0000000  }
0x3: {  	_ = 	snop  }
0x4: {  	_ = 	snop  }
0x5: {  	_ = 	snop  }
0x6: {  	_ = 	snop  }
0x7: {  	_ = 	snop  }
__scs_overlays_trampoline_lowered:
0x8: {  	[smem:$0x3FAA] =	sst s0  }
0x9: {  	[smem:$0x3FAB] =	sst s1  }
0xa: {  	[smem:$0x3FAC] =	sst s2  }
0xb: {  	[smem:$0x3FAD] =	sst s3  }
0xc: {  	[smem:$0x3FAE] =	sst s4  }
0xd: {  	[smem:$0x3FAF] =	sst s5  }
0xe: {  	[smem:$0x3FB0] =	sst s6  }
0xf: {  	[smem:$0x3FB1] =	sst s7  }
0x10: {  	[smem:$0x3FB2] =	sst s8  }
0x11: {  	[smem:$0x3FB3] =	sst s9;
	s0 =	simm.s32 @!p0 $0x0  }
0x12: {  	s1 =	sld [smem:$0x3F99];
	s0 =	simm.s32 @p0 $0x1  }
0x13: {  	[smem:$0x3FB4] =	sst s0;
	s0 =	simm.s32 @!p1 $0x0  }
0x14: {  	s2 =	sld [smem:$0x3F98];
	s0 =	simm.s32 @p1 $0x1  }
0x15: {  	[smem:$0x3FB5] =	sst s0;
	s0 =	simm.s32 @!p2 $0x0  }
0x16: {  	s3 =	sld [smem:$0x3FDB];
	s0 =	simm.s32 @p2 $0x1  }
0x17: {  	s4 =	simm.s32 $0x1BF5;
	[smem:$0x3FB7] =	sst s0  }
0x18: {  	s0 =	sld [smem:$0x3F9A];
	_ =	swait.ge [sflag:s4], $0x0  }
0x19: {  	s7 =	sld [smem:$0x3F9B]  }
0x1a: {  	s8 =	sadd.s32 $0xFFFFE003, lr  }
0x1b: {  	s9 =	sadd.s32 $0xFFFFFEF7, lr;
	s5 =	simm.s32 $0xFFFFFFFF;
	p2 =	slt.u32 s8, $0xFFFFF086  }
0x1c: {  	p1 =	slt.u32 s9, $0xF7A;
	s5 =	simm.s32 @!p2 $0x0  }
0x1d: {  	s5 =	simm.s32 @p1 $0x1;
	p0 =	seq.s32 s7, s2  }
0x1e: {  	s7 =	smul.u32 @!p0 $0xF7A, s2;
	p2 =	seq.s32 @!p0 s5, $0x0  }
0x1f: {  	s9 =	smul.u32 $0xF7A, s1;
	s8 =	simm.s32 @!p0 $0x1BF5;
	p2 =	por !p2, p0  }
0x20: {  	[sflag:s8] =	ssyncset.s32 @!p0 $0xFFFFF086;
	s6 =	sadd.s32 @!p0 s3, s7;
	s7 =	simm.s32 @!p0 $0x108  }
0x21: {  	s3 =	sadd.s32 s3, s9;
	s6 =	sadd.s32 @!p0 $0x88, s6;
	s7 =	simm.s32 @p2 $0x1082  }
0x22: {  	[simem:s7], [sflag:s8] =	dma.local @!p0 [hbm:s6], $0xF7A  }
0x23: {  	s9 =	sor.u32 $0xD0000000, s2;
	s6 =	simm.s32 $0x108;
	_ =	swait.ge @!p0 [sflag:s8], $0x0  }
0x24: {  	s3 =	sadd.s32 $0x88, s3;
	s6 =	simm.s32 @!p1 $0x1082;
	[sflag:s4] =	ssyncset.s32 $0xFFFFF086  }
0x25: {  	[simem:s6], [sflag:s4] =	dma.local [hbm:s3], $0xF7A  }
0x26: {  	[smem:$0x3F9B] =	sst s1;
	(tag) =	ssettag s2;
	_ =	strace s9  }
0x27: {  	s1 =	sld [smem:$0x3FAB]  }
0x28: {  	s2 =	sld [smem:$0x3FAC]  }
0x29: {  	s4 =	sld [smem:$0x3FAE]  }
0x2a: {  	p0 =	seq.s32 s5, $0x0;
	s5 =	sld [smem:$0x3FAF]  }
0x2b: {  	s6 =	sld [smem:$0x3FB0]  }
0x2c: {  	s7 =	sld [smem:$0x3FB1]  }
0x2d: {  	s3 =	simm.s32 $0x108;
	s8 =	sld [smem:$0x3FB2]  }
0x2e: {  	s3 =	simm.s32 @!p0 $0x1082;
	s9 =	sld [smem:$0x3FB3]  }
0x2f: {  	lr =	sadd.s32 s0, s3;
	s0 =	sld [smem:$0x3FAA]  }
0x30: {  	s3 =	sld [smem:$0x3FAD]  }
0x31: {  	[smem:$0x3FB6] =	sst s10  }
0x32: {  	s10 =	sld [smem:$0x3FB4];
	_ =	sdelay $0x3  }
0x33: {  	p0 =	seq.s32 s10, $0x1;
	s10 =	sld [smem:$0x3FB6];
	_ =	sdelay $0x3  }
0x34: {  	[smem:$0x3FB6] =	sst s10  }
0x35: {  	s10 =	sld [smem:$0x3FB5];
	_ =	sdelay $0x3  }
0x36: {  	p1 =	seq.s32 s10, $0x1;
	s10 =	sld [smem:$0x3FB6];
	_ =	sdelay $0x3  }
0x37: {  	[smem:$0x3FB6] =	sst s10  }
0x38: {  	s10 =	sld [smem:$0x3FB7]  }
0x39: {  	_ = 	snop;
	(pc) =	sbr.ind lr, $3  }
0x3a: {  	_ = 	snop  }
0x3b: {  	_ = 	snop  }
0x3c: {  	p2 =	seq.s32 s10, $0x1;
	s10 =	sld [smem:$0x3FB6]  }
0x3d: {  	_ =	shalt  }
0x3e: {  	_ =	shalt  }
0x3f: {  	_ =	shalt  }
0x40: {  	_ =	shalt  }
0x41: {  	_ =	shalt  }
0x42: {  	_ =	shalt  }
0x43: {  	_ =	shalt  }
0x44: {  	_ =	shalt  }
0x45: {  	_ =	shalt  }
0x46: {  	_ =	shalt  }
0x47: {  	_ =	shalt  }
0x48: {  	_ =	shalt  }
0x49: {  	_ =	shalt  }
0x4a: {  	_ =	shalt  }
0x4b: {  	_ =	shalt  }
0x4c: {  	_ =	shalt  }
0x4d: {  	_ =	shalt  }
0x4e: {  	_ =	shalt  }
0x4f: {  	_ =	shalt  }
0x50: {  	_ =	shalt  }
0x51: {  	_ =	shalt  }
0x52: {  	_ =	shalt  }
0x53: {  	_ =	shalt  }
0x54: {  	_ =	shalt  }
0x55: {  	_ =	shalt  }
0x56: {  	_ =	shalt  }
0x57: {  	_ =	shalt  }
0x58: {  	_ =	shalt  }
0x59: {  	_ =	shalt  }
0x5a: {  	_ =	shalt  }
0x5b: {  	_ =	shalt  }
0x5c: {  	_ =	shalt  }
0x5d: {  	_ =	shalt  }
0x5e: {  	_ =	shalt  }
0x5f: {  	_ =	shalt  }
0x60: {  	_ =	shalt  }
0x61: {  	_ =	shalt  }
0x62: {  	_ =	shalt  }
0x63: {  	_ =	shalt  }
0x64: {  	_ =	shalt  }
0x65: {  	_ =	shalt  }
0x66: {  	_ =	shalt  }
0x67: {  	_ =	shalt  }
0x68: {  	_ =	shalt  }
0x69: {  	_ =	shalt  }
0x6a: {  	_ =	shalt  }
0x6b: {  	_ =	shalt  }
0x6c: {  	_ =	shalt  }
0x6d: {  	_ =	shalt  }
0x6e: {  	_ =	shalt  }
0x6f: {  	_ =	shalt  }
0x70: {  	_ =	shalt  }
0x71: {  	_ =	shalt  }
0x72: {  	_ =	shalt  }
0x73: {  	_ =	shalt  }
0x74: {  	_ =	shalt  }
0x75: {  	_ =	shalt  }
0x76: {  	_ =	shalt  }
0x77: {  	_ =	shalt  }
0x78: {  	_ =	shalt  }
0x79: {  	_ =	shalt  }
0x7a: {  	_ =	shalt  }
0x7b: {  	_ =	shalt  }
0x7c: {  	_ =	shalt  }
0x7d: {  	_ =	shalt  }
0x7e: {  	_ =	shalt  }
0x7f: {  	_ =	shalt  }
0x80: {  	_ =	shalt  }
0x81: {  	_ =	shalt  }
0x82: {  	_ =	shalt  }
0x83: {  	_ =	shalt  }
0x84: {  	_ =	shalt  }
0x85: {  	_ =	shalt  }
0x86: {  	_ =	shalt  }
0x87: {  	_ =	shalt  }
.Lfunc_end0:
.L_simem_size_0:
called_computation.1_lowered:
.L_overlay_start_0:
0x88: {  	s2 =	sld [smem:$0x3FD9]  }
0x89: {  	s3 =	sld [smem:$0x3FFE];
	_ =	sdelay $0x1  }
0x8a: {  	s1 =	srdreg.scid  }
0x8b: {  	s0 =	sand.u32 $0x1, s1  }
0x8c: {  	s16 =	sshll.u32 s0, $0xA;
	s2 =	sadd.s32 s3, s2  }
0x8d: {  	s2 =	sadd.s32 s2, s16  }
0x8e: {  	[smem:$0x3FC2] =	sst s2  }
0x8f: {  	_ = 	snop  }
0x90: {  	(tm) =	ssettm $0x1  }
0x91: {  	s17 =	sld [smem:$0x3FFB];
	_ =	sdelay $0x3  }
0x92: {  	_ =	strace s17  }
0x93: {  	s2 =	sld [smem:$0x3FFC];
	_ =	sdelay $0x3  }
0x94: {  	_ =	strace s2  }
0x95: {  	s2 =	sld [smem:$0x3FFD];
	_ =	sdelay $0x3  }
0x96: {  	_ =	strace s2  }
0x97: {  	_ =	strace $0x8FFFFFFF  }
0x98: {  	s18 =	sld [smem:$0x3FDB];
	_ =	sdelay $0x1  }
0x99: {  	s19 =	simm.s32 $_scs_section_size  }
0x9a: {  	s4 =	simm.s32 $_size__tile_overlayer_lowered;
	s5 =	simm.s32 $_tile_overlayer_lowered  }
0x9b: {  	s22 =	simm.s32 $0x1BFF;
	s21 =	sshll.u32 s5, $0x1;
	s2 =	sadd.s32 s19, s18  }
0x9c: {  	s6 =	simm.s32 $0x0;
	s20 =	sshll.u32 s4, $0x1;
	s4 =	sadd.s32 s21, s2  }
0x9d: {  	[timem:s6], [sflag:s22] =	dma.local [hbm:s4], s20  }
0x9e: {  	_ =	swait.ge [sflag:s22], s20  }
0x9f: {  	s3 =	ssub.s32 $0x0, s20;
	[sflag:s22] =	ssyncset.done $0x0  }
0xa0: {  	[sflag:s22] =	ssyncadd.s32 s3;
	_ =	sdelay $0x1  }
0xa1: {  	s23 =	simm.s32 $0x1B8B  }
0xa2: {  	_ =	swait.ge [sflag:s23], $0x1  }
0xa3: {  	[sflag:s23] =	ssyncset.done $0x0  }
0xa4: {  	s25 =	simm.s32 $0x1B8E;
	s24 =	sld [smem:$0x3FFE];
	[sflag:s23] =	ssyncadd.s32 $0xFFFFFFFF  }
0xa5: {  	s26 =	simm.s32 $execute0_lowered;
	[smem:$0x3FD2] =	sst s25  }
0xa6: {  	s4 =	sshll.u32 s26, $0x1;
	_ =	strace $0x80000049;
	[dreg:$0x1] =	wrdreg $0xFFFFFFFF  }
0xa7: {  	s28 =	simm.s32 $_size_execute0_lowered;
	s2 =	sadd.s32 s2, s4;
	[dreg:$0x0] =	wrdreg $0x0  }
0xa8: {  	s4 =	sshll.u32 s28, $0x1;
	[dreg:$0x2] =	wrdreg s2  }
0xa9: {  	[dreg:$0x3] =	wrdreg s4  }
0xaa: {  	[dreg:$0x4] =	wrdreg $0xC0  }
0xab: {  	_ =	task [dreg:s6], $0x5FFFF  }
0xac: {  	[dreg:$0x1] =	wrdreg $0xFFFFFFFF  }
0xad: {  	[dreg:$0x0] =	wrdreg $0x60  }
0xae: {  	[dreg:$0x2] =	wrdreg s24  }
0xaf: {  	[dreg:$0x3] =	wrdreg $0x9  }
0xb0: {  	_ =	task.clear_ibuf [dreg:s6], $0x4FFFF;
	_ =	strace $0x90000049  }
0xb1: {  	s29 =	simm.s32 $0x9;
	_ =	strace $0x8000004B  }
0xb2: {  	_ =	swait.ge [sflag:s29], $0x1  }
0xb3: {  	[sflag:s29] =	ssyncadd.s32 $0xFFFFFFFF  }
0xb4: {  	_ =	strace $0x9000004B  }
0xb5: {  	_ =	sfence  }
0xb6: {  	s30 =	sld [smem:$0x0];
	_ =	sdelay $0x2  }
0xb7: {  	s31 =	sshll.u32 s1, $0xD;
	s1 =	sshrl.u32 s1, $0x2  }
0xb8: {  	s3 =	sand.u32 $0x4000, s31;
	s1 =	sadd.s32 s1, s30  }
0xb9: {  	s0 =	sor.u32 s3, s0;
	s1 =	sshll.u32 s1, $0x11  }
0xba: {  	s0 =	sor.u32 s1, s0  }
0xbb: {  	s0 =	sadd.s32 $0x8F2B, s0  }
0xbc: {  	[sflag:s0] =	ssyncadd.remote.s32 $0x1  }
0xbd: {  	_ =	sfence.sel $0xFFFF  }
0xbe: {  	[dreg:$0x0] =	wrdreg $0xFFFFFFFF;
	(pc) =	sbr.abs _section_cstart, $3  }
0xbf: {  	[dreg:$0x1] =	wrdreg $0xFFFFFFFF  }
0xc0: {  	_ =	task.clear_ibuf [dreg:s6], $0x2FFFF;
	_ =	strace $0x9FFFFFFF  }
0xc1: {  	(tm) =	ssettm $0x7FFFFFFF  }
tec
execute0_lowered:
.L_overlay_start_1:
0x0: {  	(tag) =	ssettag $0x1  }
0x1: {  	s0 =	srdreg.scid  }
0x2: {  	s2 =	stileid.u32;
	s1 =	rddreg [dreg:$0x0];
	s7 =	simm.s32 $0x5  }
0x3: {  	s8 =	simm.s32 $0x80;
	s10 =	simm.s32 $0x48;
	s12 =	simm.s32 $0xC8  }
0x4: {  	s13 =	simm.s32 $0x9600;
	s14 =	simm.s32 $0x148;
	s15 =	simm.s32 $0xB600  }
0x5: {  	s16 =	simm.s32 $0x190;
	s17 =	simm.s32 $0xC800;
	s18 =	simm.s32 $0x210  }
0x6: {  	s19 =	simm.s32 $0xE800;
	s20 =	simm.s32 $0xFA00;
	s21 =	simm.s32 $0x11A00  }
0x7: {  	s22 =	simm.s32 $0x1;
	s23 =	simm.s32 $0x2;
	s24 =	simm.s32 $0x3  }
0x8: {  	s25 =	simm.s32 $0x4;
	s26 =	simm.s32 $0x12C00;
	s0 =	sand.u32 $0x1, s0  }
0x9: {  	s3 =	sshll.u32 s2, $0x8;
	s2 =	simm.s32 $0x0;
	s4 =	sshll.u32 s0, $0x7  }
0xa: {  	s28 =	simm.s32 $0x0;
	[smem:$0x7FF] =	sst s2;
	s3 =	sor.u32 s4, s3  }
0xb: {  	s0 =	ssub.s32 $0x2, s0;
	_ =	strace $0x8000004A;
	s4 =	smul.u32 $0x19, s3  }
0xc: {  	s6 =	sshrl.u32 s0, $0x1;
	s5 =	sshll.u32 s3, $0x3;
	s3 =	sadd.s32 $0x1200, s1  }
0xd: {  	s0 =	ssub.s32 s0, s6;
	s4 =	sadd.s32 s4, s1;
	s1 =	sadd.s32 s5, s1  }
0xe: {  	s6 =	smax.u32 s0, $0x1;
	s4 =	sadd.s32 $0x7A2400, s4;
	s5 =	sadd.s32 $0x7BB400, s1  }
.LBB2_1:
0xf: {  	[tilespmem:s2], [sflag:$0x5] =	stream.linear.gather [hbm4b:s4+s2], $0x6400, $0x38;
	[tilespmem:$0x14C00] =	vst v63  }
0x10: {  	_ =	swait.ge [sflag:s7], $0x6400  }
0x11: {  	[sflag:s7] =	ssyncset.done $0x0  }
0x12: {  	s0 =	simm.s32 $0x6400;
	[sflag:s7] =	ssyncadd.s32 $0xFFFF9C00  }
0x13: {  	[tilespmem:s0], [sflag:$0x1] =	stream.indirect.gather [hbm4b:s3+s8], $0x40, s2, s8, $0xb8;
	[tilespmem:$0x14C00] =	vst v63  }
0x14: {  	s31 =	simm.s32 $0x8400  }
0x15: {  	[tilespmem:s31], [sflag:$0x1] =	stream.indirect.gather [hbm4b:s3+s10], $0x40, s8, s10, $0xb8;
	[tilespmem:$0x14C00] =	vst v63  }
0x16: {  	_ = 	snop  }
0x17: {  	[tilespmem:s13], [sflag:$0x2] =	stream.indirect.gather [hbm4b:s3+s8], $0x40, s12, s8, $0xb8;
	[tilespmem:$0x14C00] =	vst v63  }
0x18: {  	_ = 	snop  }
0x19: {  	[tilespmem:s15], [sflag:$0x2] =	stream.indirect.gather [hbm4b:s3+s10], $0x40, s14, s10, $0xb8;
	[tilespmem:$0x14C00] =	vst v63  }
0x1a: {  	_ = 	snop  }
0x1b: {  	[tilespmem:s17], [sflag:$0x3] =	stream.indirect.gather [hbm4b:s3+s8], $0x40, s16, s8, $0xb8;
	[tilespmem:$0x14C00] =	vst v63  }
0x1c: {  	s29 =	simm.s32 $0x0  }
0x1d: {  	[tilespmem:s19], [sflag:$0x3] =	stream.indirect.gather [hbm4b:s3+s10], $0x40, s18, s10, $0xb8;
	[tilespmem:$0x14C00] =	vst v63  }
.LBB2_2:
0x1e: {  	s30 =	sshllo.u32 s29, $0x2  }
0x1f: {  	s0 =	smul.u32 $0x320, s30;
	_ =	sdelay $0x1  }
0x20: {  	s0 =	sshra.s32 s0, $0x2  }
0x21: {  	[tilespmem:s20], [sflag:$0x4] =	stream.indirect.gather [hbm4b:s3+s8], $0x40, s0, s8, $0xb8;
	[tilespmem:$0x14C00] =	vst v63  }
0x22: {  	s0 =	sadd.s32 $0x80, s0  }
0x23: {  	[tilespmem:s21], [sflag:$0x4] =	stream.indirect.gather [hbm4b:s3+s10], $0x40, s0, s10, $0xb8;
	[tilespmem:$0x14C00] =	vst v63  }
0x24: {  	_ =	swait.ge [sflag:s22], $0x3200  }
0x25: {  	[sflag:s22] =	ssyncset.done $0x0  }
0x26: {  	s31 =	simm.s32 $0x6500;
	[sflag:s22] =	ssyncadd.s32 $0xFFFFCE00  }
0x27: {  	v0 =	vld [tilespmem:s31+$0xC0]  }
0x28: {  	v1 =	vld [tilespmem:s31+$0xD0]  }
0x29: {  	v2 =	vld [tilespmem:s31+$0x80]  }
0x2a: {  	v3 =	vld [tilespmem:s31+$0x90]  }
0x2b: {  	v9 =	vld [tilespmem:s31+$0x40]  }
0x2c: {  	v12 =	vld [tilespmem:s31+$0x50]  }
0x2d: {  	v7 =	vld [tilespmem:s31+$0x0]  }
0x2e: {  	v8 =	vld [tilespmem:s31+$0x10]  }
0x2f: {  	v5 =	vld [tilespmem:s31+$0xFFFFFFC0]  }
0x30: {  	v6 =	vld [tilespmem:s31+$0xFFFFFFD0]  }
0x31: {  	v4 =	vld [tilespmem:s31+$0xFFFFFF80]  }
0x32: {  	v10 =	vld [tilespmem:s31+$0xFFFFFF90]  }
0x33: {  	v11 =	vld [tilespmem:s31+$0xFFFFFF40]  }
0x34: {  	v13 =	vld [tilespmem:s31+$0xFFFFFF50]  }
0x35: {  	v14 =	vld [tilespmem:s31+$0xFFFFFF00]  }
0x36: {  	v15 =	vld [tilespmem:s31+$0xFFFFFF10]  }
0x37: {  	v16 =	vld [tilespmem:s31+$0xFFFFFF20]  }
0x38: {  	v17 =	vld [tilespmem:s31+$0xFFFFFF30]  }
0x39: {  	v18 =	vld [tilespmem:s31+$0xFFFFFF60]  }
0x3a: {  	v19 =	vld [tilespmem:s31+$0xFFFFFF70]  }
0x3b: {  	v20 =	vimm.f32 $0.0e+00;
	v21 =	vld [tilespmem:s31+$0xFFFFFFA0]  }
0x3c: {  	v22 =	vld [tilespmem:s31+$0xFFFFFFB0];
	v14 =	vadd.f32 v14, v20;
	v15 =	vadd.f32 v15, v20  }
0x3d: {  	v59 =	vld [tilespmem:s31+$0xFFFFFFE0];
	v16 =	vadd.f32 v16, v20;
	v17 =	vadd.f32 v17, v20  }
0x3e: {  	v11 =	vadd.f32 v11, v14;
	v13 =	vadd.f32 v13, v15;
	v14 =	vld [tilespmem:s31+$0xFFFFFFF0]  }
0x3f: {  	v61 =	vld [tilespmem:s31+$0x20];
	v15 =	vadd.f32 v18, v16;
	v60 =	vadd.f32 v19, v17  }
0x40: {  	v11 =	vadd.f32 v4, v11;
	v10 =	vadd.f32 v10, v13;
	v13 =	vld [tilespmem:s31+$0x30]  }
0x41: {  	v15 =	vadd.f32 v21, v15;
	v16 =	vadd.f32 v22, v60;
	v4 =	vld [tilespmem:s31+$0x60]  }
0x42: {  	v11 =	vadd.f32 v5, v11;
	v10 =	vadd.f32 v6, v10;
	v6 =	vld [tilespmem:s31+$0x70]  }
0x43: {  	v15 =	vadd.f32 v59, v15;
	v5 =	vld [tilespmem:s31+$0xA0];
	v14 =	vadd.f32 v14, v16  }
0x44: {  	v62 =	vadd.f32 v7, v11;
	v63 =	vadd.f32 v8, v10;
	v8 =	vld [tilespmem:s31+$0xB0]  }
0x45: {  	v11 =	vadd.f32 v61, v15;
	v7 =	vld [tilespmem:s31+$0xE0];
	v10 =	vadd.f32 v13, v14  }
0x46: {  	s1 =	simm.s32 $0x0;
	s0 =	simm.s32 $0x6700;
	v13 =	vadd.f32 v9, v62;
	v12 =	vadd.f32 v12, v63;
	v9 =	vld [tilespmem:s31+$0xF0]  }
.LBB2_3:
0x47: {  	v14 =	vld [tilespmem:s0+$0xC0];
	v4 =	vadd.f32 v4, v11;
	v6 =	vadd.f32 v6, v10  }
0x48: {  	v10 =	vld [tilespmem:s0+$0xD0];
	v11 =	vadd.f32 v2, v13;
	v12 =	vadd.f32 v3, v12  }
0x49: {  	v2 =	vld [tilespmem:s0+$0x80];
	v4 =	vadd.f32 v5, v4;
	v5 =	vadd.f32 v8, v6  }
0x4a: {  	v3 =	vld [tilespmem:s0+$0x90];
	v6 =	vadd.f32 v0, v11;
	v8 =	vadd.f32 v1, v12  }
0x4b: {  	v12 =	vld [tilespmem:s0+$0x40];
	v4 =	vadd.f32 v7, v4;
	v5 =	vadd.f32 v9, v5  }
0x4c: {  	v9 =	vld [tilespmem:s0+$0x50];
	v0 =	vmov v14  }
0x4d: {  	v7 =	vld [tilespmem:s0+$0x0];
	v1 =	vmov v10  }
0x4e: {  	v10 =	vld [tilespmem:s0+$0x10]  }
0x4f: {  	v11 =	vld [tilespmem:s0+$0xFFFFFFC0]  }
0x50: {  	v13 =	vld [tilespmem:s0+$0xFFFFFFD0]  }
0x51: {  	v14 =	vld [tilespmem:s0+$0xFFFFFF80]  }
0x52: {  	v15 =	vld [tilespmem:s0+$0xFFFFFF90]  }
0x53: {  	v16 =	vld [tilespmem:s0+$0xFFFFFF40]  }
0x54: {  	v17 =	vld [tilespmem:s0+$0xFFFFFF50]  }
0x55: {  	v18 =	vld [tilespmem:s0+$0xFFFFFF00]  }
0x56: {  	v19 =	vld [tilespmem:s0+$0xFFFFFF10]  }
0x57: {  	v20 =	vld [tilespmem:s0+$0xFFFFFF20]  }
0x58: {  	s1 =	sadd.s32 $0x8, s1;
	v21 =	vld [tilespmem:s0+$0xFFFFFF30]  }
0x59: {  	p0 =	slt.u32 s1, $0xC0;
	v22 =	vld [tilespmem:s0+$0xFFFFFF60]  }
0x5a: {  	v23 =	vld [tilespmem:s0+$0xFFFFFF70]  }
0x5b: {  	v24 =	vld [tilespmem:s0+$0xFFFFFFA0]  }
0x5c: {  	v6 =	vadd.f32 v18, v6;
	v8 =	vadd.f32 v19, v8;
	v18 =	vld [tilespmem:s0+$0xFFFFFFB0]  }
0x5d: {  	v4 =	vadd.f32 v20, v4;
	v5 =	vadd.f32 v21, v5;
	v19 =	vld [tilespmem:s0+$0xFFFFFFE0]  }
0x5e: {  	v6 =	vadd.f32 v16, v6;
	v8 =	vadd.f32 v17, v8;
	v16 =	vld [tilespmem:s0+$0xFFFFFFF0]  }
0x5f: {  	v4 =	vadd.f32 v22, v4;
	v5 =	vadd.f32 v23, v5;
	v17 =	vld [tilespmem:s0+$0x20]  }
0x60: {  	v6 =	vadd.f32 v14, v6;
	v8 =	vadd.f32 v15, v8;
	v14 =	vld [tilespmem:s0+$0x30]  }
0x61: {  	v15 =	vadd.f32 v24, v4;
	v5 =	vadd.f32 v18, v5;
	v4 =	vld [tilespmem:s0+$0x60]  }
.Ltmp0:
0x62: {  	v11 =	vadd.f32 v11, v6;
	v8 =	vadd.f32 v13, v8;
	v6 =	vld [tilespmem:s0+$0x70];
	(pc) =	sbr.rel @p0 .LBB2_3-.Ltmp0, $4  }
0x63: {  	v13 =	vadd.f32 v19, v15;
	v15 =	vadd.f32 v16, v5;
	v5 =	vld [tilespmem:s0+$0xA0]  }
0x64: {  	v16 =	vadd.f32 v7, v11;
	v18 =	vadd.f32 v10, v8;
	v8 =	vld [tilespmem:s0+$0xB0]  }
0x65: {  	v11 =	vadd.f32 v17, v13;
	v10 =	vadd.f32 v14, v15;
	v7 =	vld [tilespmem:s0+$0xE0]  }
0x66: {  	v13 =	vadd.f32 v12, v16;
	v12 =	vadd.f32 v9, v18;
	v9 =	vld [tilespmem:s0+$0xF0];
	s0 =	sadd.s32 $0x200, s0  }
0x67: {  	_ = 	snop  }
0x68: {  	v4 =	vadd.f32 v4, v11;
	v2 =	vadd.f32 v2, v13  }
0x69: {  	v6 =	vadd.f32 v6, v10;
	v3 =	vadd.f32 v3, v12  }
0x6a: {  	v4 =	vadd.f32 v5, v4;
	v0 =	vadd.f32 v0, v2  }
0x6b: {  	v2 =	vadd.f32 v8, v6;
	v1 =	vadd.f32 v1, v3  }
0x6c: {  	s0 =	sshll.u32 s29, $0x8;
	v3 =	vadd.f32 v7, v4;
	v0 =	vmul.f32 $4.999999890e-03, v0  }
0x6d: {  	p0 =	seq.s32 s29, $0x1F;
	s31 =	sand.u32 $0x3FFFFF00, s0;
	v2 =	vadd.f32 v9, v2;
	v1 =	vmul.f32 $4.999999890e-03, v1  }
0x6e: {  	s0 =	smul.u32 @!p0 $0xC80, s29;
	[tilespmem:s31+$0x12C00] =	vst v0;
	v0 =	vmul.f32 $4.999999890e-03, v3  }
0x6f: {  	[tilespmem:s31+$0x12C10] =	vst v1;
	v1 =	vmul.f32 $4.999999890e-03, v2  }
0x70: {  	s1 =	sshra.s32 @!p0 s0, $0x2;
	[tilespmem:s31+$0x12C20] =	vst v0  }
0x71: {  	s9 =	simm.s32 @!p0 $0x80;
	s11 =	simm.s32 @!p0 $0x6400;
	s0 =	sadd.s32 @!p0 $0x320, s1;
	[tilespmem:s31+$0x12C30] =	vst v1  }
0x72: {  	[tilespmem:s11], [sflag:$0x1] =	stream.indirect.gather @!p0 [hbm4b:s3+s9], $0x40, s0, s9, $0xb8;
	[tilespmem:$0x14C00] =	vst v63  }
0x73: {  	s0 =	sadd.s32 @!p0 $0x3A0, s1;
	s9 =	simm.s32 @!p0 $0x48;
	s11 =	simm.s32 @!p0 $0x8400  }
0x74: {  	[tilespmem:s11], [sflag:$0x1] =	stream.indirect.gather @!p0 [hbm4b:s3+s9], $0x40, s0, s9, $0xb8;
	[tilespmem:$0x14C00] =	vst v63  }
0x75: {  	_ =	swait.ge [sflag:s23], $0x3200  }
0x76: {  	[sflag:s23] =	ssyncset.done $0x0  }
0x77: {  	s11 =	simm.s32 $0x97F0;
	[sflag:s23] =	ssyncadd.s32 $0xFFFFCE00  }
0x78: {  	v0 =	vld [tilespmem:s11+$0xFFFFFFD0]  }
0x79: {  	v1 =	vld [tilespmem:s11+$0xFFFFFFE0]  }
0x7a: {  	v2 =	vld [tilespmem:s11+$0xFFFFFF90]  }
0x7b: {  	v3 =	vld [tilespmem:s11+$0xFFFFFFA0]  }
0x7c: {  	v9 =	vld [tilespmem:s11+$0xFFFFFF50]  }
0x7d: {  	v12 =	vld [tilespmem:s11+$0xFFFFFF60]  }
0x7e: {  	v7 =	vld [tilespmem:s11+$0xFFFFFF10]  }
0x7f: {  	v8 =	vld [tilespmem:s11+$0xFFFFFF20]  }
0x80: {  	v5 =	vld [tilespmem:s11+$0xFFFFFED0]  }
0x81: {  	v6 =	vld [tilespmem:s11+$0xFFFFFEE0]  }
0x82: {  	v4 =	vld [tilespmem:s11+$0xFFFFFE90]  }
0x83: {  	v10 =	vld [tilespmem:s11+$0xFFFFFEA0]  }
0x84: {  	v11 =	vld [tilespmem:s11+$0xFFFFFE50]  }
0x85: {  	v13 =	vld [tilespmem:s11+$0xFFFFFE60]  }
0x86: {  	v14 =	vld [tilespmem:s11+$0xFFFFFE10]  }
0x87: {  	v15 =	vld [tilespmem:s11+$0xFFFFFE20]  }
0x88: {  	v16 =	vld [tilespmem:s11+$0xFFFFFE30]  }
0x89: {  	v17 =	vld [tilespmem:s11+$0xFFFFFE40]  }
0x8a: {  	v18 =	vld [tilespmem:s11+$0xFFFFFE70]  }
0x8b: {  	v19 =	vld [tilespmem:s11+$0xFFFFFE80]  }
0x8c: {  	v20 =	vimm.f32 $0.0e+00;
	v21 =	vld [tilespmem:s11+$0xFFFFFEB0]  }
0x8d: {  	v22 =	vld [tilespmem:s11+$0xFFFFFEC0];
	v14 =	vadd.f32 v14, v20;
	v15 =	vadd.f32 v15, v20  }
0x8e: {  	v59 =	vld [tilespmem:s11+$0xFFFFFEF0];
	v16 =	vadd.f32 v16, v20;
	v17 =	vadd.f32 v17, v20  }
0x8f: {  	v11 =	vadd.f32 v11, v14;
	v13 =	vadd.f32 v13, v15;
	v14 =	vld [tilespmem:s11+$0xFFFFFF00]  }
0x90: {  	v61 =	vld [tilespmem:s11+$0xFFFFFF30];
	v15 =	vadd.f32 v18, v16;
	v60 =	vadd.f32 v19, v17  }
0x91: {  	v11 =	vadd.f32 v4, v11;
	v10 =	vadd.f32 v10, v13;
	v13 =	vld [tilespmem:s11+$0xFFFFFF40]  }
0x92: {  	v15 =	vadd.f32 v21, v15;
	v16 =	vadd.f32 v22, v60;
	v4 =	vld [tilespmem:s11+$0xFFFFFF70]  }
0x93: {  	v11 =	vadd.f32 v5, v11;
	v10 =	vadd.f32 v6, v10;
	v6 =	vld [tilespmem:s11+$0xFFFFFF80]  }
0x94: {  	v15 =	vadd.f32 v59, v15;
	v5 =	vld [tilespmem:s11+$0xFFFFFFB0];
	v14 =	vadd.f32 v14, v16  }
0x95: {  	v62 =	vadd.f32 v7, v11;
	v63 =	vadd.f32 v8, v10;
	v8 =	vld [tilespmem:s11+$0xFFFFFFC0]  }
0x96: {  	v11 =	vadd.f32 v61, v15;
	v7 =	vld [tilespmem:s11+$0xFFFFFFF0];
	v10 =	vadd.f32 v13, v14  }
0x97: {  	s0 =	simm.s32 $0x0;
	s9 =	simm.s32 $0x99F0;
	v13 =	vadd.f32 v9, v62;
	v12 =	vadd.f32 v12, v63;
	v9 =	vld [tilespmem:s11+$0x0]  }
.LBB2_5:
0x98: {  	v14 =	vld [tilespmem:s9+$0xFFFFFFD0];
	v4 =	vadd.f32 v4, v11;
	v6 =	vadd.f32 v6, v10  }
0x99: {  	v10 =	vld [tilespmem:s9+$0xFFFFFFE0];
	v11 =	vadd.f32 v2, v13;
	v12 =	vadd.f32 v3, v12  }
0x9a: {  	v2 =	vld [tilespmem:s9+$0xFFFFFF90];
	v4 =	vadd.f32 v5, v4;
	v5 =	vadd.f32 v8, v6  }
0x9b: {  	v3 =	vld [tilespmem:s9+$0xFFFFFFA0];
	v6 =	vadd.f32 v0, v11;
	v8 =	vadd.f32 v1, v12  }
0x9c: {  	v12 =	vld [tilespmem:s9+$0xFFFFFF50];
	v4 =	vadd.f32 v7, v4;
	v5 =	vadd.f32 v9, v5  }
0x9d: {  	v9 =	vld [tilespmem:s9+$0xFFFFFF60];
	v0 =	vmov v14  }
0x9e: {  	v7 =	vld [tilespmem:s9+$0xFFFFFF10];
	v1 =	vmov v10  }
0x9f: {  	v10 =	vld [tilespmem:s9+$0xFFFFFF20]  }
0xa0: {  	v11 =	vld [tilespmem:s9+$0xFFFFFED0]  }
0xa1: {  	v13 =	vld [tilespmem:s9+$0xFFFFFEE0]  }
0xa2: {  	v14 =	vld [tilespmem:s9+$0xFFFFFE90]  }
0xa3: {  	v15 =	vld [tilespmem:s9+$0xFFFFFEA0]  }
0xa4: {  	v16 =	vld [tilespmem:s9+$0xFFFFFE50]  }
0xa5: {  	v17 =	vld [tilespmem:s9+$0xFFFFFE60]  }
0xa6: {  	v18 =	vld [tilespmem:s9+$0xFFFFFE10]  }
0xa7: {  	v19 =	vld [tilespmem:s9+$0xFFFFFE20]  }
0xa8: {  	v20 =	vld [tilespmem:s9+$0xFFFFFE30]  }
0xa9: {  	s0 =	sadd.s32 $0x8, s0;
	v21 =	vld [tilespmem:s9+$0xFFFFFE40]  }
0xaa: {  	p1 =	slt.u32 s0, $0xC0;
	v22 =	vld [tilespmem:s9+$0xFFFFFE70]  }
0xab: {  	v23 =	vld [tilespmem:s9+$0xFFFFFE80]  }
0xac: {  	v24 =	vld [tilespmem:s9+$0xFFFFFEB0]  }
0xad: {  	v6 =	vadd.f32 v18, v6;
	v8 =	vadd.f32 v19, v8;
	v18 =	vld [tilespmem:s9+$0xFFFFFEC0]  }
0xae: {  	v4 =	vadd.f32 v20, v4;
	v5 =	vadd.f32 v21, v5;
	v19 =	vld [tilespmem:s9+$0xFFFFFEF0]  }
0xaf: {  	v6 =	vadd.f32 v16, v6;
	v8 =	vadd.f32 v17, v8;
	v16 =	vld [tilespmem:s9+$0xFFFFFF00]  }
0xb0: {  	v4 =	vadd.f32 v22, v4;
	v5 =	vadd.f32 v23, v5;
	v17 =	vld [tilespmem:s9+$0xFFFFFF30]  }
0xb1: {  	v6 =	vadd.f32 v14, v6;
	v8 =	vadd.f32 v15, v8;
	v14 =	vld [tilespmem:s9+$0xFFFFFF40]  }
0xb2: {  	v15 =	vadd.f32 v24, v4;
	v5 =	vadd.f32 v18, v5;
	v4 =	vld [tilespmem:s9+$0xFFFFFF70]  }
.Ltmp1:
0xb3: {  	v11 =	vadd.f32 v11, v6;
	v8 =	vadd.f32 v13, v8;
	v6 =	vld [tilespmem:s9+$0xFFFFFF80];
	(pc) =	sbr.rel @p1 .LBB2_5-.Ltmp1, $4  }
0xb4: {  	v13 =	vadd.f32 v19, v15;
	v15 =	vadd.f32 v16, v5;
	v5 =	vld [tilespmem:s9+$0xFFFFFFB0]  }
0xb5: {  	v16 =	vadd.f32 v7, v11;
	v18 =	vadd.f32 v10, v8;
	v8 =	vld [tilespmem:s9+$0xFFFFFFC0]  }
0xb6: {  	v11 =	vadd.f32 v17, v13;
	v10 =	vadd.f32 v14, v15;
	v7 =	vld [tilespmem:s9+$0xFFFFFFF0]  }
0xb7: {  	v13 =	vadd.f32 v12, v16;
	v12 =	vadd.f32 v9, v18;
	v9 =	vld [tilespmem:s9+$0x0];
	s9 =	sadd.s32 $0x200, s9  }
0xb8: {  	_ = 	snop  }
0xb9: {  	v4 =	vadd.f32 v4, v11;
	v2 =	vadd.f32 v2, v13  }
0xba: {  	v6 =	vadd.f32 v6, v10;
	v3 =	vadd.f32 v3, v12  }
0xbb: {  	v4 =	vadd.f32 v5, v4;
	v0 =	vadd.f32 v0, v2  }
0xbc: {  	v2 =	vadd.f32 v8, v6;
	v1 =	vadd.f32 v1, v3  }
0xbd: {  	v3 =	vadd.f32 v7, v4;
	v0 =	vmul.f32 $4.999999890e-03, v0  }
0xbe: {  	v2 =	vadd.f32 v9, v2;
	v1 =	vmul.f32 $4.999999890e-03, v1  }
0xbf: {  	[tilespmem:s31+$0x12C40] =	vst v0;
	v0 =	vmul.f32 $4.999999890e-03, v3  }
0xc0: {  	[tilespmem:s31+$0x12C50] =	vst v1;
	v1 =	vmul.f32 $4.999999890e-03, v2  }
0xc1: {  	[tilespmem:s31+$0x12C60] =	vst v0  }
0xc2: {  	s0 =	sadd.s32 @!p0 $0x3E8, s1;
	s9 =	simm.s32 @!p0 $0x80;
	s11 =	simm.s32 @!p0 $0x9600;
	[tilespmem:s31+$0x12C70] =	vst v1  }
0xc3: {  	[tilespmem:s11], [sflag:$0x2] =	stream.indirect.gather @!p0 [hbm4b:s3+s9], $0x40, s0, s9, $0xb8;
	[tilespmem:$0x14C00] =	vst v63  }
0xc4: {  	s0 =	sadd.s32 @!p0 $0x468, s1;
	s9 =	simm.s32 @!p0 $0x48;
	s11 =	simm.s32 @!p0 $0xB600  }
0xc5: {  	[tilespmem:s11], [sflag:$0x2] =	stream.indirect.gather @!p0 [hbm4b:s3+s9], $0x40, s0, s9, $0xb8;
	[tilespmem:$0x14C00] =	vst v63  }
0xc6: {  	_ =	swait.ge [sflag:s24], $0x3200  }
0xc7: {  	[sflag:s24] =	ssyncset.done $0x0  }
0xc8: {  	s11 =	simm.s32 $0xC800;
	[sflag:s24] =	ssyncadd.s32 $0xFFFFCE00  }
0xc9: {  	v0 =	vld [tilespmem:s11+$0x1C0]  }
0xca: {  	v1 =	vld [tilespmem:s11+$0x1D0]  }
0xcb: {  	v2 =	vld [tilespmem:s11+$0x180]  }
0xcc: {  	v3 =	vld [tilespmem:s11+$0x190]  }
0xcd: {  	v9 =	vld [tilespmem:s11+$0x140]  }
0xce: {  	v12 =	vld [tilespmem:s11+$0x150]  }
0xcf: {  	v7 =	vld [tilespmem:s11+$0x100]  }
0xd0: {  	v8 =	vld [tilespmem:s11+$0x110]  }
0xd1: {  	v5 =	vld [tilespmem:s11+$0xC0]  }
0xd2: {  	v6 =	vld [tilespmem:s11+$0xD0]  }
0xd3: {  	v4 =	vld [tilespmem:s11+$0x80]  }
0xd4: {  	v10 =	vld [tilespmem:s11+$0x90]  }
0xd5: {  	v11 =	vld [tilespmem:s11+$0x40]  }
0xd6: {  	v13 =	vld [tilespmem:s11+$0x50]  }
0xd7: {  	v14 =	vld [tilespmem:s11+$0x0]  }
0xd8: {  	v15 =	vld [tilespmem:s11+$0x10]  }
0xd9: {  	v16 =	vld [tilespmem:s11+$0x20]  }
0xda: {  	v17 =	vld [tilespmem:s11+$0x30]  }
0xdb: {  	v18 =	vld [tilespmem:s11+$0x60]  }
0xdc: {  	v19 =	vld [tilespmem:s11+$0x70]  }
0xdd: {  	v20 =	vimm.f32 $0.0e+00;
	v21 =	vld [tilespmem:s11+$0xA0]  }
0xde: {  	v22 =	vld [tilespmem:s11+$0xB0];
	v14 =	vadd.f32 v14, v20;
	v15 =	vadd.f32 v15, v20  }
0xdf: {  	v59 =	vld [tilespmem:s11+$0xE0];
	v16 =	vadd.f32 v16, v20;
	v17 =	vadd.f32 v17, v20  }
0xe0: {  	v11 =	vadd.f32 v11, v14;
	v13 =	vadd.f32 v13, v15;
	v14 =	vld [tilespmem:s11+$0xF0]  }
0xe1: {  	v61 =	vld [tilespmem:s11+$0x120];
	v15 =	vadd.f32 v18, v16;
	v60 =	vadd.f32 v19, v17  }
0xe2: {  	v11 =	vadd.f32 v4, v11;
	v10 =	vadd.f32 v10, v13;
	v13 =	vld [tilespmem:s11+$0x130]  }
0xe3: {  	v15 =	vadd.f32 v21, v15;
	v16 =	vadd.f32 v22, v60;
	v4 =	vld [tilespmem:s11+$0x160]  }
0xe4: {  	v11 =	vadd.f32 v5, v11;
	v10 =	vadd.f32 v6, v10;
	v6 =	vld [tilespmem:s11+$0x170]  }
0xe5: {  	v15 =	vadd.f32 v59, v15;
	v5 =	vld [tilespmem:s11+$0x1A0];
	v14 =	vadd.f32 v14, v16  }
0xe6: {  	v62 =	vadd.f32 v7, v11;
	v63 =	vadd.f32 v8, v10;
	v8 =	vld [tilespmem:s11+$0x1B0]  }
0xe7: {  	v11 =	vadd.f32 v61, v15;
	v7 =	vld [tilespmem:s11+$0x1E0];
	v10 =	vadd.f32 v13, v14  }
0xe8: {  	s0 =	simm.s32 $0x0;
	s9 =	simm.s32 $0xCA00;
	v13 =	vadd.f32 v9, v62;
	v12 =	vadd.f32 v12, v63;
	v9 =	vld [tilespmem:s11+$0x1F0]  }
.LBB2_7:
0xe9: {  	v14 =	vld [tilespmem:s9+$0x1C0];
	v4 =	vadd.f32 v4, v11;
	v6 =	vadd.f32 v6, v10  }
0xea: {  	v10 =	vld [tilespmem:s9+$0x1D0];
	v11 =	vadd.f32 v2, v13;
	v12 =	vadd.f32 v3, v12  }
0xeb: {  	v2 =	vld [tilespmem:s9+$0x180];
	v4 =	vadd.f32 v5, v4;
	v5 =	vadd.f32 v8, v6  }
0xec: {  	v3 =	vld [tilespmem:s9+$0x190];
	v6 =	vadd.f32 v0, v11;
	v8 =	vadd.f32 v1, v12  }
0xed: {  	v12 =	vld [tilespmem:s9+$0x140];
	v4 =	vadd.f32 v7, v4;
	v5 =	vadd.f32 v9, v5  }
0xee: {  	v9 =	vld [tilespmem:s9+$0x150];
	v0 =	vmov v14  }
0xef: {  	v7 =	vld [tilespmem:s9+$0x100];
	v1 =	vmov v10  }
0xf0: {  	v10 =	vld [tilespmem:s9+$0x110]  }
0xf1: {  	v11 =	vld [tilespmem:s9+$0xC0]  }
0xf2: {  	v13 =	vld [tilespmem:s9+$0xD0]  }
0xf3: {  	v14 =	vld [tilespmem:s9+$0x80]  }
0xf4: {  	v15 =	vld [tilespmem:s9+$0x90]  }
0xf5: {  	v16 =	vld [tilespmem:s9+$0x40]  }
0xf6: {  	v17 =	vld [tilespmem:s9+$0x50]  }
0xf7: {  	v18 =	vld [tilespmem:s9+$0x0]  }
0xf8: {  	v19 =	vld [tilespmem:s9+$0x10]  }
0xf9: {  	v20 =	vld [tilespmem:s9+$0x20]  }
0xfa: {  	s0 =	sadd.s32 $0x8, s0;
	v21 =	vld [tilespmem:s9+$0x30]  }
0xfb: {  	p1 =	slt.u32 s0, $0xC0;
	v22 =	vld [tilespmem:s9+$0x60]  }
0xfc: {  	v23 =	vld [tilespmem:s9+$0x70]  }
0xfd: {  	v24 =	vld [tilespmem:s9+$0xA0]  }
0xfe: {  	v6 =	vadd.f32 v18, v6;
	v8 =	vadd.f32 v19, v8;
	v18 =	vld [tilespmem:s9+$0xB0]  }
0xff: {  	v4 =	vadd.f32 v20, v4;
	v5 =	vadd.f32 v21, v5;
	v19 =	vld [tilespmem:s9+$0xE0]  }
0x100: {  	v6 =	vadd.f32 v16, v6;
	v8 =	vadd.f32 v17, v8;
	v16 =	vld [tilespmem:s9+$0xF0]  }
0x101: {  	v4 =	vadd.f32 v22, v4;
	v5 =	vadd.f32 v23, v5;
	v17 =	vld [tilespmem:s9+$0x120]  }
0x102: {  	v6 =	vadd.f32 v14, v6;
	v8 =	vadd.f32 v15, v8;
	v14 =	vld [tilespmem:s9+$0x130]  }
0x103: {  	v15 =	vadd.f32 v24, v4;
	v5 =	vadd.f32 v18, v5;
	v4 =	vld [tilespmem:s9+$0x160]  }
.Ltmp2:
0x104: {  	v11 =	vadd.f32 v11, v6;
	v8 =	vadd.f32 v13, v8;
	v6 =	vld [tilespmem:s9+$0x170];
	(pc) =	sbr.rel @p1 .LBB2_7-.Ltmp2, $4  }
0x105: {  	v13 =	vadd.f32 v19, v15;
	v15 =	vadd.f32 v16, v5;
	v5 =	vld [tilespmem:s9+$0x1A0]  }
0x106: {  	v16 =	vadd.f32 v7, v11;
	v18 =	vadd.f32 v10, v8;
	v8 =	vld [tilespmem:s9+$0x1B0]  }
0x107: {  	v11 =	vadd.f32 v17, v13;
	v10 =	vadd.f32 v14, v15;
	v7 =	vld [tilespmem:s9+$0x1E0]  }
0x108: {  	v13 =	vadd.f32 v12, v16;
	v12 =	vadd.f32 v9, v18;
	v9 =	vld [tilespmem:s9+$0x1F0];
	s9 =	sadd.s32 $0x200, s9  }
0x109: {  	_ = 	snop  }
0x10a: {  	v4 =	vadd.f32 v4, v11;
	v2 =	vadd.f32 v2, v13  }
0x10b: {  	v6 =	vadd.f32 v6, v10;
	v3 =	vadd.f32 v3, v12  }
0x10c: {  	v4 =	vadd.f32 v5, v4;
	v0 =	vadd.f32 v0, v2  }
0x10d: {  	v2 =	vadd.f32 v8, v6;
	v1 =	vadd.f32 v1, v3  }
0x10e: {  	v3 =	vadd.f32 v7, v4;
	v0 =	vmul.f32 $4.999999890e-03, v0  }
0x10f: {  	v2 =	vadd.f32 v9, v2;
	v1 =	vmul.f32 $4.999999890e-03, v1  }
0x110: {  	[tilespmem:s31+$0x12C80] =	vst v0;
	v0 =	vmul.f32 $4.999999890e-03, v3  }
0x111: {  	[tilespmem:s31+$0x12C90] =	vst v1;
	v1 =	vmul.f32 $4.999999890e-03, v2  }
0x112: {  	[tilespmem:s31+$0x12CA0] =	vst v0  }
0x113: {  	s0 =	sadd.s32 @!p0 $0x4B0, s1;
	s9 =	simm.s32 @!p0 $0x80;
	s11 =	simm.s32 @!p0 $0xC800;
	[tilespmem:s31+$0x12CB0] =	vst v1  }
0x114: {  	[tilespmem:s11], [sflag:$0x3] =	stream.indirect.gather @!p0 [hbm4b:s3+s9], $0x40, s0, s9, $0xb8;
	[tilespmem:$0x14C00] =	vst v63  }
0x115: {  	s0 =	sadd.s32 @!p0 $0x530, s1;
	s1 =	simm.s32 @!p0 $0x48;
	s9 =	simm.s32 @!p0 $0xE800  }
0x116: {  	[tilespmem:s9], [sflag:$0x3] =	stream.indirect.gather @!p0 [hbm4b:s3+s1], $0x40, s0, s1, $0xb8;
	[tilespmem:$0x14C00] =	vst v63  }
0x117: {  	_ =	swait.ge [sflag:s25], $0x3200  }
0x118: {  	[sflag:s25] =	ssyncset.done $0x0  }
0x119: {  	s31 =	simm.s32 $0xFA00;
	[sflag:s25] =	ssyncadd.s32 $0xFFFFCE00  }
0x11a: {  	v0 =	vld [tilespmem:s31+$0x1C0]  }
0x11b: {  	v1 =	vld [tilespmem:s31+$0x1D0]  }
0x11c: {  	v2 =	vld [tilespmem:s31+$0x180]  }
0x11d: {  	v3 =	vld [tilespmem:s31+$0x190]  }
0x11e: {  	v9 =	vld [tilespmem:s31+$0x140]  }
0x11f: {  	v12 =	vld [tilespmem:s31+$0x150]  }
0x120: {  	v7 =	vld [tilespmem:s31+$0x100]  }
0x121: {  	v8 =	vld [tilespmem:s31+$0x110]  }
0x122: {  	v5 =	vld [tilespmem:s31+$0xC0]  }
0x123: {  	v6 =	vld [tilespmem:s31+$0xD0]  }
0x124: {  	v4 =	vld [tilespmem:s31+$0x80]  }
0x125: {  	v10 =	vld [tilespmem:s31+$0x90]  }
0x126: {  	v11 =	vld [tilespmem:s31+$0x40]  }
0x127: {  	v13 =	vld [tilespmem:s31+$0x50]  }
0x128: {  	v14 =	vld [tilespmem:s31+$0x0]  }
0x129: {  	v15 =	vld [tilespmem:s31+$0x10]  }
0x12a: {  	v16 =	vld [tilespmem:s31+$0x20]  }
0x12b: {  	v17 =	vld [tilespmem:s31+$0x30]  }
0x12c: {  	v18 =	vld [tilespmem:s31+$0x60]  }
0x12d: {  	v19 =	vld [tilespmem:s31+$0x70]  }
0x12e: {  	v20 =	vimm.f32 $0.0e+00;
	v21 =	vld [tilespmem:s31+$0xA0]  }
0x12f: {  	v22 =	vld [tilespmem:s31+$0xB0];
	v14 =	vadd.f32 v14, v20;
	v15 =	vadd.f32 v15, v20  }
0x130: {  	v59 =	vld [tilespmem:s31+$0xE0];
	v16 =	vadd.f32 v16, v20;
	v17 =	vadd.f32 v17, v20  }
0x131: {  	v11 =	vadd.f32 v11, v14;
	v13 =	vadd.f32 v13, v15;
	v14 =	vld [tilespmem:s31+$0xF0]  }
0x132: {  	v61 =	vld [tilespmem:s31+$0x120];
	v15 =	vadd.f32 v18, v16;
	v60 =	vadd.f32 v19, v17  }
0x133: {  	v11 =	vadd.f32 v4, v11;
	v10 =	vadd.f32 v10, v13;
	v13 =	vld [tilespmem:s31+$0x130]  }
0x134: {  	v15 =	vadd.f32 v21, v15;
	v16 =	vadd.f32 v22, v60;
	v4 =	vld [tilespmem:s31+$0x160]  }
0x135: {  	v11 =	vadd.f32 v5, v11;
	v10 =	vadd.f32 v6, v10;
	v6 =	vld [tilespmem:s31+$0x170]  }
0x136: {  	v15 =	vadd.f32 v59, v15;
	v5 =	vld [tilespmem:s31+$0x1A0];
	v14 =	vadd.f32 v14, v16  }
0x137: {  	v62 =	vadd.f32 v7, v11;
	v63 =	vadd.f32 v8, v10;
	v8 =	vld [tilespmem:s31+$0x1B0]  }
0x138: {  	v11 =	vadd.f32 v61, v15;
	v7 =	vld [tilespmem:s31+$0x1E0];
	v10 =	vadd.f32 v13, v14  }
0x139: {  	s0 =	simm.s32 $0x0;
	s1 =	simm.s32 $0xFC00;
	v13 =	vadd.f32 v9, v62;
	v12 =	vadd.f32 v12, v63;
	v9 =	vld [tilespmem:s31+$0x1F0]  }
.LBB2_9:
0x13a: {  	v14 =	vld [tilespmem:s1+$0x1C0];
	v4 =	vadd.f32 v4, v11;
	v6 =	vadd.f32 v6, v10  }
0x13b: {  	v10 =	vld [tilespmem:s1+$0x1D0];
	v11 =	vadd.f32 v2, v13;
	v12 =	vadd.f32 v3, v12  }
0x13c: {  	v2 =	vld [tilespmem:s1+$0x180];
	v4 =	vadd.f32 v5, v4;
	v5 =	vadd.f32 v8, v6  }
0x13d: {  	v3 =	vld [tilespmem:s1+$0x190];
	v6 =	vadd.f32 v0, v11;
	v8 =	vadd.f32 v1, v12  }
0x13e: {  	v12 =	vld [tilespmem:s1+$0x140];
	v4 =	vadd.f32 v7, v4;
	v5 =	vadd.f32 v9, v5  }
0x13f: {  	v9 =	vld [tilespmem:s1+$0x150];
	v0 =	vmov v14  }
0x140: {  	v7 =	vld [tilespmem:s1+$0x100];
	v1 =	vmov v10  }
0x141: {  	v10 =	vld [tilespmem:s1+$0x110]  }
0x142: {  	v11 =	vld [tilespmem:s1+$0xC0]  }
0x143: {  	v13 =	vld [tilespmem:s1+$0xD0]  }
0x144: {  	v14 =	vld [tilespmem:s1+$0x80]  }
0x145: {  	v15 =	vld [tilespmem:s1+$0x90]  }
0x146: {  	v16 =	vld [tilespmem:s1+$0x40]  }
0x147: {  	v17 =	vld [tilespmem:s1+$0x50]  }
0x148: {  	v18 =	vld [tilespmem:s1+$0x0]  }
0x149: {  	v19 =	vld [tilespmem:s1+$0x10]  }
0x14a: {  	v20 =	vld [tilespmem:s1+$0x20]  }
0x14b: {  	s0 =	sadd.s32 $0x8, s0;
	v21 =	vld [tilespmem:s1+$0x30]  }
0x14c: {  	p0 =	slt.u32 s0, $0xC0;
	v22 =	vld [tilespmem:s1+$0x60]  }
0x14d: {  	v23 =	vld [tilespmem:s1+$0x70]  }
0x14e: {  	v24 =	vld [tilespmem:s1+$0xA0]  }
0x14f: {  	v6 =	vadd.f32 v18, v6;
	v8 =	vadd.f32 v19, v8;
	v18 =	vld [tilespmem:s1+$0xB0]  }
0x150: {  	v4 =	vadd.f32 v20, v4;
	v5 =	vadd.f32 v21, v5;
	v19 =	vld [tilespmem:s1+$0xE0]  }
0x151: {  	v6 =	vadd.f32 v16, v6;
	v8 =	vadd.f32 v17, v8;
	v16 =	vld [tilespmem:s1+$0xF0]  }
0x152: {  	v4 =	vadd.f32 v22, v4;
	v5 =	vadd.f32 v23, v5;
	v17 =	vld [tilespmem:s1+$0x120]  }
0x153: {  	v6 =	vadd.f32 v14, v6;
	v8 =	vadd.f32 v15, v8;
	v14 =	vld [tilespmem:s1+$0x130]  }
0x154: {  	v15 =	vadd.f32 v24, v4;
	v5 =	vadd.f32 v18, v5;
	v4 =	vld [tilespmem:s1+$0x160]  }
.Ltmp3:
0x155: {  	v11 =	vadd.f32 v11, v6;
	v8 =	vadd.f32 v13, v8;
	v6 =	vld [tilespmem:s1+$0x170];
	(pc) =	sbr.rel @p0 .LBB2_9-.Ltmp3, $4  }
0x156: {  	v13 =	vadd.f32 v19, v15;
	v15 =	vadd.f32 v16, v5;
	v5 =	vld [tilespmem:s1+$0x1A0]  }
0x157: {  	v16 =	vadd.f32 v7, v11;
	v18 =	vadd.f32 v10, v8;
	v8 =	vld [tilespmem:s1+$0x1B0]  }
0x158: {  	v11 =	vadd.f32 v17, v13;
	v10 =	vadd.f32 v14, v15;
	v7 =	vld [tilespmem:s1+$0x1E0]  }
0x159: {  	v13 =	vadd.f32 v12, v16;
	v12 =	vadd.f32 v9, v18;
	v9 =	vld [tilespmem:s1+$0x1F0];
	s1 =	sadd.s32 $0x200, s1  }
0x15a: {  	_ = 	snop  }
0x15b: {  	v4 =	vadd.f32 v4, v11;
	v2 =	vadd.f32 v2, v13  }
0x15c: {  	v6 =	vadd.f32 v6, v10;
	v3 =	vadd.f32 v3, v12  }
0x15d: {  	v4 =	vadd.f32 v5, v4;
	v0 =	vadd.f32 v0, v2  }
0x15e: {  	s29 =	sadd.s32 $0x1, s29;
	v60 =	vadd.f32 v8, v6;
	v1 =	vadd.f32 v1, v3  }
0x15f: {  	s0 =	sshll.u32 s30, $0x6;
	p0 =	sne.s32 s29, $0x20;
	v61 =	vadd.f32 v7, v4;
	v0 =	vmul.f32 $4.999999890e-03, v0  }
.Ltmp4:
0x160: {  	s0 =	sand.u32 $0x3FFFFFC0, s0;
	v2 =	vadd.f32 v9, v60;
	v1 =	vmul.f32 $4.999999890e-03, v1;
	(pc) =	sbr.rel @p0 .LBB2_2-.Ltmp4, $4  }
0x161: {  	v62 =	vmul.f32 $4.999999890e-03, v61;
	[tilespmem:s0+$0x12C00] =	vst v0  }
0x162: {  	v63 =	vmul.f32 $4.999999890e-03, v2;
	[tilespmem:s0+$0x12C10] =	vst v1  }
0x163: {  	[tilespmem:s0+$0x12C20] =	vst v62  }
0x164: {  	[tilespmem:s0+$0x12C30] =	vst v63  }
0x165: {  	s28 =	sadd.s32 $0x1, s28  }
0x166: {  	p0 =	sne.s32 s28, s6  }
.Ltmp5:
0x167: {  	_ = 	snop;
	(pc) =	sbr.rel @p0 .LBB2_1-.Ltmp5, $4  }
0x168: {  	[hbm4b:s5+s2] =	stream.linear.scatter [tilespmem:s26], [sflag:$0x5], $0x2000, $0x38;
	[tilespmem:$0x14C00] =	vst v63  }
0x169: {  	_ =	swait.ge [sflag:s7], $0x2000  }
0x16a: {  	[sflag:s7] =	ssyncset.done $0x0  }
0x16b: {  	[sflag:s7] =	ssyncadd.s32 $0xFFFFE000  }
0x16c: {  	_ =	sfence.sel $0x180000  }
0x16d: {  	[bflag:$0x0] =	sbarrier.arrive $0xFFFF  }
0x16e: {  	_ =	strace $0x9000004A  }
0x16f: {  	s0 =	stileid.u32;
	[bflag:$0x2] =	sbarrier.arrive $0xFFFF  }
0x170: {  	p0 =	sne.s32 s0, $0x0;
	s0 =	rddreg [dreg:$0x1]  }
0x171: {  	s0 =	sadd.s32 @!p0 $0x100000, s0  }
0x172: {  	[sflag:s0] =	ssyncadd.tile.s32 @!p0 $0x1;
	_ =	shalt  }
.Lfunc_end2:
_tile_overlayer_lowered:
.L_overlay_start_2:
0x173: {  	(tag) =	ssettag $0x2  }
0x174: {  	s0 =	rddreg [dreg:$0x0];
	s2 =	stileid.u32  }
0x175: {  	s1 =	rddreg [dreg:$0x1];
	p0 =	sne.s32 s2, $0x0  }
0x176: {  	s3 =	rddreg [dreg:$0x2];
	[bflag:$0x3] =	sbarrier.arrive $0xFFFF;
	s2 =	simm.s32 @!p0 $0x1C05  }
0x177: {  	[timem:s3], [sflag:s2] =	dma.local @!p0 [hbm:s0], s1  }
0x178: {  	s0 =	simm.s32 @!p0 $0x5  }
0x179: {  	_ =	swait.ge @!p0 [sflag:s0], s1  }
0x17a: {  	s1 =	ssub.s32 @!p0 $0x0, s1;
	[sflag:s0] =	ssyncset.done @!p0 $0x0  }
0x17b: {  	[sflag:s0] =	ssyncadd.s32 @!p0 s1  }
0x17c: {  	[bflag:$0x3] =	sbarrier.arrive $0xFFFF  }
0x17d: {  	_ =	shalt  }

</sc_bundles>
